<compile_context>
chip_gen: v7x
topology: tpu7x:2x2x1
jax: 0.10.2.dev20260603
libtpu: 0.0.44.dev20260713+nightly
codegen_flags: <defaults>
</compile_context>

<pallas_src>
import jax
import jax.numpy as jnp
from jax import lax
from jax.experimental import pallas as pl
from jax.experimental.pallas import tpu as pltpu
from jax.experimental.pallas import tpu_sc as plsc

N_ID = 20000
NP = 20480
E = 200000
EP = 200704
TIME = 32
MSG = 16
HEADS = 2
HD = 64

NC, NS = 2, 16
NW = NC * NS
L = 16

NHALF = NP // NC
NDEN = NHALF // 64
DUMP = NHALF + NDEN
ACCR = 10752

_f32 = jnp.float32


def _proj_body(mem_ref, pos_ref, lu_ref, wq_ref, wk_ref, wv_ref, ws_ref,
               q_ref, kv_ref, s_ref):
    z = jnp.concatenate([mem_ref[...], pos_ref[...]], axis=1)
    q_ref[...] = jnp.dot(z, wq_ref[...], preferred_element_type=_f32)
    kproj = jnp.dot(z, wk_ref[...], preferred_element_type=_f32)
    vproj = jnp.dot(z, wv_ref[...], preferred_element_type=_f32)
    kv_ref[...] = jnp.concatenate(
        [kproj, vproj, lu_ref[...], jnp.zeros((kproj.shape[0], 127), _f32)],
        axis=1)
    s_ref[...] = jnp.dot(z, ws_ref[...], preferred_element_type=_f32)


def _run_proj(mem_p, pos_p, lu_p, Wq, Wk, Wv, Ws):
    bn = 512
    wspec = pl.BlockSpec((128, 128), lambda i: (0, 0))
    nspec = pl.BlockSpec((bn, 128), lambda i: (i, 0))
    return pl.pallas_call(
        _proj_body,
        grid=(NP // bn,),
        in_specs=[
            pl.BlockSpec((bn, 64), lambda i: (i, 0)),
            pl.BlockSpec((bn, 64), lambda i: (i, 0)),
            pl.BlockSpec((bn, 1), lambda i: (i, 0)),
            wspec, wspec, wspec, wspec,
        ],
        out_specs=[nspec, pl.BlockSpec((bn, 384), lambda i: (i, 0)), nspec],
        out_shape=[
            jax.ShapeDtypeStruct((NP, 128), _f32),
            jax.ShapeDtypeStruct((NP, 384), _f32),
            jax.ShapeDtypeStruct((NP, 128), _f32),
        ],
    )(mem_p, pos_p, lu_p, Wq, Wk, Wv, Ws)


_G_CH = 128
_G_PER_W = EP // NW
_G_NCH = _G_PER_W // _G_CH


def _gather_body(q_hbm, kv_hbm, md_hbm, idx3, qd_out, kv_out, md_out,
                 ibuf, qbuf, kvbuf, mbuf, sem):
    c = lax.axis_index("c")
    s = lax.axis_index("s")
    wid = s * NC + c

    def chunk(i, carry):
        base = wid * _G_PER_W + i * _G_CH
        g = wid * _G_NCH + i
        pltpu.sync_copy(idx3.at[pl.ds(g * 3 * _G_CH, 3 * _G_CH)], ibuf)
        cq = pltpu.async_copy(q_hbm.at[ibuf.at[pl.ds(_G_CH, _G_CH)]], qbuf, sem)
        ck = pltpu.async_copy(kv_hbm.at[ibuf.at[pl.ds(0, _G_CH)]], kvbuf, sem)
        cm = pltpu.async_copy(md_hbm.at[ibuf.at[pl.ds(2 * _G_CH, _G_CH)]], mbuf, sem)
        cq.wait()
        ck.wait()
        cm.wait()
        pltpu.sync_copy(qbuf, qd_out.at[pl.ds(base, _G_CH)])
        pltpu.sync_copy(kvbuf, kv_out.at[pl.ds(base, _G_CH)])
        pltpu.sync_copy(mbuf, md_out.at[pl.ds(base, _G_CH)])
        return carry

    lax.fori_loop(0, _G_NCH, chunk, 0)


def _run_gather(q, kv, msgdt, src_p):
    mesh = plsc.VectorSubcoreMesh(core_axis_name="c", subcore_axis_name="s")
    f = pl.kernel(
        _gather_body,
        out_type=[
            jax.ShapeDtypeStruct((EP, 128), _f32),
            jax.ShapeDtypeStruct((EP, 384), _f32),
            jax.ShapeDtypeStruct((EP, 128), _f32),
        ],
        mesh=mesh,
        scratch_types=[
            pltpu.VMEM((3 * _G_CH,), jnp.int32),
            pltpu.VMEM((_G_CH, 128), _f32),
            pltpu.VMEM((_G_CH, 384), _f32),
            pltpu.VMEM((_G_CH, 128), _f32),
            pltpu.SemaphoreType.DMA,
        ],
    )
    return f(q, kv, msgdt, src_p)


_E_BN = 1024
_E_GRID = EP // _E_BN


def _edge_body(qd_ref, kv_ref, md_ref, dst_ref, eid_ref,
               tw_ref, tb_ref, we_ref, con_ref, den_ref):
    pid = pl.program_id(0)
    grp = eid_ref[...] & 3
    md32 = (jnp.where(grp == 0, md_ref[:, 0:32], 0.0)
            + jnp.where(grp == 1, md_ref[:, 32:64], 0.0)
            + jnp.where(grp == 2, md_ref[:, 64:96], 0.0)
            + jnp.where(grp == 3, md_ref[:, 96:128], 0.0))
    rel = kv_ref[:, 256:257] - md32[:, 16:17]
    ang = rel * tw_ref[...] + tb_ref[...]
    eattr = jnp.concatenate([jnp.cos(ang), md32[:, :16]], axis=1)
    ep = jnp.dot(eattr, we_ref[...], preferred_element_type=_f32)
    ke = kv_ref[:, :128] + ep
    ve = kv_ref[:, 128:256] + ep
    qk = qd_ref[...] * ke
    a0 = jnp.sum(qk[:, :HD], axis=1, keepdims=True) * (1.0 / 8.0)
    a1 = jnp.sum(qk[:, HD:], axis=1, keepdims=True) * (1.0 / 8.0)
    gid = pid * _E_BN + lax.broadcasted_iota(jnp.int32, (_E_BN, 1), 0)
    valid = gid < E
    p0 = jnp.where(valid, jnp.exp(a0), 0.0)
    p1 = jnp.where(valid, jnp.exp(a1), 0.0)
    con_ref[...] = jnp.concatenate([ve[:, :HD] * p0, ve[:, HD:] * p1], axis=1)
    col0 = 2 * (dst_ref[...] % 64)
    la = lax.broadcasted_iota(jnp.int32, (_E_BN, 128), 1)
    dc = (jnp.where(la == col0, p0, 0.0)
          + jnp.where(la == col0 + 1, p1, 0.0))
    mrow = lax.broadcasted_iota(jnp.int32, (_E_BN, NP // 64), 1)
    S = (mrow == jnp.right_shift(dst_ref[...], 6)).astype(_f32)
    den_ref[...] = lax.dot_general(S, dc, (((0,), (0,)), ((), ())),
                                   preferred_element_type=_f32)


def _run_edge(qd, kv, md, dst2, eid2, time_w, time_b, We):
    espec = pl.BlockSpec((_E_BN, 128), lambda i: (i, 0))
    ispec = pl.BlockSpec((_E_BN, 1), lambda i: (i, 0))
    return pl.pallas_call(
        _edge_body,
        grid=(_E_GRID,),
        in_specs=[
            espec, pl.BlockSpec((_E_BN, 384), lambda i: (i, 0)),
            espec, ispec, ispec,
            pl.BlockSpec((1, TIME), lambda i: (0, 0)),
            pl.BlockSpec((1, TIME), lambda i: (0, 0)),
            pl.BlockSpec((TIME + MSG, 128), lambda i: (0, 0)),
        ],
        out_specs=[espec, pl.BlockSpec((NP // 64, 128), lambda i: (i, 0))],
        out_shape=[
            jax.ShapeDtypeStruct((EP, 128), _f32),
            jax.ShapeDtypeStruct((_E_GRID * (NP // 64), 128), _f32),
        ],
    )(qd, kv, md, dst2, eid2, time_w, time_b, We)


_S_CH = 128
_S_PER_W = EP // NS
_S_NCH = _S_PER_W // _S_CH
_D_CH = 96
_D_PER_W = ACCR // NS
_DA_ROWS = (EP // 1024) * (NP // 64)
_DA_PER_W = _DA_ROWS // NS
_DA_CH = 112
_DA_NCH = _DA_PER_W // _DA_CH


def _scatter_body(con_hbm, denc_hbm, dsti, zrows, out_hbm,
                  didx, nidx, pidx, cbuf, dbuf, acc_sp):
    c = lax.axis_index("c")
    s = lax.axis_index("s")
    lo = c * NHALF

    pltpu.sync_copy(zrows, dbuf)
    for j in range(_D_PER_W // _D_CH):
        pltpu.sync_copy(dbuf, acc_sp.at[pl.ds(s * _D_PER_W + j * _D_CH, _D_CH)])
    plsc.subcore_barrier()

    def chunk(i, carry):
        base = s * _S_PER_W + i * _S_CH
        pltpu.sync_copy(dsti.at[pl.ds(base, _S_CH)], didx)
        for j in range(_S_CH // L):
            dvec = didx[pl.ds(j * L, L)]
            local = dvec - lo
            owned = (local >= 0) & (local < NHALF)
            nidx[pl.ds(j * L, L)] = jnp.where(owned, local, DUMP)
        pltpu.sync_copy(con_hbm.at[pl.ds(base, _S_CH)], cbuf)
        pltpu.sync_copy(cbuf, acc_sp.at[nidx], add=True)
        return carry

    lax.fori_loop(0, _S_NCH, chunk, 0)

    def dchunk2(i, carry):
        base = s * _DA_PER_W + i * _DA_CH
        for j in range(_DA_CH // L):
            r = base + j * L + lax.iota(jnp.int32, L)
            m = r % (NP // 64)
            t = m - c * NDEN
            owned = (t >= 0) & (t < NDEN)
            pidx[pl.ds(j * L, L)] = jnp.where(owned, NHALF + t, DUMP)
        pltpu.sync_copy(denc_hbm.at[pl.ds(base, _DA_CH)], cbuf.at[pl.ds(0, _DA_CH)])
        pltpu.sync_copy(cbuf.at[pl.ds(0, _DA_CH)], acc_sp.at[pidx], add=True)
        return carry

    lax.fori_loop(0, _DA_NCH, dchunk2, 0)
    plsc.subcore_barrier()

    for j in range(_D_PER_W // _D_CH):
        r0 = s * _D_PER_W + j * _D_CH
        pltpu.sync_copy(acc_sp.at[pl.ds(r0, _D_CH)], dbuf)
        pltpu.sync_copy(dbuf, out_hbm.at[c, pl.ds(r0, _D_CH)])


def _run_scatter(contrib, den_c, dst_p, zrows):
    mesh = plsc.VectorSubcoreMesh(core_axis_name="c", subcore_axis_name="s")
    f = pl.kernel(
        _scatter_body,
        out_type=jax.ShapeDtypeStruct((NC, ACCR, 128), _f32),
        mesh=mesh,
        scratch_types=[
            pltpu.VMEM((_S_CH,), jnp.int32),
            pltpu.VMEM((_S_CH,), jnp.int32),
            pltpu.VMEM((_DA_CH,), jnp.int32),
            pltpu.VMEM((_S_CH, 128), _f32),
            pltpu.VMEM((_D_CH, 128), _f32),
            pltpu.VMEM_SHARED((ACCR, 128), _f32),
        ],
    )
    return f(contrib, den_c, dst_p, zrows)


_F_BN = 512
_F_PB = NHALF // _F_BN


def _final_body(acc_ref, den_ref, zws_ref, mw_ref, mb_ref, h_ref):
    num = acc_ref[0]
    dpk = den_ref[0]
    ri = lax.broadcasted_iota(jnp.int32, (_F_BN, 8), 0)
    ci = lax.broadcasted_iota(jnp.int32, (_F_BN, 8), 1)
    P = (jnp.right_shift(ri, 6) == ci).astype(_f32)
    dexp = jnp.dot(P, dpk, preferred_element_type=_f32)
    la = lax.broadcasted_iota(jnp.int32, (_F_BN, 128), 1)
    sl = 2 * (lax.broadcasted_iota(jnp.int32, (_F_BN, 128), 0) % 64)
    d0 = jnp.sum(jnp.where(la == sl, dexp, 0.0), axis=1, keepdims=True)
    d1 = jnp.sum(jnp.where(la == sl + 1, dexp, 0.0), axis=1, keepdims=True)
    agg = jnp.concatenate([num[:, :HD] / (d0 + 1e-16),
                           num[:, HD:] / (d1 + 1e-16)], axis=1)
    outv = agg + zws_ref[...]
    hmlp = jnp.dot(outv, mw_ref[...], preferred_element_type=_f32) + mb_ref[...]
    h_ref[...] = jnp.concatenate([hmlp, jnp.zeros((_F_BN, 64), _f32)], axis=1)


def _run_final(acc, zws, mlp_W, mlp_b):
    return pl.pallas_call(
        _final_body,
        grid=(NP // _F_BN,),
        in_specs=[
            pl.BlockSpec((1, _F_BN, 128), lambda i: (i // _F_PB, i % _F_PB, 0)),
            pl.BlockSpec((1, 8, 128),
                         lambda i: (i // _F_PB, NHALF // 8 + (i % _F_PB), 0)),
            pl.BlockSpec((_F_BN, 128), lambda i: (i, 0)),
            pl.BlockSpec((128, 64), lambda i: (0, 0)),
            pl.BlockSpec((1, 64), lambda i: (0, 0)),
        ],
        out_specs=pl.BlockSpec((_F_BN, 128), lambda i: (i, 0)),
        out_shape=jax.ShapeDtypeStruct((NP, 128), _f32),
    )(acc, acc, zws, mlp_W, mlp_b)


_H_CH = 96


def _hgather_body(h_hbm, idxi, out_hbm, iidx, rbuf, sem):
    c = lax.axis_index("c")
    s = lax.axis_index("s")
    base = (s * NC + c) * _H_CH
    pltpu.sync_copy(idxi.at[pl.ds(base, _H_CH)], iidx)
    pltpu.async_copy(h_hbm.at[iidx], rbuf, sem).wait()
    pltpu.sync_copy(rbuf, out_hbm.at[pl.ds(base, _H_CH)])


def _run_hgather(h, idx_all):
    mesh = plsc.VectorSubcoreMesh(core_axis_name="c", subcore_axis_name="s")
    f = pl.kernel(
        _hgather_body,
        out_type=jax.ShapeDtypeStruct((NW * _H_CH, 128), _f32),
        mesh=mesh,
        scratch_types=[
            pltpu.VMEM((_H_CH,), jnp.int32),
            pltpu.VMEM((_H_CH, 128), _f32),
            pltpu.SemaphoreType.DMA,
        ],
    )
    return f(h, idx_all)


def _lp_body(zs_ref, zd_ref, zn_ref, w1_ref, b1_ref, w2_ref, b2_ref,
             wf_ref, bf_ref, pos_ref, neg_ref):
    a = jnp.dot(zs_ref[...], w1_ref[...], preferred_element_type=_f32) + b1_ref[...]
    hd = jnp.dot(zd_ref[...], w2_ref[...], preferred_element_type=_f32) + b2_ref[...]
    hn = jnp.dot(zn_ref[...], w2_ref[...], preferred_element_type=_f32) + b2_ref[...]
    hp = jnp.maximum(a + hd, 0.0)
    hq = jnp.maximum(a + hn, 0.0)
    pos_ref[...] = jnp.sum(hp * wf_ref[...], axis=1, keepdims=True) + bf_ref[...]
    neg_ref[...] = jnp.sum(hq * wf_ref[...], axis=1, keepdims=True) + bf_ref[...]


def _run_lp(zs, zd, zn, lp_src_W, lp_src_b, lp_dst_W, lp_dst_b,
            lp_fin_W, lp_fin_b):
    bsz = zs.shape[0]
    full = lambda a, b: pl.BlockSpec((a, b), lambda: (0, 0))
    return pl.pallas_call(
        _lp_body,
        in_specs=[
            full(bsz, 64), full(bsz, 64), full(bsz, 64),
            full(64, 64), full(1, 64), full(64, 64), full(1, 64),
            full(1, 64), full(1, 1),
        ],
        out_specs=[full(bsz, 1), full(bsz, 1)],
        out_shape=[
            jax.ShapeDtypeStruct((bsz, 1), _f32),
            jax.ShapeDtypeStruct((bsz, 1), _f32),
        ],
    )(zs, zd, zn, lp_src_W, lp_src_b, lp_dst_W, lp_dst_b, lp_fin_W, lp_fin_b)


def kernel(src, dst, neg_dst, n_id, t, msg, edge_index, e_id, data_t, data_msg,
           memory, pos_table, last_update_tbl, time_w, time_b,
           Wq, Wk, Wv, We, Ws, mlp_W, mlp_b,
           lp_src_W, lp_src_b, lp_dst_W, lp_dst_b, lp_fin_W, lp_fin_b):
    del n_id, t, msg

    i32 = jnp.int32
    pad_e = EP - E
    src_p = jnp.pad(edge_index[0].astype(i32), (0, pad_e))
    dst_p = jnp.pad(edge_index[1].astype(i32), (0, pad_e))
    eid_p = jnp.pad(e_id.astype(i32), (0, pad_e))

    pad_n = NP - N_ID
    mem_p = jnp.pad(memory[:N_ID], ((0, pad_n), (0, 0)))
    pos_p = jnp.pad(pos_table[:N_ID], ((0, pad_n), (0, 0)))
    lu_p = jnp.pad(last_update_tbl[:N_ID].astype(_f32)[:, None],
                   ((0, pad_n), (0, 0)))

    nev = data_t.shape[0]
    msgdt = jnp.concatenate(
        [data_msg, data_t.astype(_f32)[:, None],
         jnp.zeros((nev, 15), _f32)], axis=1).reshape(nev // 4, 128)

    q, kv, zws = _run_proj(mem_p, pos_p, lu_p, Wq, Wk, Wv, Ws)
    idx3 = jnp.concatenate(
        [src_p.reshape(-1, _G_CH), dst_p.reshape(-1, _G_CH),
         jnp.right_shift(eid_p, 2).reshape(-1, _G_CH)], axis=1).reshape(-1)
    qd, kvg, md = _run_gather(q, kv, msgdt, idx3)
    contrib, den_c = _run_edge(qd, kvg, md,
                               dst_p.reshape(EP, 1), eid_p.reshape(EP, 1),
                               time_w.reshape(1, TIME),
                               time_b.reshape(1, TIME), We)
    zrows = jnp.zeros((_D_CH, 128), _f32)
    acc = _run_scatter(contrib, den_c, dst_p, zrows)
    h = _run_final(acc, zws, mlp_W, mlp_b.reshape(1, 64))
    idx_all = jnp.concatenate([src, dst, neg_dst]).astype(i32)
    g = _run_hgather(h, idx_all)
    zs, zd, zn = g[:1024, :64], g[1024:2048, :64], g[2048:, :64]
    pos_out, neg_out = _run_lp(zs, zd, zn, lp_src_W, lp_src_b.reshape(1, 64),
                               lp_dst_W, lp_dst_b.reshape(1, 64),
                               lp_fin_W.reshape(1, 64), lp_fin_b.reshape(1, 1))
    return (pos_out, neg_out)

# --- scband reference (transcript-rebuilt; emitter-appended) ---
"""Pipeline reference for scband-ptgnn-76467597738365 (READ-ONLY COPY).

The authoritative reference and input builder live on the scoring server;
editing this copy changes nothing except your own understanding.
"""

import jax, jax.numpy as jnp
import numpy as np

NUM_NODES = 100000
N_ID = 20000
E = 200000
B = 1024
NUM_EVENTS = 500000
MEM = 64
POS = 64
TIME = 32
MSG = 16
EMB = 128
HEADS = 2
HD = 64
HID = 64


def _glorot(k, shape, fan_in):
    return jax.random.normal(k, shape, dtype=jnp.float32) * (1.0 / np.sqrt(fan_in))


def setup_inputs(seed: int = 0):
    key = jax.random.key(seed)
    ks = jax.random.split(key, 32)
    inp = {}
    inp["src"] = jax.random.randint(ks[0], (B,), 0, N_ID)
    inp["dst"] = jax.random.randint(ks[1], (B,), 0, N_ID)
    inp["neg_dst"] = jax.random.randint(ks[2], (B,), 0, N_ID)
    inp["n_id"] = jnp.arange(N_ID)
    inp["t"] = jax.random.randint(ks[3], (B,), 0, 1000000)
    inp["msg"] = jax.random.normal(ks[4], (B, MSG), dtype=jnp.float32)
    inp["edge_index"] = jax.random.randint(ks[5], (2, E), 0, N_ID)
    inp["e_id"] = jax.random.randint(ks[6], (E,), 0, NUM_EVENTS)
    inp["data_t"] = jax.random.randint(ks[7], (NUM_EVENTS,), 0, 1000000)
    inp["data_msg"] = jax.random.normal(ks[8], (NUM_EVENTS, MSG), dtype=jnp.float32)
    inp["memory"] = _glorot(ks[9], (NUM_NODES, MEM), MEM)
    inp["pos_table"] = _glorot(ks[10], (NUM_NODES, POS), POS)
    inp["last_update_tbl"] = jax.random.randint(ks[11], (NUM_NODES,), 0, 1000000)
    inp["time_w"] = _glorot(ks[12], (1, TIME), 1)
    inp["time_b"] = jnp.zeros((TIME,), dtype=jnp.float32)
    inp["Wq"] = _glorot(ks[13], (2 * MEM, HEADS * HD), 2 * MEM)
    inp["Wk"] = _glorot(ks[14], (2 * MEM, HEADS * HD), 2 * MEM)
    inp["Wv"] = _glorot(ks[15], (2 * MEM, HEADS * HD), 2 * MEM)
    inp["We"] = _glorot(ks[16], (TIME + MSG, HEADS * HD), TIME + MSG)
    inp["Ws"] = _glorot(ks[17], (2 * MEM, HEADS * HD), 2 * MEM)
    inp["mlp_W"] = _glorot(ks[18], (EMB, HID), EMB)
    inp["mlp_b"] = jnp.zeros((HID,), dtype=jnp.float32)
    inp["lp_src_W"] = _glorot(ks[19], (HID, HID), HID)
    inp["lp_src_b"] = jnp.zeros((HID,), dtype=jnp.float32)
    inp["lp_dst_W"] = _glorot(ks[20], (HID, HID), HID)
    inp["lp_dst_b"] = jnp.zeros((HID,), dtype=jnp.float32)
    inp["lp_fin_W"] = _glorot(ks[21], (HID, 1), HID)
    inp["lp_fin_b"] = jnp.zeros((1,), dtype=jnp.float32)
    return inp


def _segment_softmax(scores, seg, num_segments):
    m = jax.ops.segment_max(scores, seg, num_segments=num_segments)
    m = jnp.where(jnp.isfinite(m), m, 0.0)
    e = jnp.exp(scores - m[seg])
    s = jax.ops.segment_sum(e, seg, num_segments=num_segments)
    return e / (s[seg] + 1e-16)


def reference(src, dst, neg_dst, n_id, t, msg, edge_index, e_id, data_t, data_msg,
              memory, pos_table, last_update_tbl, time_w, time_b,
              Wq, Wk, Wv, We, Ws, mlp_W, mlp_b,
              lp_src_W, lp_src_b, lp_dst_W, lp_dst_b, lp_fin_W, lp_fin_b):
    # assoc scatter: global node id -> local index
    assoc = jnp.zeros((NUM_NODES,), dtype=jnp.int32).at[n_id].set(jnp.arange(N_ID, dtype=jnp.int32))
    # memory module: gather memory state, position embedding, last update time
    z_mem = jnp.take(memory, n_id, axis=0)
    pos_z = jnp.take(pos_table, n_id, axis=0)
    last_up = jnp.take(last_update_tbl, n_id, axis=0)
    z = jnp.concatenate([z_mem, pos_z], axis=-1)
    # GraphAttentionEmbedding (TransformerConv with time+msg edge features)
    src_e = edge_index[0]
    dst_e = edge_index[1]
    rel_t = (jnp.take(last_up, src_e, axis=0) - jnp.take(data_t, e_id, axis=0)).astype(jnp.float32)
    rel_enc = jnp.cos(rel_t[:, None] @ time_w + time_b)
    edge_attr = jnp.concatenate([rel_enc, jnp.take(data_msg, e_id, axis=0)], axis=-1)
    q = (z @ Wq).reshape(N_ID, HEADS, HD)
    k = (z @ Wk).reshape(N_ID, HEADS, HD)
    v = (z @ Wv).reshape(N_ID, HEADS, HD)
    e_proj = (edge_attr @ We).reshape(E, HEADS, HD)
    k_e = jnp.take(k, src_e, axis=0) + e_proj
    v_e = jnp.take(v, src_e, axis=0) + e_proj
    alpha = jnp.sum(jnp.take(q, dst_e, axis=0) * k_e, axis=-1) / np.sqrt(HD)
    alpha = _segment_softmax(alpha, dst_e, N_ID)
    agg = jax.ops.segment_sum(v_e * alpha[..., None], dst_e, num_segments=N_ID).reshape(N_ID, HEADS * HD)
    out = agg + z @ Ws
    # MLP (PyG MLP with plain_last=True and a single layer -> plain Linear)
    h = out @ mlp_W + mlp_b
    z_src = jnp.take(h, jnp.take(assoc, src, axis=0), axis=0)
    z_dst = jnp.take(h, jnp.take(assoc, dst, axis=0), axis=0)
    z_neg = jnp.take(h, jnp.take(assoc, neg_dst, axis=0), axis=0)

    def link_pred(a, b):
        hh = jax.nn.relu(a @ lp_src_W + lp_src_b + b @ lp_dst_W + lp_dst_b)
        return hh @ lp_fin_W + lp_fin_b

    pos_out = link_pred(z_src, z_dst)
    neg_out = link_pred(z_src, z_neg)
    return (pos_out, neg_out)

if __name__ == "__main__":
    import jax
    _d = setup_inputs()
    print(jax.jit(kernel)(*tuple(_d.values())))

</pallas_src>

<mosaic_0001>
#map = affine_map<(d0, d1) -> (0, 0)>
#map1 = affine_map<(d0, d1) -> (0)>
#map2 = affine_map<(d0, d1) -> (0, 0, 0)>
module attributes {stable_mosaic.version = 14 : i64} {
  func.func @_scatter_body(%arg0: i32, %arg1: i32, %arg2: memref<200704x128xf32, #tpu.memory_space<hbm>>, %arg3: memref<62720x128xf32, #tpu.memory_space<hbm>>, %arg4: memref<200704xi32, #tpu.memory_space<hbm>>, %arg5: memref<96x128xf32, #tpu.memory_space<hbm>>, %arg6: memref<2x10752x128xf32, #tpu.memory_space<hbm>>, %arg7: memref<128xi32, #tpu.memory_space<vmem>>, %arg8: memref<128xi32, #tpu.memory_space<vmem>>, %arg9: memref<112xi32, #tpu.memory_space<vmem>>, %arg10: memref<128x128xf32, #tpu.memory_space<vmem>>, %arg11: memref<96x128xf32, #tpu.memory_space<vmem>>, %arg12: memref<10752x128xf32, #tpu.memory_space<vmem_shared>>) attributes {dimension_semantics = [#tpu.dimension_semantics<core_parallel>, #tpu.dimension_semantics<subcore_parallel>], iteration_bounds = array<i64: 2, 16>, scalar_prefetch = 0 : i64, scratch_operands = 6 : i64, tpu.core_type = #tpu.core_type<sc_vector_subcore>, window_params = [{transform_indices = #map}, {transform_indices = #map}, {transform_indices = #map1}, {transform_indices = #map}, {transform_indices = #map2}]} {
    %mul3A = arith.constant 10240 : i32
    %mul3A_0 = arith.muli %arg0, %mul3A : i32
    "tpu.region"() ({
      %run_scoped3A = tpu.sem_alloc : memref<!tpu.dma_semaphore, #tpu.memory_space<semaphore_mem>>
      tpu.enqueue_dma source(%arg5 : memref<96x128xf32, #tpu.memory_space<hbm>>) target(%arg11 : memref<96x128xf32, #tpu.memory_space<vmem>>) target_semaphore(%run_scoped3A : memref<!tpu.dma_semaphore, #tpu.memory_space<semaphore_mem>>)
      tpu.wait_dma2 semaphore(%run_scoped3A : memref<!tpu.dma_semaphore, #tpu.memory_space<semaphore_mem>>) src(%arg5 : memref<96x128xf32, #tpu.memory_space<hbm>>) dst(%arg11 : memref<96x128xf32, #tpu.memory_space<vmem>>)
      tpu.yield
    }) : () -> ()
    %mul3A_1 = arith.constant 672 : i32
    %mul3A_2 = arith.muli %arg1, %mul3A_1 : i32
    %add3A = arith.constant 0 : i32
    %add3A_3 = arith.addi %mul3A_2, %add3A : i32
    "tpu.region"() ({
      %run_scoped3A = tpu.sem_alloc : memref<!tpu.dma_semaphore, #tpu.memory_space<semaphore_mem>>
      %dma_start3A = arith.constant 0 : i32
      %dma_start3A_68 = tpu.memref_slice %arg12[%add3A_3, %dma_start3A] : memref<10752x128xf32, #tpu.memory_space<vmem_shared>> -> memref<96x128xf32, #tpu.memory_space<vmem_shared>>
      %dma_start3A_69 = arith.constant 0 : i32
      %dma_start3A_70 = tpu.memref_slice %arg12[%add3A_3, %dma_start3A_69] : memref<10752x128xf32, #tpu.memory_space<vmem_shared>> -> memref<96x128xf32, #tpu.memory_space<vmem_shared>>
      tpu.enqueue_dma source(%arg11 : memref<96x128xf32, #tpu.memory_space<vmem>>) target(%dma_start3A_70 : memref<96x128xf32, #tpu.memory_space<vmem_shared>>) target_semaphore(%run_scoped3A : memref<!tpu.dma_semaphore, #tpu.memory_space<semaphore_mem>>)
      %dma_wait3A = arith.constant 0 : i32
      %dma_wait3A_71 = tpu.memref_slice %arg12[%add3A_3, %dma_wait3A] : memref<10752x128xf32, #tpu.memory_space<vmem_shared>> -> memref<96x128xf32, #tpu.memory_space<vmem_shared>>
      %dma_wait3A_72 = arith.constant 0 : i32
      %dma_wait3A_73 = tpu.memref_slice %arg12[%add3A_3, %dma_wait3A_72] : memref<10752x128xf32, #tpu.memory_space<vmem_shared>> -> memref<96x128xf32, #tpu.memory_space<vmem_shared>>
      tpu.wait_dma2 semaphore(%run_scoped3A : memref<!tpu.dma_semaphore, #tpu.memory_space<semaphore_mem>>) src(%arg11 : memref<96x128xf32, #tpu.memory_space<vmem>>) dst(%dma_wait3A_73 : memref<96x128xf32, #tpu.memory_space<vmem_shared>>)
      tpu.yield
    }) : () -> ()
    %mul3A_4 = arith.constant 672 : i32
    %mul3A_5 = arith.muli %arg1, %mul3A_4 : i32
    %add3A_6 = arith.constant 96 : i32
    %add3A_7 = arith.addi %mul3A_5, %add3A_6 : i32
    "tpu.region"() ({
      %run_scoped3A = tpu.sem_alloc : memref<!tpu.dma_semaphore, #tpu.memory_space<semaphore_mem>>
      %dma_start3A = arith.constant 0 : i32
      %dma_start3A_68 = tpu.memref_slice %arg12[%add3A_7, %dma_start3A] : memref<10752x128xf32, #tpu.memory_space<vmem_shared>> -> memref<96x128xf32, #tpu.memory_space<vmem_shared>>
      %dma_start3A_69 = arith.constant 0 : i32
      %dma_start3A_70 = tpu.memref_slice %arg12[%add3A_7, %dma_start3A_69] : memref<10752x128xf32, #tpu.memory_space<vmem_shared>> -> memref<96x128xf32, #tpu.memory_space<vmem_shared>>
      tpu.enqueue_dma source(%arg11 : memref<96x128xf32, #tpu.memory_space<vmem>>) target(%dma_start3A_70 : memref<96x128xf32, #tpu.memory_space<vmem_shared>>) target_semaphore(%run_scoped3A : memref<!tpu.dma_semaphore, #tpu.memory_space<semaphore_mem>>)
      %dma_wait3A = arith.constant 0 : i32
      %dma_wait3A_71 = tpu.memref_slice %arg12[%add3A_7, %dma_wait3A] : memref<10752x128xf32, #tpu.memory_space<vmem_shared>> -> memref<96x128xf32, #tpu.memory_space<vmem_shared>>
      %dma_wait3A_72 = arith.constant 0 : i32
      %dma_wait3A_73 = tpu.memref_slice %arg12[%add3A_7, %dma_wait3A_72] : memref<10752x128xf32, #tpu.memory_space<vmem_shared>> -> memref<96x128xf32, #tpu.memory_space<vmem_shared>>
      tpu.wait_dma2 semaphore(%run_scoped3A : memref<!tpu.dma_semaphore, #tpu.memory_space<semaphore_mem>>) src(%arg11 : memref<96x128xf32, #tpu.memory_space<vmem>>) dst(%dma_wait3A_73 : memref<96x128xf32, #tpu.memory_space<vmem_shared>>)
      tpu.yield
    }) : () -> ()
    %mul3A_8 = arith.constant 672 : i32
    %mul3A_9 = arith.muli %arg1, %mul3A_8 : i32
    %add3A_10 = arith.constant 192 : i32
    %add3A_11 = arith.addi %mul3A_9, %add3A_10 : i32
    "tpu.region"() ({
      %run_scoped3A = tpu.sem_alloc : memref<!tpu.dma_semaphore, #tpu.memory_space<semaphore_mem>>
      %dma_start3A = arith.constant 0 : i32
      %dma_start3A_68 = tpu.memref_slice %arg12[%add3A_11, %dma_start3A] : memref<10752x128xf32, #tpu.memory_space<vmem_shared>> -> memref<96x128xf32, #tpu.memory_space<vmem_shared>>
      %dma_start3A_69 = arith.constant 0 : i32
      %dma_start3A_70 = tpu.memref_slice %arg12[%add3A_11, %dma_start3A_69] : memref<10752x128xf32, #tpu.memory_space<vmem_shared>> -> memref<96x128xf32, #tpu.memory_space<vmem_shared>>
      tpu.enqueue_dma source(%arg11 : memref<96x128xf32, #tpu.memory_space<vmem>>) target(%dma_start3A_70 : memref<96x128xf32, #tpu.memory_space<vmem_shared>>) target_semaphore(%run_scoped3A : memref<!tpu.dma_semaphore, #tpu.memory_space<semaphore_mem>>)
      %dma_wait3A = arith.constant 0 : i32
      %dma_wait3A_71 = tpu.memref_slice %arg12[%add3A_11, %dma_wait3A] : memref<10752x128xf32, #tpu.memory_space<vmem_shared>> -> memref<96x128xf32, #tpu.memory_space<vmem_shared>>
      %dma_wait3A_72 = arith.constant 0 : i32
      %dma_wait3A_73 = tpu.memref_slice %arg12[%add3A_11, %dma_wait3A_72] : memref<10752x128xf32, #tpu.memory_space<vmem_shared>> -> memref<96x128xf32, #tpu.memory_space<vmem_shared>>
      tpu.wait_dma2 semaphore(%run_scoped3A : memref<!tpu.dma_semaphore, #tpu.memory_space<semaphore_mem>>) src(%arg11 : memref<96x128xf32, #tpu.memory_space<vmem>>) dst(%dma_wait3A_73 : memref<96x128xf32, #tpu.memory_space<vmem_shared>>)
      tpu.yield
    }) : () -> ()
    %mul3A_12 = arith.constant 672 : i32
    %mul3A_13 = arith.muli %arg1, %mul3A_12 : i32
    %add3A_14 = arith.constant 288 : i32
    %add3A_15 = arith.addi %mul3A_13, %add3A_14 : i32
    "tpu.region"() ({
      %run_scoped3A = tpu.sem_alloc : memref<!tpu.dma_semaphore, #tpu.memory_space<semaphore_mem>>
      %dma_start3A = arith.constant 0 : i32
      %dma_start3A_68 = tpu.memref_slice %arg12[%add3A_15, %dma_start3A] : memref<10752x128xf32, #tpu.memory_space<vmem_shared>> -> memref<96x128xf32, #tpu.memory_space<vmem_shared>>
      %dma_start3A_69 = arith.constant 0 : i32
      %dma_start3A_70 = tpu.memref_slice %arg12[%add3A_15, %dma_start3A_69] : memref<10752x128xf32, #tpu.memory_space<vmem_shared>> -> memref<96x128xf32, #tpu.memory_space<vmem_shared>>
      tpu.enqueue_dma source(%arg11 : memref<96x128xf32, #tpu.memory_space<vmem>>) target(%dma_start3A_70 : memref<96x128xf32, #tpu.memory_space<vmem_shared>>) target_semaphore(%run_scoped3A : memref<!tpu.dma_semaphore, #tpu.memory_space<semaphore_mem>>)
      %dma_wait3A = arith.constant 0 : i32
      %dma_wait3A_71 = tpu.memref_slice %arg12[%add3A_15, %dma_wait3A] : memref<10752x128xf32, #tpu.memory_space<vmem_shared>> -> memref<96x128xf32, #tpu.memory_space<vmem_shared>>
      %dma_wait3A_72 = arith.constant 0 : i32
      %dma_wait3A_73 = tpu.memref_slice %arg12[%add3A_15, %dma_wait3A_72] : memref<10752x128xf32, #tpu.memory_space<vmem_shared>> -> memref<96x128xf32, #tpu.memory_space<vmem_shared>>
      tpu.wait_dma2 semaphore(%run_scoped3A : memref<!tpu.dma_semaphore, #tpu.memory_space<semaphore_mem>>) src(%arg11 : memref<96x128xf32, #tpu.memory_space<vmem>>) dst(%dma_wait3A_73 : memref<96x128xf32, #tpu.memory_space<vmem_shared>>)
      tpu.yield
    }) : () -> ()
    %mul3A_16 = arith.constant 672 : i32
    %mul3A_17 = arith.muli %arg1, %mul3A_16 : i32
    %add3A_18 = arith.constant 384 : i32
    %add3A_19 = arith.addi %mul3A_17, %add3A_18 : i32
    "tpu.region"() ({
      %run_scoped3A = tpu.sem_alloc : memref<!tpu.dma_semaphore, #tpu.memory_space<semaphore_mem>>
      %dma_start3A = arith.constant 0 : i32
      %dma_start3A_68 = tpu.memref_slice %arg12[%add3A_19, %dma_start3A] : memref<10752x128xf32, #tpu.memory_space<vmem_shared>> -> memref<96x128xf32, #tpu.memory_space<vmem_shared>>
      %dma_start3A_69 = arith.constant 0 : i32
      %dma_start3A_70 = tpu.memref_slice %arg12[%add3A_19, %dma_start3A_69] : memref<10752x128xf32, #tpu.memory_space<vmem_shared>> -> memref<96x128xf32, #tpu.memory_space<vmem_shared>>
      tpu.enqueue_dma source(%arg11 : memref<96x128xf32, #tpu.memory_space<vmem>>) target(%dma_start3A_70 : memref<96x128xf32, #tpu.memory_space<vmem_shared>>) target_semaphore(%run_scoped3A : memref<!tpu.dma_semaphore, #tpu.memory_space<semaphore_mem>>)
      %dma_wait3A = arith.constant 0 : i32
      %dma_wait3A_71 = tpu.memref_slice %arg12[%add3A_19, %dma_wait3A] : memref<10752x128xf32, #tpu.memory_space<vmem_shared>> -> memref<96x128xf32, #tpu.memory_space<vmem_shared>>
      %dma_wait3A_72 = arith.constant 0 : i32
      %dma_wait3A_73 = tpu.memref_slice %arg12[%add3A_19, %dma_wait3A_72] : memref<10752x128xf32, #tpu.memory_space<vmem_shared>> -> memref<96x128xf32, #tpu.memory_space<vmem_shared>>
      tpu.wait_dma2 semaphore(%run_scoped3A : memref<!tpu.dma_semaphore, #tpu.memory_space<semaphore_mem>>) src(%arg11 : memref<96x128xf32, #tpu.memory_space<vmem>>) dst(%dma_wait3A_73 : memref<96x128xf32, #tpu.memory_space<vmem_shared>>)
      tpu.yield
    }) : () -> ()
    %mul3A_20 = arith.constant 672 : i32
    %mul3A_21 = arith.muli %arg1, %mul3A_20 : i32
    %add3A_22 = arith.constant 480 : i32
    %add3A_23 = arith.addi %mul3A_21, %add3A_22 : i32
    "tpu.region"() ({
      %run_scoped3A = tpu.sem_alloc : memref<!tpu.dma_semaphore, #tpu.memory_space<semaphore_mem>>
      %dma_start3A = arith.constant 0 : i32
      %dma_start3A_68 = tpu.memref_slice %arg12[%add3A_23, %dma_start3A] : memref<10752x128xf32, #tpu.memory_space<vmem_shared>> -> memref<96x128xf32, #tpu.memory_space<vmem_shared>>
      %dma_start3A_69 = arith.constant 0 : i32
      %dma_start3A_70 = tpu.memref_slice %arg12[%add3A_23, %dma_start3A_69] : memref<10752x128xf32, #tpu.memory_space<vmem_shared>> -> memref<96x128xf32, #tpu.memory_space<vmem_shared>>
      tpu.enqueue_dma source(%arg11 : memref<96x128xf32, #tpu.memory_space<vmem>>) target(%dma_start3A_70 : memref<96x128xf32, #tpu.memory_space<vmem_shared>>) target_semaphore(%run_scoped3A : memref<!tpu.dma_semaphore, #tpu.memory_space<semaphore_mem>>)
      %dma_wait3A = arith.constant 0 : i32
      %dma_wait3A_71 = tpu.memref_slice %arg12[%add3A_23, %dma_wait3A] : memref<10752x128xf32, #tpu.memory_space<vmem_shared>> -> memref<96x128xf32, #tpu.memory_space<vmem_shared>>
      %dma_wait3A_72 = arith.constant 0 : i32
      %dma_wait3A_73 = tpu.memref_slice %arg12[%add3A_23, %dma_wait3A_72] : memref<10752x128xf32, #tpu.memory_space<vmem_shared>> -> memref<96x128xf32, #tpu.memory_space<vmem_shared>>
      tpu.wait_dma2 semaphore(%run_scoped3A : memref<!tpu.dma_semaphore, #tpu.memory_space<semaphore_mem>>) src(%arg11 : memref<96x128xf32, #tpu.memory_space<vmem>>) dst(%dma_wait3A_73 : memref<96x128xf32, #tpu.memory_space<vmem_shared>>)
      tpu.yield
    }) : () -> ()
    %mul3A_24 = arith.constant 672 : i32
    %mul3A_25 = arith.muli %arg1, %mul3A_24 : i32
    %add3A_26 = arith.constant 576 : i32
    %add3A_27 = arith.addi %mul3A_25, %add3A_26 : i32
    "tpu.region"() ({
      %run_scoped3A = tpu.sem_alloc : memref<!tpu.dma_semaphore, #tpu.memory_space<semaphore_mem>>
      %dma_start3A = arith.constant 0 : i32
      %dma_start3A_68 = tpu.memref_slice %arg12[%add3A_27, %dma_start3A] : memref<10752x128xf32, #tpu.memory_space<vmem_shared>> -> memref<96x128xf32, #tpu.memory_space<vmem_shared>>
      %dma_start3A_69 = arith.constant 0 : i32
      %dma_start3A_70 = tpu.memref_slice %arg12[%add3A_27, %dma_start3A_69] : memref<10752x128xf32, #tpu.memory_space<vmem_shared>> -> memref<96x128xf32, #tpu.memory_space<vmem_shared>>
      tpu.enqueue_dma source(%arg11 : memref<96x128xf32, #tpu.memory_space<vmem>>) target(%dma_start3A_70 : memref<96x128xf32, #tpu.memory_space<vmem_shared>>) target_semaphore(%run_scoped3A : memref<!tpu.dma_semaphore, #tpu.memory_space<semaphore_mem>>)
      %dma_wait3A = arith.constant 0 : i32
      %dma_wait3A_71 = tpu.memref_slice %arg12[%add3A_27, %dma_wait3A] : memref<10752x128xf32, #tpu.memory_space<vmem_shared>> -> memref<96x128xf32, #tpu.memory_space<vmem_shared>>
      %dma_wait3A_72 = arith.constant 0 : i32
      %dma_wait3A_73 = tpu.memref_slice %arg12[%add3A_27, %dma_wait3A_72] : memref<10752x128xf32, #tpu.memory_space<vmem_shared>> -> memref<96x128xf32, #tpu.memory_space<vmem_shared>>
      tpu.wait_dma2 semaphore(%run_scoped3A : memref<!tpu.dma_semaphore, #tpu.memory_space<semaphore_mem>>) src(%arg11 : memref<96x128xf32, #tpu.memory_space<vmem>>) dst(%dma_wait3A_73 : memref<96x128xf32, #tpu.memory_space<vmem_shared>>)
      tpu.yield
    }) : () -> ()
    %barrier3A = arith.constant 0 : index
    tpu.barrier barrier_id(%barrier3A)
    %scan3A = arith.constant 0 : i32
    %scan3A_28 = arith.constant 0 : i32
    %scan3A_29 = arith.constant 98 : i32
    %scan3A_30 = arith.addi %scan3A_28, %scan3A_29 : i32
    %scan3A_31 = arith.constant 1 : i32
    scf.for %scan3A_68 = %scan3A_28 to %scan3A_30 step %scan3A_31  : i32 {
      %mul3A_69 = arith.constant 12544 : i32
      %mul3A_70 = arith.muli %arg1, %mul3A_69 : i32
      %mul3A_71 = arith.constant 128 : i32
      %mul3A_72 = arith.muli %scan3A_68, %mul3A_71 : i32
      %add3A_73 = arith.addi %mul3A_70, %mul3A_72 : i32
      "tpu.region"() ({
        %run_scoped3A = tpu.sem_alloc : memref<!tpu.dma_semaphore, #tpu.memory_space<semaphore_mem>>
        %dma_start3A = tpu.memref_slice %arg4[%add3A_73] : memref<200704xi32, #tpu.memory_space<hbm>> -> memref<128xi32, #tpu.memory_space<hbm>>
        %dma_start3A_217 = tpu.memref_slice %arg4[%add3A_73] : memref<200704xi32, #tpu.memory_space<hbm>> -> memref<128xi32, #tpu.memory_space<hbm>>
        tpu.enqueue_dma source(%dma_start3A_217 : memref<128xi32, #tpu.memory_space<hbm>>) target(%arg7 : memref<128xi32, #tpu.memory_space<vmem>>) target_semaphore(%run_scoped3A : memref<!tpu.dma_semaphore, #tpu.memory_space<semaphore_mem>>)
        %dma_wait3A = tpu.memref_slice %arg4[%add3A_73] : memref<200704xi32, #tpu.memory_space<hbm>> -> memref<128xi32, #tpu.memory_space<hbm>>
        %dma_wait3A_218 = tpu.memref_slice %arg4[%add3A_73] : memref<200704xi32, #tpu.memory_space<hbm>> -> memref<128xi32, #tpu.memory_space<hbm>>
        tpu.wait_dma2 semaphore(%run_scoped3A : memref<!tpu.dma_semaphore, #tpu.memory_space<semaphore_mem>>) src(%dma_wait3A_218 : memref<128xi32, #tpu.memory_space<hbm>>) dst(%arg7 : memref<128xi32, #tpu.memory_space<vmem>>)
        tpu.yield
      }) : () -> ()
      %get3A = arith.constant 0 : index
      %get3A_74 = tpu.vector_load %arg7[%get3A] {strides = array<i32>} : memref<128xi32, #tpu.memory_space<vmem>>, vector<16xi32>,
      %get3A_75 = vector.shape_cast %get3A_74 : vector<16xi32> to vector<16xi32>
      %sub3A = vector.broadcast %mul3A_0 : i32 to vector<16xi32>
      %sub3A_76 = arith.subi %get3A_75, %sub3A : vector<16xi32>
      %ge3A = arith.constant 0 : i32
      %ge3A_77 = vector.broadcast %ge3A : i32 to vector<16xi32>
      %ge3A_78 = arith.cmpi sge, %sub3A_76, %ge3A_77 : vector<16xi32>
      %lt3A = arith.constant 10240 : i32
      %lt3A_79 = vector.broadcast %lt3A : i32 to vector<16xi32>
      %lt3A_80 = arith.cmpi slt, %sub3A_76, %lt3A_79 : vector<16xi32>
      %and3A = arith.andi %ge3A_78, %lt3A_80 : vector<16xi1>
      %jit3A = arith.constant 10400 : i32
      %broadcast_in_dim3A = vector.broadcast %jit3A : i32 to vector<16xi32>
      %select_n3A = arith.select %and3A, %sub3A_76, %broadcast_in_dim3A : vector<16xi1>, vector<16xi32>
      %swap3A = arith.constant 0 : index
      %swap3A_81 = tpu.vector_load %arg8[%swap3A] {strides = array<i32>} : memref<128xi32, #tpu.memory_space<vmem>>, vector<16xi32>,
      %swap3A_82 = vector.shape_cast %swap3A_81 : vector<16xi32> to vector<16xi32>
      %swap3A_83 = vector.shape_cast %select_n3A : vector<16xi32> to vector<16xi32>
      tpu.vector_store %arg8[%swap3A], %swap3A_83 {strides = array<i32>} : memref<128xi32, #tpu.memory_space<vmem>>, vector<16xi32>,
      %get3A_84 = arith.constant 16 : index
      %get3A_85 = tpu.vector_load %arg7[%get3A_84] {strides = array<i32>} : memref<128xi32, #tpu.memory_space<vmem>>, vector<16xi32>,
      %get3A_86 = vector.shape_cast %get3A_85 : vector<16xi32> to vector<16xi32>
      %sub3A_87 = vector.broadcast %mul3A_0 : i32 to vector<16xi32>
      %sub3A_88 = arith.subi %get3A_86, %sub3A_87 : vector<16xi32>
      %ge3A_89 = arith.constant 0 : i32
      %ge3A_90 = vector.broadcast %ge3A_89 : i32 to vector<16xi32>
      %ge3A_91 = arith.cmpi sge, %sub3A_88, %ge3A_90 : vector<16xi32>
      %lt3A_92 = arith.constant 10240 : i32
      %lt3A_93 = vector.broadcast %lt3A_92 : i32 to vector<16xi32>
      %lt3A_94 = arith.cmpi slt, %sub3A_88, %lt3A_93 : vector<16xi32>
      %and3A_95 = arith.andi %ge3A_91, %lt3A_94 : vector<16xi1>
      %jit3A_96 = arith.constant 10400 : i32
      %broadcast_in_dim3A_97 = vector.broadcast %jit3A_96 : i32 to vector<16xi32>
      %select_n3A_98 = arith.select %and3A_95, %sub3A_88, %broadcast_in_dim3A_97 : vector<16xi1>, vector<16xi32>
      %swap3A_99 = arith.constant 16 : index
      %swap3A_100 = tpu.vector_load %arg8[%swap3A_99] {strides = array<i32>} : memref<128xi32, #tpu.memory_space<vmem>>, vector<16xi32>,
      %swap3A_101 = vector.shape_cast %swap3A_100 : vector<16xi32> to vector<16xi32>
      %swap3A_102 = vector.shape_cast %select_n3A_98 : vector<16xi32> to vector<16xi32>
      tpu.vector_store %arg8[%swap3A_99], %swap3A_102 {strides = array<i32>} : memref<128xi32, #tpu.memory_space<vmem>>, vector<16xi32>,
      %get3A_103 = arith.constant 32 : index
      %get3A_104 = tpu.vector_load %arg7[%get3A_103] {strides = array<i32>} : memref<128xi32, #tpu.memory_space<vmem>>, vector<16xi32>,
      %get3A_105 = vector.shape_cast %get3A_104 : vector<16xi32> to vector<16xi32>
      %sub3A_106 = vector.broadcast %mul3A_0 : i32 to vector<16xi32>
      %sub3A_107 = arith.subi %get3A_105, %sub3A_106 : vector<16xi32>
      %ge3A_108 = arith.constant 0 : i32
      %ge3A_109 = vector.broadcast %ge3A_108 : i32 to vector<16xi32>
      %ge3A_110 = arith.cmpi sge, %sub3A_107, %ge3A_109 : vector<16xi32>
      %lt3A_111 = arith.constant 10240 : i32
      %lt3A_112 = vector.broadcast %lt3A_111 : i32 to vector<16xi32>
      %lt3A_113 = arith.cmpi slt, %sub3A_107, %lt3A_112 : vector<16xi32>
      %and3A_114 = arith.andi %ge3A_110, %lt3A_113 : vector<16xi1>
      %jit3A_115 = arith.constant 10400 : i32
      %broadcast_in_dim3A_116 = vector.broadcast %jit3A_115 : i32 to vector<16xi32>
      %select_n3A_117 = arith.select %and3A_114, %sub3A_107, %broadcast_in_dim3A_116 : vector<16xi1>, vector<16xi32>
      %swap3A_118 = arith.constant 32 : index
      %swap3A_119 = tpu.vector_load %arg8[%swap3A_118] {strides = array<i32>} : memref<128xi32, #tpu.memory_space<vmem>>, vector<16xi32>,
      %swap3A_120 = vector.shape_cast %swap3A_119 : vector<16xi32> to vector<16xi32>
      %swap3A_121 = vector.shape_cast %select_n3A_117 : vector<16xi32> to vector<16xi32>
      tpu.vector_store %arg8[%swap3A_118], %swap3A_121 {strides = array<i32>} : memref<128xi32, #tpu.memory_space<vmem>>, vector<16xi32>,
      %get3A_122 = arith.constant 48 : index
      %get3A_123 = tpu.vector_load %arg7[%get3A_122] {strides = array<i32>} : memref<128xi32, #tpu.memory_space<vmem>>, vector<16xi32>,
      %get3A_124 = vector.shape_cast %get3A_123 : vector<16xi32> to vector<16xi32>
      %sub3A_125 = vector.broadcast %mul3A_0 : i32 to vector<16xi32>
      %sub3A_126 = arith.subi %get3A_124, %sub3A_125 : vector<16xi32>
      %ge3A_127 = arith.constant 0 : i32
      %ge3A_128 = vector.broadcast %ge3A_127 : i32 to vector<16xi32>
      %ge3A_129 = arith.cmpi sge, %sub3A_126, %ge3A_128 : vector<16xi32>
      %lt3A_130 = arith.constant 10240 : i32
      %lt3A_131 = vector.broadcast %lt3A_130 : i32 to vector<16xi32>
      %lt3A_132 = arith.cmpi slt, %sub3A_126, %lt3A_131 : vector<16xi32>
      %and3A_133 = arith.andi %ge3A_129, %lt3A_132 : vector<16xi1>
      %jit3A_134 = arith.constant 10400 : i32
      %broadcast_in_dim3A_135 = vector.broadcast %jit3A_134 : i32 to vector<16xi32>
      %select_n3A_136 = arith.select %and3A_133, %sub3A_126, %broadcast_in_dim3A_135 : vector<16xi1>, vector<16xi32>
      %swap3A_137 = arith.constant 48 : index
      %swap3A_138 = tpu.vector_load %arg8[%swap3A_137] {strides = array<i32>} : memref<128xi32, #tpu.memory_space<vmem>>, vector<16xi32>,
      %swap3A_139 = vector.shape_cast %swap3A_138 : vector<16xi32> to vector<16xi32>
      %swap3A_140 = vector.shape_cast %select_n3A_136 : vector<16xi32> to vector<16xi32>
      tpu.vector_store %arg8[%swap3A_137], %swap3A_140 {strides = array<i32>} : memref<128xi32, #tpu.memory_space<vmem>>, vector<16xi32>,
      %get3A_141 = arith.constant 64 : index
      %get3A_142 = tpu.vector_load %arg7[%get3A_141] {strides = array<i32>} : memref<128xi32, #tpu.memory_space<vmem>>, vector<16xi32>,
      %get3A_143 = vector.shape_cast %get3A_142 : vector<16xi32> to vector<16xi32>
      %sub3A_144 = vector.broadcast %mul3A_0 : i32 to vector<16xi32>
      %sub3A_145 = arith.subi %get3A_143, %sub3A_144 : vector<16xi32>
      %ge3A_146 = arith.constant 0 : i32
      %ge3A_147 = vector.broadcast %ge3A_146 : i32 to vector<16xi32>
      %ge3A_148 = arith.cmpi sge, %sub3A_145, %ge3A_147 : vector<16xi32>
      %lt3A_149 = arith.constant 10240 : i32
      %lt3A_150 = vector.broadcast %lt3A_149 : i32 to vector<16xi32>
      %lt3A_151 = arith.cmpi slt, %sub3A_145, %lt3A_150 : vector<16xi32>
      %and3A_152 = arith.andi %ge3A_148, %lt3A_151 : vector<16xi1>
      %jit3A_153 = arith.constant 10400 : i32
      %broadcast_in_dim3A_154 = vector.broadcast %jit3A_153 : i32 to vector<16xi32>
      %select_n3A_155 = arith.select %and3A_152, %sub3A_145, %broadcast_in_dim3A_154 : vector<16xi1>, vector<16xi32>
      %swap3A_156 = arith.constant 64 : index
      %swap3A_157 = tpu.vector_load %arg8[%swap3A_156] {strides = array<i32>} : memref<128xi32, #tpu.memory_space<vmem>>, vector<16xi32>,
      %swap3A_158 = vector.shape_cast %swap3A_157 : vector<16xi32> to vector<16xi32>
      %swap3A_159 = vector.shape_cast %select_n3A_155 : vector<16xi32> to vector<16xi32>
      tpu.vector_store %arg8[%swap3A_156], %swap3A_159 {strides = array<i32>} : memref<128xi32, #tpu.memory_space<vmem>>, vector<16xi32>,
      %get3A_160 = arith.constant 80 : index
      %get3A_161 = tpu.vector_load %arg7[%get3A_160] {strides = array<i32>} : memref<128xi32, #tpu.memory_space<vmem>>, vector<16xi32>,
      %get3A_162 = vector.shape_cast %get3A_161 : vector<16xi32> to vector<16xi32>
      %sub3A_163 = vector.broadcast %mul3A_0 : i32 to vector<16xi32>
      %sub3A_164 = arith.subi %get3A_162, %sub3A_163 : vector<16xi32>
      %ge3A_165 = arith.constant 0 : i32
      %ge3A_166 = vector.broadcast %ge3A_165 : i32 to vector<16xi32>
      %ge3A_167 = arith.cmpi sge, %sub3A_164, %ge3A_166 : vector<16xi32>
      %lt3A_168 = arith.constant 10240 : i32
      %lt3A_169 = vector.broadcast %lt3A_168 : i32 to vector<16xi32>
      %lt3A_170 = arith.cmpi slt, %sub3A_164, %lt3A_169 : vector<16xi32>
      %and3A_171 = arith.andi %ge3A_167, %lt3A_170 : vector<16xi1>
      %jit3A_172 = arith.constant 10400 : i32
      %broadcast_in_dim3A_173 = vector.broadcast %jit3A_172 : i32 to vector<16xi32>
      %select_n3A_174 = arith.select %and3A_171, %sub3A_164, %broadcast_in_dim3A_173 : vector<16xi1>, vector<16xi32>
      %swap3A_175 = arith.constant 80 : index
      %swap3A_176 = tpu.vector_load %arg8[%swap3A_175] {strides = array<i32>} : memref<128xi32, #tpu.memory_space<vmem>>, vector<16xi32>,
      %swap3A_177 = vector.shape_cast %swap3A_176 : vector<16xi32> to vector<16xi32>
      %swap3A_178 = vector.shape_cast %select_n3A_174 : vector<16xi32> to vector<16xi32>
      tpu.vector_store %arg8[%swap3A_175], %swap3A_178 {strides = array<i32>} : memref<128xi32, #tpu.memory_space<vmem>>, vector<16xi32>,
      %get3A_179 = arith.constant 96 : index
      %get3A_180 = tpu.vector_load %arg7[%get3A_179] {strides = array<i32>} : memref<128xi32, #tpu.memory_space<vmem>>, vector<16xi32>,
      %get3A_181 = vector.shape_cast %get3A_180 : vector<16xi32> to vector<16xi32>
      %sub3A_182 = vector.broadcast %mul3A_0 : i32 to vector<16xi32>
      %sub3A_183 = arith.subi %get3A_181, %sub3A_182 : vector<16xi32>
      %ge3A_184 = arith.constant 0 : i32
      %ge3A_185 = vector.broadcast %ge3A_184 : i32 to vector<16xi32>
      %ge3A_186 = arith.cmpi sge, %sub3A_183, %ge3A_185 : vector<16xi32>
      %lt3A_187 = arith.constant 10240 : i32
      %lt3A_188 = vector.broadcast %lt3A_187 : i32 to vector<16xi32>
      %lt3A_189 = arith.cmpi slt, %sub3A_183, %lt3A_188 : vector<16xi32>
      %and3A_190 = arith.andi %ge3A_186, %lt3A_189 : vector<16xi1>
      %jit3A_191 = arith.constant 10400 : i32
      %broadcast_in_dim3A_192 = vector.broadcast %jit3A_191 : i32 to vector<16xi32>
      %select_n3A_193 = arith.select %and3A_190, %sub3A_183, %broadcast_in_dim3A_192 : vector<16xi1>, vector<16xi32>
      %swap3A_194 = arith.constant 96 : index
      %swap3A_195 = tpu.vector_load %arg8[%swap3A_194] {strides = array<i32>} : memref<128xi32, #tpu.memory_space<vmem>>, vector<16xi32>,
      %swap3A_196 = vector.shape_cast %swap3A_195 : vector<16xi32> to vector<16xi32>
      %swap3A_197 = vector.shape_cast %select_n3A_193 : vector<16xi32> to vector<16xi32>
      tpu.vector_store %arg8[%swap3A_194], %swap3A_197 {strides = array<i32>} : memref<128xi32, #tpu.memory_space<vmem>>, vector<16xi32>,
      %get3A_198 = arith.constant 112 : index
      %get3A_199 = tpu.vector_load %arg7[%get3A_198] {strides = array<i32>} : memref<128xi32, #tpu.memory_space<vmem>>, vector<16xi32>,
      %get3A_200 = vector.shape_cast %get3A_199 : vector<16xi32> to vector<16xi32>
      %sub3A_201 = vector.broadcast %mul3A_0 : i32 to vector<16xi32>
      %sub3A_202 = arith.subi %get3A_200, %sub3A_201 : vector<16xi32>
      %ge3A_203 = arith.constant 0 : i32
      %ge3A_204 = vector.broadcast %ge3A_203 : i32 to vector<16xi32>
      %ge3A_205 = arith.cmpi sge, %sub3A_202, %ge3A_204 : vector<16xi32>
      %lt3A_206 = arith.constant 10240 : i32
      %lt3A_207 = vector.broadcast %lt3A_206 : i32 to vector<16xi32>
      %lt3A_208 = arith.cmpi slt, %sub3A_202, %lt3A_207 : vector<16xi32>
      %and3A_209 = arith.andi %ge3A_205, %lt3A_208 : vector<16xi1>
      %jit3A_210 = arith.constant 10400 : i32
      %broadcast_in_dim3A_211 = vector.broadcast %jit3A_210 : i32 to vector<16xi32>
      %select_n3A_212 = arith.select %and3A_209, %sub3A_202, %broadcast_in_dim3A_211 : vector<16xi1>, vector<16xi32>
      %swap3A_213 = arith.constant 112 : index
      %swap3A_214 = tpu.vector_load %arg8[%swap3A_213] {strides = array<i32>} : memref<128xi32, #tpu.memory_space<vmem>>, vector<16xi32>,
      %swap3A_215 = vector.shape_cast %swap3A_214 : vector<16xi32> to vector<16xi32>
      %swap3A_216 = vector.shape_cast %select_n3A_212 : vector<16xi32> to vector<16xi32>
      tpu.vector_store %arg8[%swap3A_213], %swap3A_216 {strides = array<i32>} : memref<128xi32, #tpu.memory_space<vmem>>, vector<16xi32>,
      "tpu.region"() ({
        %run_scoped3A = tpu.sem_alloc : memref<!tpu.dma_semaphore, #tpu.memory_space<semaphore_mem>>
        %dma_start3A = arith.constant 0 : i32
        %dma_start3A_217 = tpu.memref_slice %arg2[%add3A_73, %dma_start3A] : memref<200704x128xf32, #tpu.memory_space<hbm>> -> memref<128x128xf32, #tpu.memory_space<hbm>>
        %dma_start3A_218 = arith.constant 0 : i32
        %dma_start3A_219 = tpu.memref_slice %arg2[%add3A_73, %dma_start3A_218] : memref<200704x128xf32, #tpu.memory_space<hbm>> -> memref<128x128xf32, #tpu.memory_space<hbm>>
        tpu.enqueue_dma source(%dma_start3A_219 : memref<128x128xf32, #tpu.memory_space<hbm>>) target(%arg10 : memref<128x128xf32, #tpu.memory_space<vmem>>) target_semaphore(%run_scoped3A : memref<!tpu.dma_semaphore, #tpu.memory_space<semaphore_mem>>)
        %dma_wait3A = arith.constant 0 : i32
        %dma_wait3A_220 = tpu.memref_slice %arg2[%add3A_73, %dma_wait3A] : memref<200704x128xf32, #tpu.memory_space<hbm>> -> memref<128x128xf32, #tpu.memory_space<hbm>>
        %dma_wait3A_221 = arith.constant 0 : i32
        %dma_wait3A_222 = tpu.memref_slice %arg2[%add3A_73, %dma_wait3A_221] : memref<200704x128xf32, #tpu.memory_space<hbm>> -> memref<128x128xf32, #tpu.memory_space<hbm>>
        tpu.wait_dma2 semaphore(%run_scoped3A : memref<!tpu.dma_semaphore, #tpu.memory_space<semaphore_mem>>) src(%dma_wait3A_222 : memref<128x128xf32, #tpu.memory_space<hbm>>) dst(%arg10 : memref<128x128xf32, #tpu.memory_space<vmem>>)
        tpu.yield
      }) : () -> ()
      "tpu.region"() ({
        %run_scoped3A = tpu.sem_alloc : memref<!tpu.dma_semaphore, #tpu.memory_space<semaphore_mem>>
        %dma_start3A = arith.constant 0 : i32
        %dma_start3A_217 = arith.constant 0 : i32
        %dma_start3A_218 = tpu.memref_slice %arg12[%dma_start3A, %dma_start3A_217] : memref<10752x128xf32, #tpu.memory_space<vmem_shared>> -> memref<10752x128xf32, #tpu.memory_space<vmem_shared>>
        tpu.enqueue_indirect_dma source(%arg10 : memref<128x128xf32, #tpu.memory_space<vmem>>) target(%dma_start3A_218 : memref<10752x128xf32, #tpu.memory_space<vmem_shared>>) offsets(%arg8 : memref<128xi32, #tpu.memory_space<vmem>>) semaphore(%run_scoped3A : memref<!tpu.dma_semaphore, #tpu.memory_space<semaphore_mem>>) {add = true}
        %dma_wait3A = arith.constant 0 : i32
        %dma_wait3A_219 = arith.constant 0 : i32
        %dma_wait3A_220 = tpu.memref_slice %arg12[%dma_wait3A, %dma_wait3A_219] : memref<10752x128xf32, #tpu.memory_space<vmem_shared>> -> memref<10752x128xf32, #tpu.memory_space<vmem_shared>>
        tpu.wait_indirect_dma semaphore(%run_scoped3A : memref<!tpu.dma_semaphore, #tpu.memory_space<semaphore_mem>>) src(%arg10 : memref<128x128xf32, #tpu.memory_space<vmem>>) dst(%dma_wait3A_220 : memref<10752x128xf32, #tpu.memory_space<vmem_shared>>)
        tpu.yield
      }) : () -> ()
    }
    %scan3A_32 = arith.constant 98 : i32
    %scan3A_33 = arith.constant 0 : i32
    %scan3A_34 = arith.constant 0 : i32
    %scan3A_35 = arith.constant 35 : i32
    %scan3A_36 = arith.addi %scan3A_34, %scan3A_35 : i32
    %scan3A_37 = arith.constant 1 : i32
    scf.for %scan3A_68 = %scan3A_34 to %scan3A_36 step %scan3A_37  : i32 {
      %mul3A_69 = arith.constant 3920 : i32
      %mul3A_70 = arith.muli %arg1, %mul3A_69 : i32
      %mul3A_71 = arith.constant 112 : i32
      %mul3A_72 = arith.muli %scan3A_68, %mul3A_71 : i32
      %add3A_73 = arith.addi %mul3A_70, %mul3A_72 : i32
      %add3A_74 = arith.constant 0 : i32
      %add3A_75 = arith.addi %add3A_73, %add3A_74 : i32
      %iota3A = tpu.iota {dimensions = array<i32: 0>} : vector<16xi32>
      %add3A_76 = vector.broadcast %add3A_75 : i32 to vector<16xi32>
      %add3A_77 = arith.addi %add3A_76, %iota3A : vector<16xi32>
      %jit3A = arith.constant 320 : i32
      %eq3A = arith.constant 0 : i32
      %eq3A_78 = arith.cmpi eq, %jit3A, %eq3A : i32
      %jit3A_79 = arith.constant 1 : i32
      %select_n3A = arith.select %eq3A_78, %jit3A_79, %jit3A : i32
      %rem3A = vector.broadcast %select_n3A : i32 to vector<16xi32>
      %rem3A_80 = arith.remsi %add3A_77, %rem3A : vector<16xi32>
      %ne3A = arith.constant 0 : i32
      %ne3A_81 = vector.broadcast %ne3A : i32 to vector<16xi32>
      %ne3A_82 = arith.cmpi ne, %rem3A_80, %ne3A_81 : vector<16xi32>
      %lt3A = arith.constant 0 : i32
      %lt3A_83 = vector.broadcast %lt3A : i32 to vector<16xi32>
      %lt3A_84 = arith.cmpi slt, %rem3A_80, %lt3A_83 : vector<16xi32>
      %lt3A_85 = arith.constant 0 : i32
      %lt3A_86 = arith.cmpi slt, %select_n3A, %lt3A_85 : i32
      %ne3A_87 = vector.broadcast %lt3A_86 : i1 to vector<16xi1>
      %ne3A_88 = vector.broadcast %ne3A_87 : vector<16xi1> to vector<16xi1>
      %ne3A_89 = arith.xori %lt3A_84, %ne3A_88 : vector<16xi1>
      %and3A = arith.andi %ne3A_89, %ne3A_82 : vector<16xi1>
      %add3A_90 = vector.broadcast %select_n3A : i32 to vector<16xi32>
      %add3A_91 = arith.addi %rem3A_80, %add3A_90 : vector<16xi32>
      %select_n3A_92 = arith.select %and3A, %add3A_91, %rem3A_80 : vector<16xi1>, vector<16xi32>
      %mul3A_93 = arith.constant 160 : i32
      %mul3A_94 = arith.muli %arg0, %mul3A_93 : i32
      %sub3A = vector.broadcast %mul3A_94 : i32 to vector<16xi32>
      %sub3A_95 = arith.subi %select_n3A_92, %sub3A : vector<16xi32>
      %ge3A = arith.constant 0 : i32
      %ge3A_96 = vector.broadcast %ge3A : i32 to vector<16xi32>
      %ge3A_97 = arith.cmpi sge, %sub3A_95, %ge3A_96 : vector<16xi32>
      %lt3A_98 = arith.constant 160 : i32
      %lt3A_99 = vector.broadcast %lt3A_98 : i32 to vector<16xi32>
      %lt3A_100 = arith.cmpi slt, %sub3A_95, %lt3A_99 : vector<16xi32>
      %and3A_101 = arith.andi %ge3A_97, %lt3A_100 : vector<16xi1>
      %add3A_102 = arith.constant 10240 : i32
      %add3A_103 = vector.broadcast %add3A_102 : i32 to vector<16xi32>
      %add3A_104 = arith.addi %add3A_103, %sub3A_95 : vector<16xi32>
      %jit3A_105 = arith.constant 10400 : i32
      %broadcast_in_dim3A = vector.broadcast %jit3A_105 : i32 to vector<16xi32>
      %select_n3A_106 = arith.select %and3A_101, %add3A_104, %broadcast_in_dim3A : vector<16xi1>, vector<16xi32>
      %swap3A = arith.constant 0 : index
      %swap3A_107 = tpu.vector_load %arg9[%swap3A] {strides = array<i32>} : memref<112xi32, #tpu.memory_space<vmem>>, vector<16xi32>,
      %swap3A_108 = vector.shape_cast %swap3A_107 : vector<16xi32> to vector<16xi32>
      %swap3A_109 = vector.shape_cast %select_n3A_106 : vector<16xi32> to vector<16xi32>
      tpu.vector_store %arg9[%swap3A], %swap3A_109 {strides = array<i32>} : memref<112xi32, #tpu.memory_space<vmem>>, vector<16xi32>,
      %add3A_110 = arith.constant 16 : i32
      %add3A_111 = arith.addi %add3A_73, %add3A_110 : i32
      %iota3A_112 = tpu.iota {dimensions = array<i32: 0>} : vector<16xi32>
      %add3A_113 = vector.broadcast %add3A_111 : i32 to vector<16xi32>
      %add3A_114 = arith.addi %add3A_113, %iota3A_112 : vector<16xi32>
      %jit3A_115 = arith.constant 320 : i32
      %eq3A_116 = arith.constant 0 : i32
      %eq3A_117 = arith.cmpi eq, %jit3A_115, %eq3A_116 : i32
      %jit3A_118 = arith.constant 1 : i32
      %select_n3A_119 = arith.select %eq3A_117, %jit3A_118, %jit3A_115 : i32
      %rem3A_120 = vector.broadcast %select_n3A_119 : i32 to vector<16xi32>
      %rem3A_121 = arith.remsi %add3A_114, %rem3A_120 : vector<16xi32>
      %ne3A_122 = arith.constant 0 : i32
      %ne3A_123 = vector.broadcast %ne3A_122 : i32 to vector<16xi32>
      %ne3A_124 = arith.cmpi ne, %rem3A_121, %ne3A_123 : vector<16xi32>
      %lt3A_125 = arith.constant 0 : i32
      %lt3A_126 = vector.broadcast %lt3A_125 : i32 to vector<16xi32>
      %lt3A_127 = arith.cmpi slt, %rem3A_121, %lt3A_126 : vector<16xi32>
      %lt3A_128 = arith.constant 0 : i32
      %lt3A_129 = arith.cmpi slt, %select_n3A_119, %lt3A_128 : i32
      %ne3A_130 = vector.broadcast %lt3A_129 : i1 to vector<16xi1>
      %ne3A_131 = vector.broadcast %ne3A_130 : vector<16xi1> to vector<16xi1>
      %ne3A_132 = arith.xori %lt3A_127, %ne3A_131 : vector<16xi1>
      %and3A_133 = arith.andi %ne3A_132, %ne3A_124 : vector<16xi1>
      %add3A_134 = vector.broadcast %select_n3A_119 : i32 to vector<16xi32>
      %add3A_135 = arith.addi %rem3A_121, %add3A_134 : vector<16xi32>
      %select_n3A_136 = arith.select %and3A_133, %add3A_135, %rem3A_121 : vector<16xi1>, vector<16xi32>
      %mul3A_137 = arith.constant 160 : i32
      %mul3A_138 = arith.muli %arg0, %mul3A_137 : i32
      %sub3A_139 = vector.broadcast %mul3A_138 : i32 to vector<16xi32>
      %sub3A_140 = arith.subi %select_n3A_136, %sub3A_139 : vector<16xi32>
      %ge3A_141 = arith.constant 0 : i32
      %ge3A_142 = vector.broadcast %ge3A_141 : i32 to vector<16xi32>
      %ge3A_143 = arith.cmpi sge, %sub3A_140, %ge3A_142 : vector<16xi32>
      %lt3A_144 = arith.constant 160 : i32
      %lt3A_145 = vector.broadcast %lt3A_144 : i32 to vector<16xi32>
      %lt3A_146 = arith.cmpi slt, %sub3A_140, %lt3A_145 : vector<16xi32>
      %and3A_147 = arith.andi %ge3A_143, %lt3A_146 : vector<16xi1>
      %add3A_148 = arith.constant 10240 : i32
      %add3A_149 = vector.broadcast %add3A_148 : i32 to vector<16xi32>
      %add3A_150 = arith.addi %add3A_149, %sub3A_140 : vector<16xi32>
      %jit3A_151 = arith.constant 10400 : i32
      %broadcast_in_dim3A_152 = vector.broadcast %jit3A_151 : i32 to vector<16xi32>
      %select_n3A_153 = arith.select %and3A_147, %add3A_150, %broadcast_in_dim3A_152 : vector<16xi1>, vector<16xi32>
      %swap3A_154 = arith.constant 16 : index
      %swap3A_155 = tpu.vector_load %arg9[%swap3A_154] {strides = array<i32>} : memref<112xi32, #tpu.memory_space<vmem>>, vector<16xi32>,
      %swap3A_156 = vector.shape_cast %swap3A_155 : vector<16xi32> to vector<16xi32>
      %swap3A_157 = vector.shape_cast %select_n3A_153 : vector<16xi32> to vector<16xi32>
      tpu.vector_store %arg9[%swap3A_154], %swap3A_157 {strides = array<i32>} : memref<112xi32, #tpu.memory_space<vmem>>, vector<16xi32>,
      %add3A_158 = arith.constant 32 : i32
      %add3A_159 = arith.addi %add3A_73, %add3A_158 : i32
      %iota3A_160 = tpu.iota {dimensions = array<i32: 0>} : vector<16xi32>
      %add3A_161 = vector.broadcast %add3A_159 : i32 to vector<16xi32>
      %add3A_162 = arith.addi %add3A_161, %iota3A_160 : vector<16xi32>
      %jit3A_163 = arith.constant 320 : i32
      %eq3A_164 = arith.constant 0 : i32
      %eq3A_165 = arith.cmpi eq, %jit3A_163, %eq3A_164 : i32
      %jit3A_166 = arith.constant 1 : i32
      %select_n3A_167 = arith.select %eq3A_165, %jit3A_166, %jit3A_163 : i32
      %rem3A_168 = vector.broadcast %select_n3A_167 : i32 to vector<16xi32>
      %rem3A_169 = arith.remsi %add3A_162, %rem3A_168 : vector<16xi32>
      %ne3A_170 = arith.constant 0 : i32
      %ne3A_171 = vector.broadcast %ne3A_170 : i32 to vector<16xi32>
      %ne3A_172 = arith.cmpi ne, %rem3A_169, %ne3A_171 : vector<16xi32>
      %lt3A_173 = arith.constant 0 : i32
      %lt3A_174 = vector.broadcast %lt3A_173 : i32 to vector<16xi32>
      %lt3A_175 = arith.cmpi slt, %rem3A_169, %lt3A_174 : vector<16xi32>
      %lt3A_176 = arith.constant 0 : i32
      %lt3A_177 = arith.cmpi slt, %select_n3A_167, %lt3A_176 : i32
      %ne3A_178 = vector.broadcast %lt3A_177 : i1 to vector<16xi1>
      %ne3A_179 = vector.broadcast %ne3A_178 : vector<16xi1> to vector<16xi1>
      %ne3A_180 = arith.xori %lt3A_175, %ne3A_179 : vector<16xi1>
      %and3A_181 = arith.andi %ne3A_180, %ne3A_172 : vector<16xi1>
      %add3A_182 = vector.broadcast %select_n3A_167 : i32 to vector<16xi32>
      %add3A_183 = arith.addi %rem3A_169, %add3A_182 : vector<16xi32>
      %select_n3A_184 = arith.select %and3A_181, %add3A_183, %rem3A_169 : vector<16xi1>, vector<16xi32>
      %mul3A_185 = arith.constant 160 : i32
      %mul3A_186 = arith.muli %arg0, %mul3A_185 : i32
      %sub3A_187 = vector.broadcast %mul3A_186 : i32 to vector<16xi32>
      %sub3A_188 = arith.subi %select_n3A_184, %sub3A_187 : vector<16xi32>
      %ge3A_189 = arith.constant 0 : i32
      %ge3A_190 = vector.broadcast %ge3A_189 : i32 to vector<16xi32>
      %ge3A_191 = arith.cmpi sge, %sub3A_188, %ge3A_190 : vector<16xi32>
      %lt3A_192 = arith.constant 160 : i32
      %lt3A_193 = vector.broadcast %lt3A_192 : i32 to vector<16xi32>
      %lt3A_194 = arith.cmpi slt, %sub3A_188, %lt3A_193 : vector<16xi32>
      %and3A_195 = arith.andi %ge3A_191, %lt3A_194 : vector<16xi1>
      %add3A_196 = arith.constant 10240 : i32
      %add3A_197 = vector.broadcast %add3A_196 : i32 to vector<16xi32>
      %add3A_198 = arith.addi %add3A_197, %sub3A_188 : vector<16xi32>
      %jit3A_199 = arith.constant 10400 : i32
      %broadcast_in_dim3A_200 = vector.broadcast %jit3A_199 : i32 to vector<16xi32>
      %select_n3A_201 = arith.select %and3A_195, %add3A_198, %broadcast_in_dim3A_200 : vector<16xi1>, vector<16xi32>
      %swap3A_202 = arith.constant 32 : index
      %swap3A_203 = tpu.vector_load %arg9[%swap3A_202] {strides = array<i32>} : memref<112xi32, #tpu.memory_space<vmem>>, vector<16xi32>,
      %swap3A_204 = vector.shape_cast %swap3A_203 : vector<16xi32> to vector<16xi32>
      %swap3A_205 = vector.shape_cast %select_n3A_201 : vector<16xi32> to vector<16xi32>
      tpu.vector_store %arg9[%swap3A_202], %swap3A_205 {strides = array<i32>} : memref<112xi32, #tpu.memory_space<vmem>>, vector<16xi32>,
      %add3A_206 = arith.constant 48 : i32
      %add3A_207 = arith.addi %add3A_73, %add3A_206 : i32
      %iota3A_208 = tpu.iota {dimensions = array<i32: 0>} : vector<16xi32>
      %add3A_209 = vector.broadcast %add3A_207 : i32 to vector<16xi32>
      %add3A_210 = arith.addi %add3A_209, %iota3A_208 : vector<16xi32>
      %jit3A_211 = arith.constant 320 : i32
      %eq3A_212 = arith.constant 0 : i32
      %eq3A_213 = arith.cmpi eq, %jit3A_211, %eq3A_212 : i32
      %jit3A_214 = arith.constant 1 : i32
      %select_n3A_215 = arith.select %eq3A_213, %jit3A_214, %jit3A_211 : i32
      %rem3A_216 = vector.broadcast %select_n3A_215 : i32 to vector<16xi32>
      %rem3A_217 = arith.remsi %add3A_210, %rem3A_216 : vector<16xi32>
      %ne3A_218 = arith.constant 0 : i32
      %ne3A_219 = vector.broadcast %ne3A_218 : i32 to vector<16xi32>
      %ne3A_220 = arith.cmpi ne, %rem3A_217, %ne3A_219 : vector<16xi32>
      %lt3A_221 = arith.constant 0 : i32
      %lt3A_222 = vector.broadcast %lt3A_221 : i32 to vector<16xi32>
      %lt3A_223 = arith.cmpi slt, %rem3A_217, %lt3A_222 : vector<16xi32>
      %lt3A_224 = arith.constant 0 : i32
      %lt3A_225 = arith.cmpi slt, %select_n3A_215, %lt3A_224 : i32
      %ne3A_226 = vector.broadcast %lt3A_225 : i1 to vector<16xi1>
      %ne3A_227 = vector.broadcast %ne3A_226 : vector<16xi1> to vector<16xi1>
      %ne3A_228 = arith.xori %lt3A_223, %ne3A_227 : vector<16xi1>
      %and3A_229 = arith.andi %ne3A_228, %ne3A_220 : vector<16xi1>
      %add3A_230 = vector.broadcast %select_n3A_215 : i32 to vector<16xi32>
      %add3A_231 = arith.addi %rem3A_217, %add3A_230 : vector<16xi32>
      %select_n3A_232 = arith.select %and3A_229, %add3A_231, %rem3A_217 : vector<16xi1>, vector<16xi32>
      %mul3A_233 = arith.constant 160 : i32
      %mul3A_234 = arith.muli %arg0, %mul3A_233 : i32
      %sub3A_235 = vector.broadcast %mul3A_234 : i32 to vector<16xi32>
      %sub3A_236 = arith.subi %select_n3A_232, %sub3A_235 : vector<16xi32>
      %ge3A_237 = arith.constant 0 : i32
      %ge3A_238 = vector.broadcast %ge3A_237 : i32 to vector<16xi32>
      %ge3A_239 = arith.cmpi sge, %sub3A_236, %ge3A_238 : vector<16xi32>
      %lt3A_240 = arith.constant 160 : i32
      %lt3A_241 = vector.broadcast %lt3A_240 : i32 to vector<16xi32>
      %lt3A_242 = arith.cmpi slt, %sub3A_236, %lt3A_241 : vector<16xi32>
      %and3A_243 = arith.andi %ge3A_239, %lt3A_242 : vector<16xi1>
      %add3A_244 = arith.constant 10240 : i32
      %add3A_245 = vector.broadcast %add3A_244 : i32 to vector<16xi32>
      %add3A_246 = arith.addi %add3A_245, %sub3A_236 : vector<16xi32>
      %jit3A_247 = arith.constant 10400 : i32
      %broadcast_in_dim3A_248 = vector.broadcast %jit3A_247 : i32 to vector<16xi32>
      %select_n3A_249 = arith.select %and3A_243, %add3A_246, %broadcast_in_dim3A_248 : vector<16xi1>, vector<16xi32>
      %swap3A_250 = arith.constant 48 : index
      %swap3A_251 = tpu.vector_load %arg9[%swap3A_250] {strides = array<i32>} : memref<112xi32, #tpu.memory_space<vmem>>, vector<16xi32>,
      %swap3A_252 = vector.shape_cast %swap3A_251 : vector<16xi32> to vector<16xi32>
      %swap3A_253 = vector.shape_cast %select_n3A_249 : vector<16xi32> to vector<16xi32>
      tpu.vector_store %arg9[%swap3A_250], %swap3A_253 {strides = array<i32>} : memref<112xi32, #tpu.memory_space<vmem>>, vector<16xi32>,
      %add3A_254 = arith.constant 64 : i32
      %add3A_255 = arith.addi %add3A_73, %add3A_254 : i32
      %iota3A_256 = tpu.iota {dimensions = array<i32: 0>} : vector<16xi32>
      %add3A_257 = vector.broadcast %add3A_255 : i32 to vector<16xi32>
      %add3A_258 = arith.addi %add3A_257, %iota3A_256 : vector<16xi32>
      %jit3A_259 = arith.constant 320 : i32
      %eq3A_260 = arith.constant 0 : i32
      %eq3A_261 = arith.cmpi eq, %jit3A_259, %eq3A_260 : i32
      %jit3A_262 = arith.constant 1 : i32
      %select_n3A_263 = arith.select %eq3A_261, %jit3A_262, %jit3A_259 : i32
      %rem3A_264 = vector.broadcast %select_n3A_263 : i32 to vector<16xi32>
      %rem3A_265 = arith.remsi %add3A_258, %rem3A_264 : vector<16xi32>
      %ne3A_266 = arith.constant 0 : i32
      %ne3A_267 = vector.broadcast %ne3A_266 : i32 to vector<16xi32>
      %ne3A_268 = arith.cmpi ne, %rem3A_265, %ne3A_267 : vector<16xi32>
      %lt3A_269 = arith.constant 0 : i32
      %lt3A_270 = vector.broadcast %lt3A_269 : i32 to vector<16xi32>
      %lt3A_271 = arith.cmpi slt, %rem3A_265, %lt3A_270 : vector<16xi32>
      %lt3A_272 = arith.constant 0 : i32
      %lt3A_273 = arith.cmpi slt, %select_n3A_263, %lt3A_272 : i32
      %ne3A_274 = vector.broadcast %lt3A_273 : i1 to vector<16xi1>
      %ne3A_275 = vector.broadcast %ne3A_274 : vector<16xi1> to vector<16xi1>
      %ne3A_276 = arith.xori %lt3A_271, %ne3A_275 : vector<16xi1>
      %and3A_277 = arith.andi %ne3A_276, %ne3A_268 : vector<16xi1>
      %add3A_278 = vector.broadcast %select_n3A_263 : i32 to vector<16xi32>
      %add3A_279 = arith.addi %rem3A_265, %add3A_278 : vector<16xi32>
      %select_n3A_280 = arith.select %and3A_277, %add3A_279, %rem3A_265 : vector<16xi1>, vector<16xi32>
      %mul3A_281 = arith.constant 160 : i32
      %mul3A_282 = arith.muli %arg0, %mul3A_281 : i32
      %sub3A_283 = vector.broadcast %mul3A_282 : i32 to vector<16xi32>
      %sub3A_284 = arith.subi %select_n3A_280, %sub3A_283 : vector<16xi32>
      %ge3A_285 = arith.constant 0 : i32
      %ge3A_286 = vector.broadcast %ge3A_285 : i32 to vector<16xi32>
      %ge3A_287 = arith.cmpi sge, %sub3A_284, %ge3A_286 : vector<16xi32>
      %lt3A_288 = arith.constant 160 : i32
      %lt3A_289 = vector.broadcast %lt3A_288 : i32 to vector<16xi32>
      %lt3A_290 = arith.cmpi slt, %sub3A_284, %lt3A_289 : vector<16xi32>
      %and3A_291 = arith.andi %ge3A_287, %lt3A_290 : vector<16xi1>
      %add3A_292 = arith.constant 10240 : i32
      %add3A_293 = vector.broadcast %add3A_292 : i32 to vector<16xi32>
      %add3A_294 = arith.addi %add3A_293, %sub3A_284 : vector<16xi32>
      %jit3A_295 = arith.constant 10400 : i32
      %broadcast_in_dim3A_296 = vector.broadcast %jit3A_295 : i32 to vector<16xi32>
      %select_n3A_297 = arith.select %and3A_291, %add3A_294, %broadcast_in_dim3A_296 : vector<16xi1>, vector<16xi32>
      %swap3A_298 = arith.constant 64 : index
      %swap3A_299 = tpu.vector_load %arg9[%swap3A_298] {strides = array<i32>} : memref<112xi32, #tpu.memory_space<vmem>>, vector<16xi32>,
      %swap3A_300 = vector.shape_cast %swap3A_299 : vector<16xi32> to vector<16xi32>
      %swap3A_301 = vector.shape_cast %select_n3A_297 : vector<16xi32> to vector<16xi32>
      tpu.vector_store %arg9[%swap3A_298], %swap3A_301 {strides = array<i32>} : memref<112xi32, #tpu.memory_space<vmem>>, vector<16xi32>,
      %add3A_302 = arith.constant 80 : i32
      %add3A_303 = arith.addi %add3A_73, %add3A_302 : i32
      %iota3A_304 = tpu.iota {dimensions = array<i32: 0>} : vector<16xi32>
      %add3A_305 = vector.broadcast %add3A_303 : i32 to vector<16xi32>
      %add3A_306 = arith.addi %add3A_305, %iota3A_304 : vector<16xi32>
      %jit3A_307 = arith.constant 320 : i32
      %eq3A_308 = arith.constant 0 : i32
      %eq3A_309 = arith.cmpi eq, %jit3A_307, %eq3A_308 : i32
      %jit3A_310 = arith.constant 1 : i32
      %select_n3A_311 = arith.select %eq3A_309, %jit3A_310, %jit3A_307 : i32
      %rem3A_312 = vector.broadcast %select_n3A_311 : i32 to vector<16xi32>
      %rem3A_313 = arith.remsi %add3A_306, %rem3A_312 : vector<16xi32>
      %ne3A_314 = arith.constant 0 : i32
      %ne3A_315 = vector.broadcast %ne3A_314 : i32 to vector<16xi32>
      %ne3A_316 = arith.cmpi ne, %rem3A_313, %ne3A_315 : vector<16xi32>
      %lt3A_317 = arith.constant 0 : i32
      %lt3A_318 = vector.broadcast %lt3A_317 : i32 to vector<16xi32>
      %lt3A_319 = arith.cmpi slt, %rem3A_313, %lt3A_318 : vector<16xi32>
      %lt3A_320 = arith.constant 0 : i32
      %lt3A_321 = arith.cmpi slt, %select_n3A_311, %lt3A_320 : i32
      %ne3A_322 = vector.broadcast %lt3A_321 : i1 to vector<16xi1>
      %ne3A_323 = vector.broadcast %ne3A_322 : vector<16xi1> to vector<16xi1>
      %ne3A_324 = arith.xori %lt3A_319, %ne3A_323 : vector<16xi1>
      %and3A_325 = arith.andi %ne3A_324, %ne3A_316 : vector<16xi1>
      %add3A_326 = vector.broadcast %select_n3A_311 : i32 to vector<16xi32>
      %add3A_327 = arith.addi %rem3A_313, %add3A_326 : vector<16xi32>
      %select_n3A_328 = arith.select %and3A_325, %add3A_327, %rem3A_313 : vector<16xi1>, vector<16xi32>
      %mul3A_329 = arith.constant 160 : i32
      %mul3A_330 = arith.muli %arg0, %mul3A_329 : i32
      %sub3A_331 = vector.broadcast %mul3A_330 : i32 to vector<16xi32>
      %sub3A_332 = arith.subi %select_n3A_328, %sub3A_331 : vector<16xi32>
      %ge3A_333 = arith.constant 0 : i32
      %ge3A_334 = vector.broadcast %ge3A_333 : i32 to vector<16xi32>
      %ge3A_335 = arith.cmpi sge, %sub3A_332, %ge3A_334 : vector<16xi32>
      %lt3A_336 = arith.constant 160 : i32
      %lt3A_337 = vector.broadcast %lt3A_336 : i32 to vector<16xi32>
      %lt3A_338 = arith.cmpi slt, %sub3A_332, %lt3A_337 : vector<16xi32>
      %and3A_339 = arith.andi %ge3A_335, %lt3A_338 : vector<16xi1>
      %add3A_340 = arith.constant 10240 : i32
      %add3A_341 = vector.broadcast %add3A_340 : i32 to vector<16xi32>
      %add3A_342 = arith.addi %add3A_341, %sub3A_332 : vector<16xi32>
      %jit3A_343 = arith.constant 10400 : i32
      %broadcast_in_dim3A_344 = vector.broadcast %jit3A_343 : i32 to vector<16xi32>
      %select_n3A_345 = arith.select %and3A_339, %add3A_342, %broadcast_in_dim3A_344 : vector<16xi1>, vector<16xi32>
      %swap3A_346 = arith.constant 80 : index
      %swap3A_347 = tpu.vector_load %arg9[%swap3A_346] {strides = array<i32>} : memref<112xi32, #tpu.memory_space<vmem>>, vector<16xi32>,
      %swap3A_348 = vector.shape_cast %swap3A_347 : vector<16xi32> to vector<16xi32>
      %swap3A_349 = vector.shape_cast %select_n3A_345 : vector<16xi32> to vector<16xi32>
      tpu.vector_store %arg9[%swap3A_346], %swap3A_349 {strides = array<i32>} : memref<112xi32, #tpu.memory_space<vmem>>, vector<16xi32>,
      %add3A_350 = arith.constant 96 : i32
      %add3A_351 = arith.addi %add3A_73, %add3A_350 : i32
      %iota3A_352 = tpu.iota {dimensions = array<i32: 0>} : vector<16xi32>
      %add3A_353 = vector.broadcast %add3A_351 : i32 to vector<16xi32>
      %add3A_354 = arith.addi %add3A_353, %iota3A_352 : vector<16xi32>
      %jit3A_355 = arith.constant 320 : i32
      %eq3A_356 = arith.constant 0 : i32
      %eq3A_357 = arith.cmpi eq, %jit3A_355, %eq3A_356 : i32
      %jit3A_358 = arith.constant 1 : i32
      %select_n3A_359 = arith.select %eq3A_357, %jit3A_358, %jit3A_355 : i32
      %rem3A_360 = vector.broadcast %select_n3A_359 : i32 to vector<16xi32>
      %rem3A_361 = arith.remsi %add3A_354, %rem3A_360 : vector<16xi32>
      %ne3A_362 = arith.constant 0 : i32
      %ne3A_363 = vector.broadcast %ne3A_362 : i32 to vector<16xi32>
      %ne3A_364 = arith.cmpi ne, %rem3A_361, %ne3A_363 : vector<16xi32>
      %lt3A_365 = arith.constant 0 : i32
      %lt3A_366 = vector.broadcast %lt3A_365 : i32 to vector<16xi32>
      %lt3A_367 = arith.cmpi slt, %rem3A_361, %lt3A_366 : vector<16xi32>
      %lt3A_368 = arith.constant 0 : i32
      %lt3A_369 = arith.cmpi slt, %select_n3A_359, %lt3A_368 : i32
      %ne3A_370 = vector.broadcast %lt3A_369 : i1 to vector<16xi1>
      %ne3A_371 = vector.broadcast %ne3A_370 : vector<16xi1> to vector<16xi1>
      %ne3A_372 = arith.xori %lt3A_367, %ne3A_371 : vector<16xi1>
      %and3A_373 = arith.andi %ne3A_372, %ne3A_364 : vector<16xi1>
      %add3A_374 = vector.broadcast %select_n3A_359 : i32 to vector<16xi32>
      %add3A_375 = arith.addi %rem3A_361, %add3A_374 : vector<16xi32>
      %select_n3A_376 = arith.select %and3A_373, %add3A_375, %rem3A_361 : vector<16xi1>, vector<16xi32>
      %mul3A_377 = arith.constant 160 : i32
      %mul3A_378 = arith.muli %arg0, %mul3A_377 : i32
      %sub3A_379 = vector.broadcast %mul3A_378 : i32 to vector<16xi32>
      %sub3A_380 = arith.subi %select_n3A_376, %sub3A_379 : vector<16xi32>
      %ge3A_381 = arith.constant 0 : i32
      %ge3A_382 = vector.broadcast %ge3A_381 : i32 to vector<16xi32>
      %ge3A_383 = arith.cmpi sge, %sub3A_380, %ge3A_382 : vector<16xi32>
      %lt3A_384 = arith.constant 160 : i32
      %lt3A_385 = vector.broadcast %lt3A_384 : i32 to vector<16xi32>
      %lt3A_386 = arith.cmpi slt, %sub3A_380, %lt3A_385 : vector<16xi32>
      %and3A_387 = arith.andi %ge3A_383, %lt3A_386 : vector<16xi1>
      %add3A_388 = arith.constant 10240 : i32
      %add3A_389 = vector.broadcast %add3A_388 : i32 to vector<16xi32>
      %add3A_390 = arith.addi %add3A_389, %sub3A_380 : vector<16xi32>
      %jit3A_391 = arith.constant 10400 : i32
      %broadcast_in_dim3A_392 = vector.broadcast %jit3A_391 : i32 to vector<16xi32>
      %select_n3A_393 = arith.select %and3A_387, %add3A_390, %broadcast_in_dim3A_392 : vector<16xi1>, vector<16xi32>
      %swap3A_394 = arith.constant 96 : index
      %swap3A_395 = tpu.vector_load %arg9[%swap3A_394] {strides = array<i32>} : memref<112xi32, #tpu.memory_space<vmem>>, vector<16xi32>,
      %swap3A_396 = vector.shape_cast %swap3A_395 : vector<16xi32> to vector<16xi32>
      %swap3A_397 = vector.shape_cast %select_n3A_393 : vector<16xi32> to vector<16xi32>
      tpu.vector_store %arg9[%swap3A_394], %swap3A_397 {strides = array<i32>} : memref<112xi32, #tpu.memory_space<vmem>>, vector<16xi32>,
      "tpu.region"() ({
        %run_scoped3A = tpu.sem_alloc : memref<!tpu.dma_semaphore, #tpu.memory_space<semaphore_mem>>
        %dma_start3A = arith.constant 0 : i32
        %dma_start3A_398 = arith.constant 0 : i32
        %dma_start3A_399 = tpu.memref_slice %arg10[%dma_start3A, %dma_start3A_398] : memref<128x128xf32, #tpu.memory_space<vmem>> -> memref<112x128xf32, #tpu.memory_space<vmem>>
        %dma_start3A_400 = arith.constant 0 : i32
        %dma_start3A_401 = tpu.memref_slice %arg3[%add3A_73, %dma_start3A_400] : memref<62720x128xf32, #tpu.memory_space<hbm>> -> memref<112x128xf32, #tpu.memory_space<hbm>>
        %dma_start3A_402 = arith.constant 0 : i32
        %dma_start3A_403 = arith.constant 0 : i32
        %dma_start3A_404 = tpu.memref_slice %arg10[%dma_start3A_402, %dma_start3A_403] : memref<128x128xf32, #tpu.memory_space<vmem>> -> memref<112x128xf32, #tpu.memory_space<vmem>>
        %dma_start3A_405 = arith.constant 0 : i32
        %dma_start3A_406 = tpu.memref_slice %arg3[%add3A_73, %dma_start3A_405] : memref<62720x128xf32, #tpu.memory_space<hbm>> -> memref<112x128xf32, #tpu.memory_space<hbm>>
        tpu.enqueue_dma source(%dma_start3A_406 : memref<112x128xf32, #tpu.memory_space<hbm>>) target(%dma_start3A_404 : memref<112x128xf32, #tpu.memory_space<vmem>>) target_semaphore(%run_scoped3A : memref<!tpu.dma_semaphore, #tpu.memory_space<semaphore_mem>>)
        %dma_wait3A = arith.constant 0 : i32
        %dma_wait3A_407 = arith.constant 0 : i32
        %dma_wait3A_408 = tpu.memref_slice %arg10[%dma_wait3A, %dma_wait3A_407] : memref<128x128xf32, #tpu.memory_space<vmem>> -> memref<112x128xf32, #tpu.memory_space<vmem>>
        %dma_wait3A_409 = arith.constant 0 : i32
        %dma_wait3A_410 = tpu.memref_slice %arg3[%add3A_73, %dma_wait3A_409] : memref<62720x128xf32, #tpu.memory_space<hbm>> -> memref<112x128xf32, #tpu.memory_space<hbm>>
        %dma_wait3A_411 = arith.constant 0 : i32
        %dma_wait3A_412 = arith.constant 0 : i32
        %dma_wait3A_413 = tpu.memref_slice %arg10[%dma_wait3A_411, %dma_wait3A_412] : memref<128x128xf32, #tpu.memory_space<vmem>> -> memref<112x128xf32, #tpu.memory_space<vmem>>
        %dma_wait3A_414 = arith.constant 0 : i32
        %dma_wait3A_415 = tpu.memref_slice %arg3[%add3A_73, %dma_wait3A_414] : memref<62720x128xf32, #tpu.memory_space<hbm>> -> memref<112x128xf32, #tpu.memory_space<hbm>>
        tpu.wait_dma2 semaphore(%run_scoped3A : memref<!tpu.dma_semaphore, #tpu.memory_space<semaphore_mem>>) src(%dma_wait3A_415 : memref<112x128xf32, #tpu.memory_space<hbm>>) dst(%dma_wait3A_413 : memref<112x128xf32, #tpu.memory_space<vmem>>)
        tpu.yield
      }) : () -> ()
      "tpu.region"() ({
        %run_scoped3A = tpu.sem_alloc : memref<!tpu.dma_semaphore, #tpu.memory_space<semaphore_mem>>
        %dma_start3A = arith.constant 0 : i32
        %dma_start3A_398 = arith.constant 0 : i32
        %dma_start3A_399 = tpu.memref_slice %arg10[%dma_start3A, %dma_start3A_398] : memref<128x128xf32, #tpu.memory_space<vmem>> -> memref<112x128xf32, #tpu.memory_space<vmem>>
        %dma_start3A_400 = arith.constant 0 : i32
        %dma_start3A_401 = arith.constant 0 : i32
        %dma_start3A_402 = tpu.memref_slice %arg12[%dma_start3A_400, %dma_start3A_401] : memref<10752x128xf32, #tpu.memory_space<vmem_shared>> -> memref<10752x128xf32, #tpu.memory_space<vmem_shared>>
        tpu.enqueue_indirect_dma source(%dma_start3A_399 : memref<112x128xf32, #tpu.memory_space<vmem>>) target(%dma_start3A_402 : memref<10752x128xf32, #tpu.memory_space<vmem_shared>>) offsets(%arg9 : memref<112xi32, #tpu.memory_space<vmem>>) semaphore(%run_scoped3A : memref<!tpu.dma_semaphore, #tpu.memory_space<semaphore_mem>>) {add = true}
        %dma_wait3A = arith.constant 0 : i32
        %dma_wait3A_403 = arith.constant 0 : i32
        %dma_wait3A_404 = tpu.memref_slice %arg10[%dma_wait3A, %dma_wait3A_403] : memref<128x128xf32, #tpu.memory_space<vmem>> -> memref<112x128xf32, #tpu.memory_space<vmem>>
        %dma_wait3A_405 = arith.constant 0 : i32
        %dma_wait3A_406 = arith.constant 0 : i32
        %dma_wait3A_407 = tpu.memref_slice %arg12[%dma_wait3A_405, %dma_wait3A_406] : memref<10752x128xf32, #tpu.memory_space<vmem_shared>> -> memref<10752x128xf32, #tpu.memory_space<vmem_shared>>
        tpu.wait_indirect_dma semaphore(%run_scoped3A : memref<!tpu.dma_semaphore, #tpu.memory_space<semaphore_mem>>) src(%dma_wait3A_404 : memref<112x128xf32, #tpu.memory_space<vmem>>) dst(%dma_wait3A_407 : memref<10752x128xf32, #tpu.memory_space<vmem_shared>>)
        tpu.yield
      }) : () -> ()
    }
    %scan3A_38 = arith.constant 35 : i32
    %barrier3A_39 = arith.constant 0 : index
    tpu.barrier barrier_id(%barrier3A_39)
    %mul3A_40 = arith.constant 672 : i32
    %mul3A_41 = arith.muli %arg1, %mul3A_40 : i32
    %add3A_42 = arith.constant 0 : i32
    %add3A_43 = arith.addi %mul3A_41, %add3A_42 : i32
    "tpu.region"() ({
      %run_scoped3A = tpu.sem_alloc : memref<!tpu.dma_semaphore, #tpu.memory_space<semaphore_mem>>
      %dma_start3A = arith.constant 0 : i32
      %dma_start3A_68 = tpu.memref_slice %arg12[%add3A_43, %dma_start3A] : memref<10752x128xf32, #tpu.memory_space<vmem_shared>> -> memref<96x128xf32, #tpu.memory_space<vmem_shared>>
      %dma_start3A_69 = arith.constant 0 : i32
      %dma_start3A_70 = tpu.memref_slice %arg12[%add3A_43, %dma_start3A_69] : memref<10752x128xf32, #tpu.memory_space<vmem_shared>> -> memref<96x128xf32, #tpu.memory_space<vmem_shared>>
      tpu.enqueue_dma source(%dma_start3A_70 : memref<96x128xf32, #tpu.memory_space<vmem_shared>>) target(%arg11 : memref<96x128xf32, #tpu.memory_space<vmem>>) target_semaphore(%run_scoped3A : memref<!tpu.dma_semaphore, #tpu.memory_space<semaphore_mem>>)
      %dma_wait3A = arith.constant 0 : i32
      %dma_wait3A_71 = tpu.memref_slice %arg12[%add3A_43, %dma_wait3A] : memref<10752x128xf32, #tpu.memory_space<vmem_shared>> -> memref<96x128xf32, #tpu.memory_space<vmem_shared>>
      %dma_wait3A_72 = arith.constant 0 : i32
      %dma_wait3A_73 = tpu.memref_slice %arg12[%add3A_43, %dma_wait3A_72] : memref<10752x128xf32, #tpu.memory_space<vmem_shared>> -> memref<96x128xf32, #tpu.memory_space<vmem_shared>>
      tpu.wait_dma2 semaphore(%run_scoped3A : memref<!tpu.dma_semaphore, #tpu.memory_space<semaphore_mem>>) src(%dma_wait3A_73 : memref<96x128xf32, #tpu.memory_space<vmem_shared>>) dst(%arg11 : memref<96x128xf32, #tpu.memory_space<vmem>>)
      tpu.yield
    }) : () -> ()
    "tpu.region"() ({
      %run_scoped3A = tpu.sem_alloc : memref<!tpu.dma_semaphore, #tpu.memory_space<semaphore_mem>>
      %dma_start3A = arith.constant 0 : i32
      %dma_start3A_68 = tpu.memref_slice %arg6[%arg0, %add3A_43, %dma_start3A] : memref<2x10752x128xf32, #tpu.memory_space<hbm>> -> memref<1x96x128xf32, #tpu.memory_space<hbm>>
      %dma_start3A_69 = tpu.memref_squeeze %dma_start3A_68 : memref<1x96x128xf32, #tpu.memory_space<hbm>> -> memref<96x128xf32, #tpu.memory_space<hbm>>
      %dma_start3A_70 = arith.constant 0 : i32
      %dma_start3A_71 = tpu.memref_slice %arg6[%arg0, %add3A_43, %dma_start3A_70] : memref<2x10752x128xf32, #tpu.memory_space<hbm>> -> memref<1x96x128xf32, #tpu.memory_space<hbm>>
      %dma_start3A_72 = tpu.memref_squeeze %dma_start3A_71 : memref<1x96x128xf32, #tpu.memory_space<hbm>> -> memref<96x128xf32, #tpu.memory_space<hbm>>
      tpu.enqueue_dma source(%arg11 : memref<96x128xf32, #tpu.memory_space<vmem>>) target(%dma_start3A_72 : memref<96x128xf32, #tpu.memory_space<hbm>>) target_semaphore(%run_scoped3A : memref<!tpu.dma_semaphore, #tpu.memory_space<semaphore_mem>>)
      %dma_wait3A = arith.constant 0 : i32
      %dma_wait3A_73 = tpu.memref_slice %arg6[%arg0, %add3A_43, %dma_wait3A] : memref<2x10752x128xf32, #tpu.memory_space<hbm>> -> memref<1x96x128xf32, #tpu.memory_space<hbm>>
      %dma_wait3A_74 = tpu.memref_squeeze %dma_wait3A_73 : memref<1x96x128xf32, #tpu.memory_space<hbm>> -> memref<96x128xf32, #tpu.memory_space<hbm>>
      %dma_wait3A_75 = arith.constant 0 : i32
      %dma_wait3A_76 = tpu.memref_slice %arg6[%arg0, %add3A_43, %dma_wait3A_75] : memref<2x10752x128xf32, #tpu.memory_space<hbm>> -> memref<1x96x128xf32, #tpu.memory_space<hbm>>
      %dma_wait3A_77 = tpu.memref_squeeze %dma_wait3A_76 : memref<1x96x128xf32, #tpu.memory_space<hbm>> -> memref<96x128xf32, #tpu.memory_space<hbm>>
      tpu.wait_dma2 semaphore(%run_scoped3A : memref<!tpu.dma_semaphore, #tpu.memory_space<semaphore_mem>>) src(%arg11 : memref<96x128xf32, #tpu.memory_space<vmem>>) dst(%dma_wait3A_77 : memref<96x128xf32, #tpu.memory_space<hbm>>)
      tpu.yield
    }) : () -> ()
    %mul3A_44 = arith.constant 672 : i32
    %mul3A_45 = arith.muli %arg1, %mul3A_44 : i32
    %add3A_46 = arith.constant 96 : i32
    %add3A_47 = arith.addi %mul3A_45, %add3A_46 : i32
    "tpu.region"() ({
      %run_scoped3A = tpu.sem_alloc : memref<!tpu.dma_semaphore, #tpu.memory_space<semaphore_mem>>
      %dma_start3A = arith.constant 0 : i32
      %dma_start3A_68 = tpu.memref_slice %arg12[%add3A_47, %dma_start3A] : memref<10752x128xf32, #tpu.memory_space<vmem_shared>> -> memref<96x128xf32, #tpu.memory_space<vmem_shared>>
      %dma_start3A_69 = arith.constant 0 : i32
      %dma_start3A_70 = tpu.memref_slice %arg12[%add3A_47, %dma_start3A_69] : memref<10752x128xf32, #tpu.memory_space<vmem_shared>> -> memref<96x128xf32, #tpu.memory_space<vmem_shared>>
      tpu.enqueue_dma source(%dma_start3A_70 : memref<96x128xf32, #tpu.memory_space<vmem_shared>>) target(%arg11 : memref<96x128xf32, #tpu.memory_space<vmem>>) target_semaphore(%run_scoped3A : memref<!tpu.dma_semaphore, #tpu.memory_space<semaphore_mem>>)
      %dma_wait3A = arith.constant 0 : i32
      %dma_wait3A_71 = tpu.memref_slice %arg12[%add3A_47, %dma_wait3A] : memref<10752x128xf32, #tpu.memory_space<vmem_shared>> -> memref<96x128xf32, #tpu.memory_space<vmem_shared>>
      %dma_wait3A_72 = arith.constant 0 : i32
      %dma_wait3A_73 = tpu.memref_slice %arg12[%add3A_47, %dma_wait3A_72] : memref<10752x128xf32, #tpu.memory_space<vmem_shared>> -> memref<96x128xf32, #tpu.memory_space<vmem_shared>>
      tpu.wait_dma2 semaphore(%run_scoped3A : memref<!tpu.dma_semaphore, #tpu.memory_space<semaphore_mem>>) src(%dma_wait3A_73 : memref<96x128xf32, #tpu.memory_space<vmem_shared>>) dst(%arg11 : memref<96x128xf32, #tpu.memory_space<vmem>>)
      tpu.yield
    }) : () -> ()
    "tpu.region"() ({
      %run_scoped3A = tpu.sem_alloc : memref<!tpu.dma_semaphore, #tpu.memory_space<semaphore_mem>>
      %dma_start3A = arith.constant 0 : i32
      %dma_start3A_68 = tpu.memref_slice %arg6[%arg0, %add3A_47, %dma_start3A] : memref<2x10752x128xf32, #tpu.memory_space<hbm>> -> memref<1x96x128xf32, #tpu.memory_space<hbm>>
      %dma_start3A_69 = tpu.memref_squeeze %dma_start3A_68 : memref<1x96x128xf32, #tpu.memory_space<hbm>> -> memref<96x128xf32, #tpu.memory_space<hbm>>
      %dma_start3A_70 = arith.constant 0 : i32
      %dma_start3A_71 = tpu.memref_slice %arg6[%arg0, %add3A_47, %dma_start3A_70] : memref<2x10752x128xf32, #tpu.memory_space<hbm>> -> memref<1x96x128xf32, #tpu.memory_space<hbm>>
      %dma_start3A_72 = tpu.memref_squeeze %dma_start3A_71 : memref<1x96x128xf32, #tpu.memory_space<hbm>> -> memref<96x128xf32, #tpu.memory_space<hbm>>
      tpu.enqueue_dma source(%arg11 : memref<96x128xf32, #tpu.memory_space<vmem>>) target(%dma_start3A_72 : memref<96x128xf32, #tpu.memory_space<hbm>>) target_semaphore(%run_scoped3A : memref<!tpu.dma_semaphore, #tpu.memory_space<semaphore_mem>>)
      %dma_wait3A = arith.constant 0 : i32
      %dma_wait3A_73 = tpu.memref_slice %arg6[%arg0, %add3A_47, %dma_wait3A] : memref<2x10752x128xf32, #tpu.memory_space<hbm>> -> memref<1x96x128xf32, #tpu.memory_space<hbm>>
      %dma_wait3A_74 = tpu.memref_squeeze %dma_wait3A_73 : memref<1x96x128xf32, #tpu.memory_space<hbm>> -> memref<96x128xf32, #tpu.memory_space<hbm>>
      %dma_wait3A_75 = arith.constant 0 : i32
      %dma_wait3A_76 = tpu.memref_slice %arg6[%arg0, %add3A_47, %dma_wait3A_75] : memref<2x10752x128xf32, #tpu.memory_space<hbm>> -> memref<1x96x128xf32, #tpu.memory_space<hbm>>
      %dma_wait3A_77 = tpu.memref_squeeze %dma_wait3A_76 : memref<1x96x128xf32, #tpu.memory_space<hbm>> -> memref<96x128xf32, #tpu.memory_space<hbm>>
      tpu.wait_dma2 semaphore(%run_scoped3A : memref<!tpu.dma_semaphore, #tpu.memory_space<semaphore_mem>>) src(%arg11 : memref<96x128xf32, #tpu.memory_space<vmem>>) dst(%dma_wait3A_77 : memref<96x128xf32, #tpu.memory_space<hbm>>)
      tpu.yield
    }) : () -> ()
    %mul3A_48 = arith.constant 672 : i32
    %mul3A_49 = arith.muli %arg1, %mul3A_48 : i32
    %add3A_50 = arith.constant 192 : i32
    %add3A_51 = arith.addi %mul3A_49, %add3A_50 : i32
    "tpu.region"() ({
      %run_scoped3A = tpu.sem_alloc : memref<!tpu.dma_semaphore, #tpu.memory_space<semaphore_mem>>
      %dma_start3A = arith.constant 0 : i32
      %dma_start3A_68 = tpu.memref_slice %arg12[%add3A_51, %dma_start3A] : memref<10752x128xf32, #tpu.memory_space<vmem_shared>> -> memref<96x128xf32, #tpu.memory_space<vmem_shared>>
      %dma_start3A_69 = arith.constant 0 : i32
      %dma_start3A_70 = tpu.memref_slice %arg12[%add3A_51, %dma_start3A_69] : memref<10752x128xf32, #tpu.memory_space<vmem_shared>> -> memref<96x128xf32, #tpu.memory_space<vmem_shared>>
      tpu.enqueue_dma source(%dma_start3A_70 : memref<96x128xf32, #tpu.memory_space<vmem_shared>>) target(%arg11 : memref<96x128xf32, #tpu.memory_space<vmem>>) target_semaphore(%run_scoped3A : memref<!tpu.dma_semaphore, #tpu.memory_space<semaphore_mem>>)
      %dma_wait3A = arith.constant 0 : i32
      %dma_wait3A_71 = tpu.memref_slice %arg12[%add3A_51, %dma_wait3A] : memref<10752x128xf32, #tpu.memory_space<vmem_shared>> -> memref<96x128xf32, #tpu.memory_space<vmem_shared>>
      %dma_wait3A_72 = arith.constant 0 : i32
      %dma_wait3A_73 = tpu.memref_slice %arg12[%add3A_51, %dma_wait3A_72] : memref<10752x128xf32, #tpu.memory_space<vmem_shared>> -> memref<96x128xf32, #tpu.memory_space<vmem_shared>>
      tpu.wait_dma2 semaphore(%run_scoped3A : memref<!tpu.dma_semaphore, #tpu.memory_space<semaphore_mem>>) src(%dma_wait3A_73 : memref<96x128xf32, #tpu.memory_space<vmem_shared>>) dst(%arg11 : memref<96x128xf32, #tpu.memory_space<vmem>>)
      tpu.yield
    }) : () -> ()
    "tpu.region"() ({
      %run_scoped3A = tpu.sem_alloc : memref<!tpu.dma_semaphore, #tpu.memory_space<semaphore_mem>>
      %dma_start3A = arith.constant 0 : i32
      %dma_start3A_68 = tpu.memref_slice %arg6[%arg0, %add3A_51, %dma_start3A] : memref<2x10752x128xf32, #tpu.memory_space<hbm>> -> memref<1x96x128xf32, #tpu.memory_space<hbm>>
      %dma_start3A_69 = tpu.memref_squeeze %dma_start3A_68 : memref<1x96x128xf32, #tpu.memory_space<hbm>> -> memref<96x128xf32, #tpu.memory_space<hbm>>
      %dma_start3A_70 = arith.constant 0 : i32
      %dma_start3A_71 = tpu.memref_slice %arg6[%arg0, %add3A_51, %dma_start3A_70] : memref<2x10752x128xf32, #tpu.memory_space<hbm>> -> memref<1x96x128xf32, #tpu.memory_space<hbm>>
      %dma_start3A_72 = tpu.memref_squeeze %dma_start3A_71 : memref<1x96x128xf32, #tpu.memory_space<hbm>> -> memref<96x128xf32, #tpu.memory_space<hbm>>
      tpu.enqueue_dma source(%arg11 : memref<96x128xf32, #tpu.memory_space<vmem>>) target(%dma_start3A_72 : memref<96x128xf32, #tpu.memory_space<hbm>>) target_semaphore(%run_scoped3A : memref<!tpu.dma_semaphore, #tpu.memory_space<semaphore_mem>>)
      %dma_wait3A = arith.constant 0 : i32
      %dma_wait3A_73 = tpu.memref_slice %arg6[%arg0, %add3A_51, %dma_wait3A] : memref<2x10752x128xf32, #tpu.memory_space<hbm>> -> memref<1x96x128xf32, #tpu.memory_space<hbm>>
      %dma_wait3A_74 = tpu.memref_squeeze %dma_wait3A_73 : memref<1x96x128xf32, #tpu.memory_space<hbm>> -> memref<96x128xf32, #tpu.memory_space<hbm>>
      %dma_wait3A_75 = arith.constant 0 : i32
      %dma_wait3A_76 = tpu.memref_slice %arg6[%arg0, %add3A_51, %dma_wait3A_75] : memref<2x10752x128xf32, #tpu.memory_space<hbm>> -> memref<1x96x128xf32, #tpu.memory_space<hbm>>
      %dma_wait3A_77 = tpu.memref_squeeze %dma_wait3A_76 : memref<1x96x128xf32, #tpu.memory_space<hbm>> -> memref<96x128xf32, #tpu.memory_space<hbm>>
      tpu.wait_dma2 semaphore(%run_scoped3A : memref<!tpu.dma_semaphore, #tpu.memory_space<semaphore_mem>>) src(%arg11 : memref<96x128xf32, #tpu.memory_space<vmem>>) dst(%dma_wait3A_77 : memref<96x128xf32, #tpu.memory_space<hbm>>)
      tpu.yield
    }) : () -> ()
    %mul3A_52 = arith.constant 672 : i32
    %mul3A_53 = arith.muli %arg1, %mul3A_52 : i32
    %add3A_54 = arith.constant 288 : i32
    %add3A_55 = arith.addi %mul3A_53, %add3A_54 : i32
    "tpu.region"() ({
      %run_scoped3A = tpu.sem_alloc : memref<!tpu.dma_semaphore, #tpu.memory_space<semaphore_mem>>
      %dma_start3A = arith.constant 0 : i32
      %dma_start3A_68 = tpu.memref_slice %arg12[%add3A_55, %dma_start3A] : memref<10752x128xf32, #tpu.memory_space<vmem_shared>> -> memref<96x128xf32, #tpu.memory_space<vmem_shared>>
      %dma_start3A_69 = arith.constant 0 : i32
      %dma_start3A_70 = tpu.memref_slice %arg12[%add3A_55, %dma_start3A_69] : memref<10752x128xf32, #tpu.memory_space<vmem_shared>> -> memref<96x128xf32, #tpu.memory_space<vmem_shared>>
      tpu.enqueue_dma source(%dma_start3A_70 : memref<96x128xf32, #tpu.memory_space<vmem_shared>>) target(%arg11 : memref<96x128xf32, #tpu.memory_space<vmem>>) target_semaphore(%run_scoped3A : memref<!tpu.dma_semaphore, #tpu.memory_space<semaphore_mem>>)
      %dma_wait3A = arith.constant 0 : i32
      %dma_wait3A_71 = tpu.memref_slice %arg12[%add3A_55, %dma_wait3A] : memref<10752x128xf32, #tpu.memory_space<vmem_shared>> -> memref<96x128xf32, #tpu.memory_space<vmem_shared>>
      %dma_wait3A_72 = arith.constant 0 : i32
      %dma_wait3A_73 = tpu.memref_slice %arg12[%add3A_55, %dma_wait3A_72] : memref<10752x128xf32, #tpu.memory_space<vmem_shared>> -> memref<96x128xf32, #tpu.memory_space<vmem_shared>>
      tpu.wait_dma2 semaphore(%run_scoped3A : memref<!tpu.dma_semaphore, #tpu.memory_space<semaphore_mem>>) src(%dma_wait3A_73 : memref<96x128xf32, #tpu.memory_space<vmem_shared>>) dst(%arg11 : memref<96x128xf32, #tpu.memory_space<vmem>>)
      tpu.yield
    }) : () -> ()
    "tpu.region"() ({
      %run_scoped3A = tpu.sem_alloc : memref<!tpu.dma_semaphore, #tpu.memory_space<semaphore_mem>>
      %dma_start3A = arith.constant 0 : i32
      %dma_start3A_68 = tpu.memref_slice %arg6[%arg0, %add3A_55, %dma_start3A] : memref<2x10752x128xf32, #tpu.memory_space<hbm>> -> memref<1x96x128xf32, #tpu.memory_space<hbm>>
      %dma_start3A_69 = tpu.memref_squeeze %dma_start3A_68 : memref<1x96x128xf32, #tpu.memory_space<hbm>> -> memref<96x128xf32, #tpu.memory_space<hbm>>
      %dma_start3A_70 = arith.constant 0 : i32
      %dma_start3A_71 = tpu.memref_slice %arg6[%arg0, %add3A_55, %dma_start3A_70] : memref<2x10752x128xf32, #tpu.memory_space<hbm>> -> memref<1x96x128xf32, #tpu.memory_space<hbm>>
      %dma_start3A_72 = tpu.memref_squeeze %dma_start3A_71 : memref<1x96x128xf32, #tpu.memory_space<hbm>> -> memref<96x128xf32, #tpu.memory_space<hbm>>
      tpu.enqueue_dma source(%arg11 : memref<96x128xf32, #tpu.memory_space<vmem>>) target(%dma_start3A_72 : memref<96x128xf32, #tpu.memory_space<hbm>>) target_semaphore(%run_scoped3A : memref<!tpu.dma_semaphore, #tpu.memory_space<semaphore_mem>>)
      %dma_wait3A = arith.constant 0 : i32
      %dma_wait3A_73 = tpu.memref_slice %arg6[%arg0, %add3A_55, %dma_wait3A] : memref<2x10752x128xf32, #tpu.memory_space<hbm>> -> memref<1x96x128xf32, #tpu.memory_space<hbm>>
      %dma_wait3A_74 = tpu.memref_squeeze %dma_wait3A_73 : memref<1x96x128xf32, #tpu.memory_space<hbm>> -> memref<96x128xf32, #tpu.memory_space<hbm>>
      %dma_wait3A_75 = arith.constant 0 : i32
      %dma_wait3A_76 = tpu.memref_slice %arg6[%arg0, %add3A_55, %dma_wait3A_75] : memref<2x10752x128xf32, #tpu.memory_space<hbm>> -> memref<1x96x128xf32, #tpu.memory_space<hbm>>
      %dma_wait3A_77 = tpu.memref_squeeze %dma_wait3A_76 : memref<1x96x128xf32, #tpu.memory_space<hbm>> -> memref<96x128xf32, #tpu.memory_space<hbm>>
      tpu.wait_dma2 semaphore(%run_scoped3A : memref<!tpu.dma_semaphore, #tpu.memory_space<semaphore_mem>>) src(%arg11 : memref<96x128xf32, #tpu.memory_space<vmem>>) dst(%dma_wait3A_77 : memref<96x128xf32, #tpu.memory_space<hbm>>)
      tpu.yield
    }) : () -> ()
    %mul3A_56 = arith.constant 672 : i32
    %mul3A_57 = arith.muli %arg1, %mul3A_56 : i32
    %add3A_58 = arith.constant 384 : i32
    %add3A_59 = arith.addi %mul3A_57, %add3A_58 : i32
    "tpu.region"() ({
      %run_scoped3A = tpu.sem_alloc : memref<!tpu.dma_semaphore, #tpu.memory_space<semaphore_mem>>
      %dma_start3A = arith.constant 0 : i32
      %dma_start3A_68 = tpu.memref_slice %arg12[%add3A_59, %dma_start3A] : memref<10752x128xf32, #tpu.memory_space<vmem_shared>> -> memref<96x128xf32, #tpu.memory_space<vmem_shared>>
      %dma_start3A_69 = arith.constant 0 : i32
      %dma_start3A_70 = tpu.memref_slice %arg12[%add3A_59, %dma_start3A_69] : memref<10752x128xf32, #tpu.memory_space<vmem_shared>> -> memref<96x128xf32, #tpu.memory_space<vmem_shared>>
      tpu.enqueue_dma source(%dma_start3A_70 : memref<96x128xf32, #tpu.memory_space<vmem_shared>>) target(%arg11 : memref<96x128xf32, #tpu.memory_space<vmem>>) target_semaphore(%run_scoped3A : memref<!tpu.dma_semaphore, #tpu.memory_space<semaphore_mem>>)
      %dma_wait3A = arith.constant 0 : i32
      %dma_wait3A_71 = tpu.memref_slice %arg12[%add3A_59, %dma_wait3A] : memref<10752x128xf32, #tpu.memory_space<vmem_shared>> -> memref<96x128xf32, #tpu.memory_space<vmem_shared>>
      %dma_wait3A_72 = arith.constant 0 : i32
      %dma_wait3A_73 = tpu.memref_slice %arg12[%add3A_59, %dma_wait3A_72] : memref<10752x128xf32, #tpu.memory_space<vmem_shared>> -> memref<96x128xf32, #tpu.memory_space<vmem_shared>>
      tpu.wait_dma2 semaphore(%run_scoped3A : memref<!tpu.dma_semaphore, #tpu.memory_space<semaphore_mem>>) src(%dma_wait3A_73 : memref<96x128xf32, #tpu.memory_space<vmem_shared>>) dst(%arg11 : memref<96x128xf32, #tpu.memory_space<vmem>>)
      tpu.yield
    }) : () -> ()
    "tpu.region"() ({
      %run_scoped3A = tpu.sem_alloc : memref<!tpu.dma_semaphore, #tpu.memory_space<semaphore_mem>>
      %dma_start3A = arith.constant 0 : i32
      %dma_start3A_68 = tpu.memref_slice %arg6[%arg0, %add3A_59, %dma_start3A] : memref<2x10752x128xf32, #tpu.memory_space<hbm>> -> memref<1x96x128xf32, #tpu.memory_space<hbm>>
      %dma_start3A_69 = tpu.memref_squeeze %dma_start3A_68 : memref<1x96x128xf32, #tpu.memory_space<hbm>> -> memref<96x128xf32, #tpu.memory_space<hbm>>
      %dma_start3A_70 = arith.constant 0 : i32
      %dma_start3A_71 = tpu.memref_slice %arg6[%arg0, %add3A_59, %dma_start3A_70] : memref<2x10752x128xf32, #tpu.memory_space<hbm>> -> memref<1x96x128xf32, #tpu.memory_space<hbm>>
      %dma_start3A_72 = tpu.memref_squeeze %dma_start3A_71 : memref<1x96x128xf32, #tpu.memory_space<hbm>> -> memref<96x128xf32, #tpu.memory_space<hbm>>
      tpu.enqueue_dma source(%arg11 : memref<96x128xf32, #tpu.memory_space<vmem>>) target(%dma_start3A_72 : memref<96x128xf32, #tpu.memory_space<hbm>>) target_semaphore(%run_scoped3A : memref<!tpu.dma_semaphore, #tpu.memory_space<semaphore_mem>>)
      %dma_wait3A = arith.constant 0 : i32
      %dma_wait3A_73 = tpu.memref_slice %arg6[%arg0, %add3A_59, %dma_wait3A] : memref<2x10752x128xf32, #tpu.memory_space<hbm>> -> memref<1x96x128xf32, #tpu.memory_space<hbm>>
      %dma_wait3A_74 = tpu.memref_squeeze %dma_wait3A_73 : memref<1x96x128xf32, #tpu.memory_space<hbm>> -> memref<96x128xf32, #tpu.memory_space<hbm>>
      %dma_wait3A_75 = arith.constant 0 : i32
      %dma_wait3A_76 = tpu.memref_slice %arg6[%arg0, %add3A_59, %dma_wait3A_75] : memref<2x10752x128xf32, #tpu.memory_space<hbm>> -> memref<1x96x128xf32, #tpu.memory_space<hbm>>
      %dma_wait3A_77 = tpu.memref_squeeze %dma_wait3A_76 : memref<1x96x128xf32, #tpu.memory_space<hbm>> -> memref<96x128xf32, #tpu.memory_space<hbm>>
      tpu.wait_dma2 semaphore(%run_scoped3A : memref<!tpu.dma_semaphore, #tpu.memory_space<semaphore_mem>>) src(%arg11 : memref<96x128xf32, #tpu.memory_space<vmem>>) dst(%dma_wait3A_77 : memref<96x128xf32, #tpu.memory_space<hbm>>)
      tpu.yield
    }) : () -> ()
    %mul3A_60 = arith.constant 672 : i32
    %mul3A_61 = arith.muli %arg1, %mul3A_60 : i32
    %add3A_62 = arith.constant 480 : i32
    %add3A_63 = arith.addi %mul3A_61, %add3A_62 : i32
    "tpu.region"() ({
      %run_scoped3A = tpu.sem_alloc : memref<!tpu.dma_semaphore, #tpu.memory_space<semaphore_mem>>
      %dma_start3A = arith.constant 0 : i32
      %dma_start3A_68 = tpu.memref_slice %arg12[%add3A_63, %dma_start3A] : memref<10752x128xf32, #tpu.memory_space<vmem_shared>> -> memref<96x128xf32, #tpu.memory_space<vmem_shared>>
      %dma_start3A_69 = arith.constant 0 : i32
      %dma_start3A_70 = tpu.memref_slice %arg12[%add3A_63, %dma_start3A_69] : memref<10752x128xf32, #tpu.memory_space<vmem_shared>> -> memref<96x128xf32, #tpu.memory_space<vmem_shared>>
      tpu.enqueue_dma source(%dma_start3A_70 : memref<96x128xf32, #tpu.memory_space<vmem_shared>>) target(%arg11 : memref<96x128xf32, #tpu.memory_space<vmem>>) target_semaphore(%run_scoped3A : memref<!tpu.dma_semaphore, #tpu.memory_space<semaphore_mem>>)
      %dma_wait3A = arith.constant 0 : i32
      %dma_wait3A_71 = tpu.memref_slice %arg12[%add3A_63, %dma_wait3A] : memref<10752x128xf32, #tpu.memory_space<vmem_shared>> -> memref<96x128xf32, #tpu.memory_space<vmem_shared>>
      %dma_wait3A_72 = arith.constant 0 : i32
      %dma_wait3A_73 = tpu.memref_slice %arg12[%add3A_63, %dma_wait3A_72] : memref<10752x128xf32, #tpu.memory_space<vmem_shared>> -> memref<96x128xf32, #tpu.memory_space<vmem_shared>>
      tpu.wait_dma2 semaphore(%run_scoped3A : memref<!tpu.dma_semaphore, #tpu.memory_space<semaphore_mem>>) src(%dma_wait3A_73 : memref<96x128xf32, #tpu.memory_space<vmem_shared>>) dst(%arg11 : memref<96x128xf32, #tpu.memory_space<vmem>>)
      tpu.yield
    }) : () -> ()
    "tpu.region"() ({
      %run_scoped3A = tpu.sem_alloc : memref<!tpu.dma_semaphore, #tpu.memory_space<semaphore_mem>>
      %dma_start3A = arith.constant 0 : i32
      %dma_start3A_68 = tpu.memref_slice %arg6[%arg0, %add3A_63, %dma_start3A] : memref<2x10752x128xf32, #tpu.memory_space<hbm>> -> memref<1x96x128xf32, #tpu.memory_space<hbm>>
      %dma_start3A_69 = tpu.memref_squeeze %dma_start3A_68 : memref<1x96x128xf32, #tpu.memory_space<hbm>> -> memref<96x128xf32, #tpu.memory_space<hbm>>
      %dma_start3A_70 = arith.constant 0 : i32
      %dma_start3A_71 = tpu.memref_slice %arg6[%arg0, %add3A_63, %dma_start3A_70] : memref<2x10752x128xf32, #tpu.memory_space<hbm>> -> memref<1x96x128xf32, #tpu.memory_space<hbm>>
      %dma_start3A_72 = tpu.memref_squeeze %dma_start3A_71 : memref<1x96x128xf32, #tpu.memory_space<hbm>> -> memref<96x128xf32, #tpu.memory_space<hbm>>
      tpu.enqueue_dma source(%arg11 : memref<96x128xf32, #tpu.memory_space<vmem>>) target(%dma_start3A_72 : memref<96x128xf32, #tpu.memory_space<hbm>>) target_semaphore(%run_scoped3A : memref<!tpu.dma_semaphore, #tpu.memory_space<semaphore_mem>>)
      %dma_wait3A = arith.constant 0 : i32
      %dma_wait3A_73 = tpu.memref_slice %arg6[%arg0, %add3A_63, %dma_wait3A] : memref<2x10752x128xf32, #tpu.memory_space<hbm>> -> memref<1x96x128xf32, #tpu.memory_space<hbm>>
      %dma_wait3A_74 = tpu.memref_squeeze %dma_wait3A_73 : memref<1x96x128xf32, #tpu.memory_space<hbm>> -> memref<96x128xf32, #tpu.memory_space<hbm>>
      %dma_wait3A_75 = arith.constant 0 : i32
      %dma_wait3A_76 = tpu.memref_slice %arg6[%arg0, %add3A_63, %dma_wait3A_75] : memref<2x10752x128xf32, #tpu.memory_space<hbm>> -> memref<1x96x128xf32, #tpu.memory_space<hbm>>
      %dma_wait3A_77 = tpu.memref_squeeze %dma_wait3A_76 : memref<1x96x128xf32, #tpu.memory_space<hbm>> -> memref<96x128xf32, #tpu.memory_space<hbm>>
      tpu.wait_dma2 semaphore(%run_scoped3A : memref<!tpu.dma_semaphore, #tpu.memory_space<semaphore_mem>>) src(%arg11 : memref<96x128xf32, #tpu.memory_space<vmem>>) dst(%dma_wait3A_77 : memref<96x128xf32, #tpu.memory_space<hbm>>)
      tpu.yield
    }) : () -> ()
    %mul3A_64 = arith.constant 672 : i32
    %mul3A_65 = arith.muli %arg1, %mul3A_64 : i32
    %add3A_66 = arith.constant 576 : i32
    %add3A_67 = arith.addi %mul3A_65, %add3A_66 : i32
    "tpu.region"() ({
      %run_scoped3A = tpu.sem_alloc : memref<!tpu.dma_semaphore, #tpu.memory_space<semaphore_mem>>
      %dma_start3A = arith.constant 0 : i32
      %dma_start3A_68 = tpu.memref_slice %arg12[%add3A_67, %dma_start3A] : memref<10752x128xf32, #tpu.memory_space<vmem_shared>> -> memref<96x128xf32, #tpu.memory_space<vmem_shared>>
      %dma_start3A_69 = arith.constant 0 : i32
      %dma_start3A_70 = tpu.memref_slice %arg12[%add3A_67, %dma_start3A_69] : memref<10752x128xf32, #tpu.memory_space<vmem_shared>> -> memref<96x128xf32, #tpu.memory_space<vmem_shared>>
      tpu.enqueue_dma source(%dma_start3A_70 : memref<96x128xf32, #tpu.memory_space<vmem_shared>>) target(%arg11 : memref<96x128xf32, #tpu.memory_space<vmem>>) target_semaphore(%run_scoped3A : memref<!tpu.dma_semaphore, #tpu.memory_space<semaphore_mem>>)
      %dma_wait3A = arith.constant 0 : i32
      %dma_wait3A_71 = tpu.memref_slice %arg12[%add3A_67, %dma_wait3A] : memref<10752x128xf32, #tpu.memory_space<vmem_shared>> -> memref<96x128xf32, #tpu.memory_space<vmem_shared>>
      %dma_wait3A_72 = arith.constant 0 : i32
      %dma_wait3A_73 = tpu.memref_slice %arg12[%add3A_67, %dma_wait3A_72] : memref<10752x128xf32, #tpu.memory_space<vmem_shared>> -> memref<96x128xf32, #tpu.memory_space<vmem_shared>>
      tpu.wait_dma2 semaphore(%run_scoped3A : memref<!tpu.dma_semaphore, #tpu.memory_space<semaphore_mem>>) src(%dma_wait3A_73 : memref<96x128xf32, #tpu.memory_space<vmem_shared>>) dst(%arg11 : memref<96x128xf32, #tpu.memory_space<vmem>>)
      tpu.yield
    }) : () -> ()
    "tpu.region"() ({
      %run_scoped3A = tpu.sem_alloc : memref<!tpu.dma_semaphore, #tpu.memory_space<semaphore_mem>>
      %dma_start3A = arith.constant 0 : i32
      %dma_start3A_68 = tpu.memref_slice %arg6[%arg0, %add3A_67, %dma_start3A] : memref<2x10752x128xf32, #tpu.memory_space<hbm>> -> memref<1x96x128xf32, #tpu.memory_space<hbm>>
      %dma_start3A_69 = tpu.memref_squeeze %dma_start3A_68 : memref<1x96x128xf32, #tpu.memory_space<hbm>> -> memref<96x128xf32, #tpu.memory_space<hbm>>
      %dma_start3A_70 = arith.constant 0 : i32
      %dma_start3A_71 = tpu.memref_slice %arg6[%arg0, %add3A_67, %dma_start3A_70] : memref<2x10752x128xf32, #tpu.memory_space<hbm>> -> memref<1x96x128xf32, #tpu.memory_space<hbm>>
      %dma_start3A_72 = tpu.memref_squeeze %dma_start3A_71 : memref<1x96x128xf32, #tpu.memory_space<hbm>> -> memref<96x128xf32, #tpu.memory_space<hbm>>
      tpu.enqueue_dma source(%arg11 : memref<96x128xf32, #tpu.memory_space<vmem>>) target(%dma_start3A_72 : memref<96x128xf32, #tpu.memory_space<hbm>>) target_semaphore(%run_scoped3A : memref<!tpu.dma_semaphore, #tpu.memory_space<semaphore_mem>>)
      %dma_wait3A = arith.constant 0 : i32
      %dma_wait3A_73 = tpu.memref_slice %arg6[%arg0, %add3A_67, %dma_wait3A] : memref<2x10752x128xf32, #tpu.memory_space<hbm>> -> memref<1x96x128xf32, #tpu.memory_space<hbm>>
      %dma_wait3A_74 = tpu.memref_squeeze %dma_wait3A_73 : memref<1x96x128xf32, #tpu.memory_space<hbm>> -> memref<96x128xf32, #tpu.memory_space<hbm>>
      %dma_wait3A_75 = arith.constant 0 : i32
      %dma_wait3A_76 = tpu.memref_slice %arg6[%arg0, %add3A_67, %dma_wait3A_75] : memref<2x10752x128xf32, #tpu.memory_space<hbm>> -> memref<1x96x128xf32, #tpu.memory_space<hbm>>
      %dma_wait3A_77 = tpu.memref_squeeze %dma_wait3A_76 : memref<1x96x128xf32, #tpu.memory_space<hbm>> -> memref<96x128xf32, #tpu.memory_space<hbm>>
      tpu.wait_dma2 semaphore(%run_scoped3A : memref<!tpu.dma_semaphore, #tpu.memory_space<semaphore_mem>>) src(%arg11 : memref<96x128xf32, #tpu.memory_space<vmem>>) dst(%dma_wait3A_77 : memref<96x128xf32, #tpu.memory_space<hbm>>)
      tpu.yield
    }) : () -> ()
    return
  }
}

#map = affine_map<(d0, d1) -> (0, 0)>
#map1 = affine_map<(d0, d1) -> (0)>
module attributes {stable_mosaic.version = 14 : i64} {
  func.func @_hgather_body(%arg0: i32, %arg1: i32, %arg2: memref<20480x128xf32, #tpu.memory_space<hbm>>, %arg3: memref<3072xi32, #tpu.memory_space<hbm>>, %arg4: memref<3072x128xf32, #tpu.memory_space<hbm>>, %arg5: memref<96xi32, #tpu.memory_space<vmem>>, %arg6: memref<96x128xf32, #tpu.memory_space<vmem>>, %arg7: memref<!tpu.dma_semaphore, #tpu.memory_space<semaphore_mem>>) attributes {dimension_semantics = [#tpu.dimension_semantics<core_parallel>, #tpu.dimension_semantics<subcore_parallel>], iteration_bounds = array<i64: 2, 16>, scalar_prefetch = 0 : i64, scratch_operands = 3 : i64, tpu.core_type = #tpu.core_type<sc_vector_subcore>, window_params = [{transform_indices = #map}, {transform_indices = #map1}, {transform_indices = #map}]} {
    %mul3A = arith.constant 2 : i32
    %mul3A_0 = arith.muli %arg1, %mul3A : i32
    %add3A = arith.addi %mul3A_0, %arg0 : i32
    %mul3A_1 = arith.constant 96 : i32
    %mul3A_2 = arith.muli %add3A, %mul3A_1 : i32
    "tpu.region"() ({
      %run_scoped3A = tpu.sem_alloc : memref<!tpu.dma_semaphore, #tpu.memory_space<semaphore_mem>>
      %dma_start3A_7 = tpu.memref_slice %arg3[%mul3A_2] : memref<3072xi32, #tpu.memory_space<hbm>> -> memref<96xi32, #tpu.memory_space<hbm>>
      %dma_start3A_8 = tpu.memref_slice %arg3[%mul3A_2] : memref<3072xi32, #tpu.memory_space<hbm>> -> memref<96xi32, #tpu.memory_space<hbm>>
      tpu.enqueue_dma source(%dma_start3A_8 : memref<96xi32, #tpu.memory_space<hbm>>) target(%arg5 : memref<96xi32, #tpu.memory_space<vmem>>) target_semaphore(%run_scoped3A : memref<!tpu.dma_semaphore, #tpu.memory_space<semaphore_mem>>)
      %dma_wait3A_9 = tpu.memref_slice %arg3[%mul3A_2] : memref<3072xi32, #tpu.memory_space<hbm>> -> memref<96xi32, #tpu.memory_space<hbm>>
      %dma_wait3A_10 = tpu.memref_slice %arg3[%mul3A_2] : memref<3072xi32, #tpu.memory_space<hbm>> -> memref<96xi32, #tpu.memory_space<hbm>>
      tpu.wait_dma2 semaphore(%run_scoped3A : memref<!tpu.dma_semaphore, #tpu.memory_space<semaphore_mem>>) src(%dma_wait3A_10 : memref<96xi32, #tpu.memory_space<hbm>>) dst(%arg5 : memref<96xi32, #tpu.memory_space<vmem>>)
      tpu.yield
    }) : () -> ()
    %dma_start3A = arith.constant 0 : i32
    %dma_start3A_3 = arith.constant 0 : i32
    %dma_start3A_4 = tpu.memref_slice %arg2[%dma_start3A, %dma_start3A_3] : memref<20480x128xf32, #tpu.memory_space<hbm>> -> memref<20480x128xf32, #tpu.memory_space<hbm>>
    tpu.enqueue_indirect_dma source(%dma_start3A_4 : memref<20480x128xf32, #tpu.memory_space<hbm>>) target(%arg6 : memref<96x128xf32, #tpu.memory_space<vmem>>) offsets(%arg5 : memref<96xi32, #tpu.memory_space<vmem>>) semaphore(%arg7 : memref<!tpu.dma_semaphore, #tpu.memory_space<semaphore_mem>>)
    %dma_wait3A = arith.constant 0 : i32
    %dma_wait3A_5 = arith.constant 0 : i32
    %dma_wait3A_6 = tpu.memref_slice %arg2[%dma_wait3A, %dma_wait3A_5] : memref<20480x128xf32, #tpu.memory_space<hbm>> -> memref<20480x128xf32, #tpu.memory_space<hbm>>
    tpu.wait_indirect_dma semaphore(%arg7 : memref<!tpu.dma_semaphore, #tpu.memory_space<semaphore_mem>>) src(%dma_wait3A_6 : memref<20480x128xf32, #tpu.memory_space<hbm>>) dst(%arg6 : memref<96x128xf32, #tpu.memory_space<vmem>>)
    "tpu.region"() ({
      %run_scoped3A = tpu.sem_alloc : memref<!tpu.dma_semaphore, #tpu.memory_space<semaphore_mem>>
      %dma_start3A_7 = arith.constant 0 : i32
      %dma_start3A_8 = tpu.memref_slice %arg4[%mul3A_2, %dma_start3A_7] : memref<3072x128xf32, #tpu.memory_space<hbm>> -> memref<96x128xf32, #tpu.memory_space<hbm>>
      %dma_start3A_9 = arith.constant 0 : i32
      %dma_start3A_10 = tpu.memref_slice %arg4[%mul3A_2, %dma_start3A_9] : memref<3072x128xf32, #tpu.memory_space<hbm>> -> memref<96x128xf32, #tpu.memory_space<hbm>>
      tpu.enqueue_dma source(%arg6 : memref<96x128xf32, #tpu.memory_space<vmem>>) target(%dma_start3A_10 : memref<96x128xf32, #tpu.memory_space<hbm>>) target_semaphore(%run_scoped3A : memref<!tpu.dma_semaphore, #tpu.memory_space<semaphore_mem>>)
      %dma_wait3A_11 = arith.constant 0 : i32
      %dma_wait3A_12 = tpu.memref_slice %arg4[%mul3A_2, %dma_wait3A_11] : memref<3072x128xf32, #tpu.memory_space<hbm>> -> memref<96x128xf32, #tpu.memory_space<hbm>>
      %dma_wait3A_13 = arith.constant 0 : i32
      %dma_wait3A_14 = tpu.memref_slice %arg4[%mul3A_2, %dma_wait3A_13] : memref<3072x128xf32, #tpu.memory_space<hbm>> -> memref<96x128xf32, #tpu.memory_space<hbm>>
      tpu.wait_dma2 semaphore(%run_scoped3A : memref<!tpu.dma_semaphore, #tpu.memory_space<semaphore_mem>>) src(%arg6 : memref<96x128xf32, #tpu.memory_space<vmem>>) dst(%dma_wait3A_14 : memref<96x128xf32, #tpu.memory_space<hbm>>)
      tpu.yield
    }) : () -> ()
    return
  }
}

#map = affine_map<(d0, d1) -> (0, 0)>
#map1 = affine_map<(d0, d1) -> (0)>
module attributes {stable_mosaic.version = 14 : i64} {
  func.func @_gather_body(%arg0: i32, %arg1: i32, %arg2: memref<20480x128xf32, #tpu.memory_space<hbm>>, %arg3: memref<20480x384xf32, #tpu.memory_space<hbm>>, %arg4: memref<125000x128xf32, #tpu.memory_space<hbm>>, %arg5: memref<602112xi32, #tpu.memory_space<hbm>>, %arg6: memref<200704x128xf32, #tpu.memory_space<hbm>>, %arg7: memref<200704x384xf32, #tpu.memory_space<hbm>>, %arg8: memref<200704x128xf32, #tpu.memory_space<hbm>>, %arg9: memref<384xi32, #tpu.memory_space<vmem>>, %arg10: memref<128x128xf32, #tpu.memory_space<vmem>>, %arg11: memref<128x384xf32, #tpu.memory_space<vmem>>, %arg12: memref<128x128xf32, #tpu.memory_space<vmem>>, %arg13: memref<!tpu.dma_semaphore, #tpu.memory_space<semaphore_mem>>) attributes {dimension_semantics = [#tpu.dimension_semantics<core_parallel>, #tpu.dimension_semantics<subcore_parallel>], iteration_bounds = array<i64: 2, 16>, scalar_prefetch = 0 : i64, scratch_operands = 5 : i64, tpu.core_type = #tpu.core_type<sc_vector_subcore>, window_params = [{transform_indices = #map}, {transform_indices = #map}, {transform_indices = #map}, {transform_indices = #map1}, {transform_indices = #map}, {transform_indices = #map}, {transform_indices = #map}]} {
    %mul3A = arith.constant 2 : i32
    %mul3A_0 = arith.muli %arg1, %mul3A : i32
    %add3A = arith.addi %mul3A_0, %arg0 : i32
    %scan3A = arith.constant 0 : i32
    %scan3A_1 = arith.constant 0 : i32
    %scan3A_2 = arith.constant 49 : i32
    %scan3A_3 = arith.addi %scan3A_1, %scan3A_2 : i32
    %scan3A_4 = arith.constant 1 : i32
    scf.for %scan3A_6 = %scan3A_1 to %scan3A_3 step %scan3A_4  : i32 {
      %mul3A_7 = arith.constant 6272 : i32
      %mul3A_8 = arith.muli %add3A, %mul3A_7 : i32
      %mul3A_9 = arith.constant 128 : i32
      %mul3A_10 = arith.muli %scan3A_6, %mul3A_9 : i32
      %add3A_11 = arith.addi %mul3A_8, %mul3A_10 : i32
      %mul3A_12 = arith.constant 49 : i32
      %mul3A_13 = arith.muli %add3A, %mul3A_12 : i32
      %add3A_14 = arith.addi %mul3A_13, %scan3A_6 : i32
      %mul3A_15 = arith.constant 3 : i32
      %mul3A_16 = arith.muli %add3A_14, %mul3A_15 : i32
      %mul3A_17 = arith.constant 128 : i32
      %mul3A_18 = arith.muli %mul3A_16, %mul3A_17 : i32
      "tpu.region"() ({
        %run_scoped3A = tpu.sem_alloc : memref<!tpu.dma_semaphore, #tpu.memory_space<semaphore_mem>>
        %dma_start3A_47 = tpu.memref_slice %arg5[%mul3A_18] : memref<602112xi32, #tpu.memory_space<hbm>> -> memref<384xi32, #tpu.memory_space<hbm>>
        %dma_start3A_48 = tpu.memref_slice %arg5[%mul3A_18] : memref<602112xi32, #tpu.memory_space<hbm>> -> memref<384xi32, #tpu.memory_space<hbm>>
        tpu.enqueue_dma source(%dma_start3A_48 : memref<384xi32, #tpu.memory_space<hbm>>) target(%arg9 : memref<384xi32, #tpu.memory_space<vmem>>) target_semaphore(%run_scoped3A : memref<!tpu.dma_semaphore, #tpu.memory_space<semaphore_mem>>)
        %dma_wait3A_49 = tpu.memref_slice %arg5[%mul3A_18] : memref<602112xi32, #tpu.memory_space<hbm>> -> memref<384xi32, #tpu.memory_space<hbm>>
        %dma_wait3A_50 = tpu.memref_slice %arg5[%mul3A_18] : memref<602112xi32, #tpu.memory_space<hbm>> -> memref<384xi32, #tpu.memory_space<hbm>>
        tpu.wait_dma2 semaphore(%run_scoped3A : memref<!tpu.dma_semaphore, #tpu.memory_space<semaphore_mem>>) src(%dma_wait3A_50 : memref<384xi32, #tpu.memory_space<hbm>>) dst(%arg9 : memref<384xi32, #tpu.memory_space<vmem>>)
        tpu.yield
      }) : () -> ()
      %dma_start3A = arith.constant 128 : i32
      %dma_start3A_19 = tpu.memref_slice %arg9[%dma_start3A] : memref<384xi32, #tpu.memory_space<vmem>> -> memref<128xi32, #tpu.memory_space<vmem>>
      %dma_start3A_20 = arith.constant 0 : i32
      %dma_start3A_21 = arith.constant 0 : i32
      %dma_start3A_22 = tpu.memref_slice %arg2[%dma_start3A_20, %dma_start3A_21] : memref<20480x128xf32, #tpu.memory_space<hbm>> -> memref<20480x128xf32, #tpu.memory_space<hbm>>
      tpu.enqueue_indirect_dma source(%dma_start3A_22 : memref<20480x128xf32, #tpu.memory_space<hbm>>) target(%arg10 : memref<128x128xf32, #tpu.memory_space<vmem>>) offsets(%dma_start3A_19 : memref<128xi32, #tpu.memory_space<vmem>>) semaphore(%arg13 : memref<!tpu.dma_semaphore, #tpu.memory_space<semaphore_mem>>)
      %dma_start3A_23 = arith.constant 0 : i32
      %dma_start3A_24 = tpu.memref_slice %arg9[%dma_start3A_23] : memref<384xi32, #tpu.memory_space<vmem>> -> memref<128xi32, #tpu.memory_space<vmem>>
      %dma_start3A_25 = arith.constant 0 : i32
      %dma_start3A_26 = arith.constant 0 : i32
      %dma_start3A_27 = tpu.memref_slice %arg3[%dma_start3A_25, %dma_start3A_26] : memref<20480x384xf32, #tpu.memory_space<hbm>> -> memref<20480x384xf32, #tpu.memory_space<hbm>>
      tpu.enqueue_indirect_dma source(%dma_start3A_27 : memref<20480x384xf32, #tpu.memory_space<hbm>>) target(%arg11 : memref<128x384xf32, #tpu.memory_space<vmem>>) offsets(%dma_start3A_24 : memref<128xi32, #tpu.memory_space<vmem>>) semaphore(%arg13 : memref<!tpu.dma_semaphore, #tpu.memory_space<semaphore_mem>>)
      %dma_start3A_28 = arith.constant 256 : i32
      %dma_start3A_29 = tpu.memref_slice %arg9[%dma_start3A_28] : memref<384xi32, #tpu.memory_space<vmem>> -> memref<128xi32, #tpu.memory_space<vmem>>
      %dma_start3A_30 = arith.constant 0 : i32
      %dma_start3A_31 = arith.constant 0 : i32
      %dma_start3A_32 = tpu.memref_slice %arg4[%dma_start3A_30, %dma_start3A_31] : memref<125000x128xf32, #tpu.memory_space<hbm>> -> memref<125000x128xf32, #tpu.memory_space<hbm>>
      tpu.enqueue_indirect_dma source(%dma_start3A_32 : memref<125000x128xf32, #tpu.memory_space<hbm>>) target(%arg12 : memref<128x128xf32, #tpu.memory_space<vmem>>) offsets(%dma_start3A_29 : memref<128xi32, #tpu.memory_space<vmem>>) semaphore(%arg13 : memref<!tpu.dma_semaphore, #tpu.memory_space<semaphore_mem>>)
      %dma_wait3A = arith.constant 128 : i32
      %dma_wait3A_33 = tpu.memref_slice %arg9[%dma_wait3A] : memref<384xi32, #tpu.memory_space<vmem>> -> memref<128xi32, #tpu.memory_space<vmem>>
      %dma_wait3A_34 = arith.constant 0 : i32
      %dma_wait3A_35 = arith.constant 0 : i32
      %dma_wait3A_36 = tpu.memref_slice %arg2[%dma_wait3A_34, %dma_wait3A_35] : memref<20480x128xf32, #tpu.memory_space<hbm>> -> memref<20480x128xf32, #tpu.memory_space<hbm>>
      tpu.wait_indirect_dma semaphore(%arg13 : memref<!tpu.dma_semaphore, #tpu.memory_space<semaphore_mem>>) src(%dma_wait3A_36 : memref<20480x128xf32, #tpu.memory_space<hbm>>) dst(%arg10 : memref<128x128xf32, #tpu.memory_space<vmem>>)
      %dma_wait3A_37 = arith.constant 0 : i32
      %dma_wait3A_38 = tpu.memref_slice %arg9[%dma_wait3A_37] : memref<384xi32, #tpu.memory_space<vmem>> -> memref<128xi32, #tpu.memory_space<vmem>>
      %dma_wait3A_39 = arith.constant 0 : i32
      %dma_wait3A_40 = arith.constant 0 : i32
      %dma_wait3A_41 = tpu.memref_slice %arg3[%dma_wait3A_39, %dma_wait3A_40] : memref<20480x384xf32, #tpu.memory_space<hbm>> -> memref<20480x384xf32, #tpu.memory_space<hbm>>
      tpu.wait_indirect_dma semaphore(%arg13 : memref<!tpu.dma_semaphore, #tpu.memory_space<semaphore_mem>>) src(%dma_wait3A_41 : memref<20480x384xf32, #tpu.memory_space<hbm>>) dst(%arg11 : memref<128x384xf32, #tpu.memory_space<vmem>>)
      %dma_wait3A_42 = arith.constant 256 : i32
      %dma_wait3A_43 = tpu.memref_slice %arg9[%dma_wait3A_42] : memref<384xi32, #tpu.memory_space<vmem>> -> memref<128xi32, #tpu.memory_space<vmem>>
      %dma_wait3A_44 = arith.constant 0 : i32
      %dma_wait3A_45 = arith.constant 0 : i32
      %dma_wait3A_46 = tpu.memref_slice %arg4[%dma_wait3A_44, %dma_wait3A_45] : memref<125000x128xf32, #tpu.memory_space<hbm>> -> memref<125000x128xf32, #tpu.memory_space<hbm>>
      tpu.wait_indirect_dma semaphore(%arg13 : memref<!tpu.dma_semaphore, #tpu.memory_space<semaphore_mem>>) src(%dma_wait3A_46 : memref<125000x128xf32, #tpu.memory_space<hbm>>) dst(%arg12 : memref<128x128xf32, #tpu.memory_space<vmem>>)
      "tpu.region"() ({
        %run_scoped3A = tpu.sem_alloc : memref<!tpu.dma_semaphore, #tpu.memory_space<semaphore_mem>>
        %dma_start3A_47 = arith.constant 0 : i32
        %dma_start3A_48 = tpu.memref_slice %arg6[%add3A_11, %dma_start3A_47] : memref<200704x128xf32, #tpu.memory_space<hbm>> -> memref<128x128xf32, #tpu.memory_space<hbm>>
        %dma_start3A_49 = arith.constant 0 : i32
        %dma_start3A_50 = tpu.memref_slice %arg6[%add3A_11, %dma_start3A_49] : memref<200704x128xf32, #tpu.memory_space<hbm>> -> memref<128x128xf32, #tpu.memory_space<hbm>>
        tpu.enqueue_dma source(%arg10 : memref<128x128xf32, #tpu.memory_space<vmem>>) target(%dma_start3A_50 : memref<128x128xf32, #tpu.memory_space<hbm>>) target_semaphore(%run_scoped3A : memref<!tpu.dma_semaphore, #tpu.memory_space<semaphore_mem>>)
        %dma_wait3A_51 = arith.constant 0 : i32
        %dma_wait3A_52 = tpu.memref_slice %arg6[%add3A_11, %dma_wait3A_51] : memref<200704x128xf32, #tpu.memory_space<hbm>> -> memref<128x128xf32, #tpu.memory_space<hbm>>
        %dma_wait3A_53 = arith.constant 0 : i32
        %dma_wait3A_54 = tpu.memref_slice %arg6[%add3A_11, %dma_wait3A_53] : memref<200704x128xf32, #tpu.memory_space<hbm>> -> memref<128x128xf32, #tpu.memory_space<hbm>>
        tpu.wait_dma2 semaphore(%run_scoped3A : memref<!tpu.dma_semaphore, #tpu.memory_space<semaphore_mem>>) src(%arg10 : memref<128x128xf32, #tpu.memory_space<vmem>>) dst(%dma_wait3A_54 : memref<128x128xf32, #tpu.memory_space<hbm>>)
        tpu.yield
      }) : () -> ()
      "tpu.region"() ({
        %run_scoped3A = tpu.sem_alloc : memref<!tpu.dma_semaphore, #tpu.memory_space<semaphore_mem>>
        %dma_start3A_47 = arith.constant 0 : i32
        %dma_start3A_48 = tpu.memref_slice %arg7[%add3A_11, %dma_start3A_47] : memref<200704x384xf32, #tpu.memory_space<hbm>> -> memref<128x384xf32, #tpu.memory_space<hbm>>
        %dma_start3A_49 = arith.constant 0 : i32
        %dma_start3A_50 = tpu.memref_slice %arg7[%add3A_11, %dma_start3A_49] : memref<200704x384xf32, #tpu.memory_space<hbm>> -> memref<128x384xf32, #tpu.memory_space<hbm>>
        tpu.enqueue_dma source(%arg11 : memref<128x384xf32, #tpu.memory_space<vmem>>) target(%dma_start3A_50 : memref<128x384xf32, #tpu.memory_space<hbm>>) target_semaphore(%run_scoped3A : memref<!tpu.dma_semaphore, #tpu.memory_space<semaphore_mem>>)
        %dma_wait3A_51 = arith.constant 0 : i32
        %dma_wait3A_52 = tpu.memref_slice %arg7[%add3A_11, %dma_wait3A_51] : memref<200704x384xf32, #tpu.memory_space<hbm>> -> memref<128x384xf32, #tpu.memory_space<hbm>>
        %dma_wait3A_53 = arith.constant 0 : i32
        %dma_wait3A_54 = tpu.memref_slice %arg7[%add3A_11, %dma_wait3A_53] : memref<200704x384xf32, #tpu.memory_space<hbm>> -> memref<128x384xf32, #tpu.memory_space<hbm>>
        tpu.wait_dma2 semaphore(%run_scoped3A : memref<!tpu.dma_semaphore, #tpu.memory_space<semaphore_mem>>) src(%arg11 : memref<128x384xf32, #tpu.memory_space<vmem>>) dst(%dma_wait3A_54 : memref<128x384xf32, #tpu.memory_space<hbm>>)
        tpu.yield
      }) : () -> ()
      "tpu.region"() ({
        %run_scoped3A = tpu.sem_alloc : memref<!tpu.dma_semaphore, #tpu.memory_space<semaphore_mem>>
        %dma_start3A_47 = arith.constant 0 : i32
        %dma_start3A_48 = tpu.memref_slice %arg8[%add3A_11, %dma_start3A_47] : memref<200704x128xf32, #tpu.memory_space<hbm>> -> memref<128x128xf32, #tpu.memory_space<hbm>>
        %dma_start3A_49 = arith.constant 0 : i32
        %dma_start3A_50 = tpu.memref_slice %arg8[%add3A_11, %dma_start3A_49] : memref<200704x128xf32, #tpu.memory_space<hbm>> -> memref<128x128xf32, #tpu.memory_space<hbm>>
        tpu.enqueue_dma source(%arg12 : memref<128x128xf32, #tpu.memory_space<vmem>>) target(%dma_start3A_50 : memref<128x128xf32, #tpu.memory_space<hbm>>) target_semaphore(%run_scoped3A : memref<!tpu.dma_semaphore, #tpu.memory_space<semaphore_mem>>)
        %dma_wait3A_51 = arith.constant 0 : i32
        %dma_wait3A_52 = tpu.memref_slice %arg8[%add3A_11, %dma_wait3A_51] : memref<200704x128xf32, #tpu.memory_space<hbm>> -> memref<128x128xf32, #tpu.memory_space<hbm>>
        %dma_wait3A_53 = arith.constant 0 : i32
        %dma_wait3A_54 = tpu.memref_slice %arg8[%add3A_11, %dma_wait3A_53] : memref<200704x128xf32, #tpu.memory_space<hbm>> -> memref<128x128xf32, #tpu.memory_space<hbm>>
        tpu.wait_dma2 semaphore(%run_scoped3A : memref<!tpu.dma_semaphore, #tpu.memory_space<semaphore_mem>>) src(%arg12 : memref<128x128xf32, #tpu.memory_space<vmem>>) dst(%dma_wait3A_54 : memref<128x128xf32, #tpu.memory_space<hbm>>)
        tpu.yield
      }) : () -> ()
    }
    %scan3A_5 = arith.constant 49 : i32
    return
  }
}

module attributes {stable_mosaic.version = 14 : i64} {
  func.func @_proj_body(%arg0: i32, %arg1: memref<512x64xf32, #tpu.memory_space<vmem>>, %arg2: memref<512x64xf32, #tpu.memory_space<vmem>>, %arg3: memref<512x1xf32, #tpu.memory_space<vmem>>, %arg4: memref<128x128xf32, #tpu.memory_space<vmem>>, %arg5: memref<128x128xf32, #tpu.memory_space<vmem>>, %arg6: memref<128x128xf32, #tpu.memory_space<vmem>>, %arg7: memref<128x128xf32, #tpu.memory_space<vmem>>, %arg8: memref<512x128xf32, #tpu.memory_space<vmem>>, %arg9: memref<512x384xf32, #tpu.memory_space<vmem>>, %arg10: memref<512x128xf32, #tpu.memory_space<vmem>>) attributes {dimension_semantics = [#tpu.dimension_semantics<arbitrary>], iteration_bounds = array<i64: 40>, scalar_prefetch = 0 : i64, scratch_operands = 0 : i64, tpu.core_type = #tpu.core_type<tc>, window_params = [{transform_indices = @transform_0, window_bounds = array<i64: 512, 64>}, {transform_indices = @transform_1, window_bounds = array<i64: 512, 64>}, {transform_indices = @transform_2, window_bounds = array<i64: 512, 1>}, {pipeline_mode = #tpu.pipeline_mode<synchronous>, transform_indices = @transform_3, window_bounds = array<i64: 128, 128>}, {pipeline_mode = #tpu.pipeline_mode<synchronous>, transform_indices = @transform_4, window_bounds = array<i64: 128, 128>}, {pipeline_mode = #tpu.pipeline_mode<synchronous>, transform_indices = @transform_5, window_bounds = array<i64: 128, 128>}, {pipeline_mode = #tpu.pipeline_mode<synchronous>, transform_indices = @transform_6, window_bounds = array<i64: 128, 128>}, {transform_indices = @transform_7, window_bounds = array<i64: 512, 128>}, {transform_indices = @transform_8, window_bounds = array<i64: 512, 384>}, {transform_indices = @transform_9, window_bounds = array<i64: 512, 128>}]} {
    %get3A = arith.constant 0 : index
    %get3A_0 = arith.constant 0 : index
    %get3A_1 = vector.load %arg1[%get3A, %get3A_0] : memref<512x64xf32, #tpu.memory_space<vmem>>, vector<512x64xf32>
    %get3A_2 = arith.constant 0 : index
    %get3A_3 = arith.constant 0 : index
    %get3A_4 = vector.load %arg2[%get3A_2, %get3A_3] : memref<512x64xf32, #tpu.memory_space<vmem>>, vector<512x64xf32>
    %concatenate3A = tpu.concatenate %get3A_1, %get3A_4 in 1 : vector<512x64xf32>, vector<512x64xf32> -> vector<512x128xf32>
    %get3A_5 = arith.constant 0 : index
    %get3A_6 = arith.constant 0 : index
    %get3A_7 = vector.load %arg4[%get3A_5, %get3A_6] : memref<128x128xf32, #tpu.memory_space<vmem>>, vector<128x128xf32>
    %dot_general3A = arith.constant dense<0.000000e+00> : vector<512x128xf32>
    %dot_general3A_8 = tpu.matmul %concatenate3A, %get3A_7, %dot_general3A {dimension_numbers = #tpu.dot_dimension_numbers<[1], [0], [0], [1], [0, 0, 1, 1], [], []>, transpose_lhs_hint = false} : vector<512x128xf32>, vector<128x128xf32>, vector<512x128xf32> -> vector<512x128xf32>
    %swap3A = arith.constant 0 : index
    %swap3A_9 = arith.constant 0 : index
    %swap3A_10 = vector.load %arg8[%swap3A, %swap3A_9] : memref<512x128xf32, #tpu.memory_space<vmem>>, vector<512x128xf32>
    tpu.vector_store %arg8[%swap3A, %swap3A_9], %dot_general3A_8 {strides = array<i32>} : memref<512x128xf32, #tpu.memory_space<vmem>>, vector<512x128xf32>,
    %get3A_11 = arith.constant 0 : index
    %get3A_12 = arith.constant 0 : index
    %get3A_13 = vector.load %arg5[%get3A_11, %get3A_12] : memref<128x128xf32, #tpu.memory_space<vmem>>, vector<128x128xf32>
    %dot_general3A_14 = arith.constant dense<0.000000e+00> : vector<512x128xf32>
    %dot_general3A_15 = tpu.matmul %concatenate3A, %get3A_13, %dot_general3A_14 {dimension_numbers = #tpu.dot_dimension_numbers<[1], [0], [0], [1], [0, 0, 1, 1], [], []>, transpose_lhs_hint = false} : vector<512x128xf32>, vector<128x128xf32>, vector<512x128xf32> -> vector<512x128xf32>
    %get3A_16 = arith.constant 0 : index
    %get3A_17 = arith.constant 0 : index
    %get3A_18 = vector.load %arg6[%get3A_16, %get3A_17] : memref<128x128xf32, #tpu.memory_space<vmem>>, vector<128x128xf32>
    %dot_general3A_19 = arith.constant dense<0.000000e+00> : vector<512x128xf32>
    %dot_general3A_20 = tpu.matmul %concatenate3A, %get3A_18, %dot_general3A_19 {dimension_numbers = #tpu.dot_dimension_numbers<[1], [0], [0], [1], [0, 0, 1, 1], [], []>, transpose_lhs_hint = false} : vector<512x128xf32>, vector<128x128xf32>, vector<512x128xf32> -> vector<512x128xf32>
    %get3A_21 = arith.constant 0 : index
    %get3A_22 = arith.constant 0 : index
    %get3A_23 = vector.load %arg3[%get3A_21, %get3A_22] : memref<512x1xf32, #tpu.memory_space<vmem>>, vector<512x1xf32>
    %broadcast_in_dim3A = arith.constant 0.000000e+00 : f32
    %broadcast_in_dim3A_24 = vector.broadcast %broadcast_in_dim3A : f32 to vector<512x127xf32>
    %concatenate3A_25 = tpu.concatenate %dot_general3A_15, %dot_general3A_20, %get3A_23, %broadcast_in_dim3A_24 in 1 : vector<512x128xf32>, vector<512x128xf32>, vector<512x1xf32>, vector<512x127xf32> -> vector<512x384xf32>
    %swap3A_26 = arith.constant 0 : index
    %swap3A_27 = arith.constant 0 : index
    %swap3A_28 = vector.load %arg9[%swap3A_26, %swap3A_27] : memref<512x384xf32, #tpu.memory_space<vmem>>, vector<512x384xf32>
    tpu.vector_store %arg9[%swap3A_26, %swap3A_27], %concatenate3A_25 {strides = array<i32>} : memref<512x384xf32, #tpu.memory_space<vmem>>, vector<512x384xf32>,
    %get3A_29 = arith.constant 0 : index
    %get3A_30 = arith.constant 0 : index
    %get3A_31 = vector.load %arg7[%get3A_29, %get3A_30] : memref<128x128xf32, #tpu.memory_space<vmem>>, vector<128x128xf32>
    %dot_general3A_32 = arith.constant dense<0.000000e+00> : vector<512x128xf32>
    %dot_general3A_33 = tpu.matmul %concatenate3A, %get3A_31, %dot_general3A_32 {dimension_numbers = #tpu.dot_dimension_numbers<[1], [0], [0], [1], [0, 0, 1, 1], [], []>, transpose_lhs_hint = false} : vector<512x128xf32>, vector<128x128xf32>, vector<512x128xf32> -> vector<512x128xf32>
    %swap3A_34 = arith.constant 0 : index
    %swap3A_35 = arith.constant 0 : index
    %swap3A_36 = vector.load %arg10[%swap3A_34, %swap3A_35] : memref<512x128xf32, #tpu.memory_space<vmem>>, vector<512x128xf32>
    tpu.vector_store %arg10[%swap3A_34, %swap3A_35], %dot_general3A_33 {strides = array<i32>} : memref<512x128xf32, #tpu.memory_space<vmem>>, vector<512x128xf32>,
    return
  }
  func.func @transform_0(%arg0: i32) -> (i32, i32) {
    %c0_i32 = arith.constant 0 : i32
    %c0_i32_0 = arith.constant 0 : i32
    return %arg0, %c0_i32 : i32, i32
  }
  func.func @transform_1(%arg0: i32) -> (i32, i32) {
    %c0_i32 = arith.constant 0 : i32
    %c0_i32_0 = arith.constant 0 : i32
    return %arg0, %c0_i32 : i32, i32
  }
  func.func @transform_2(%arg0: i32) -> (i32, i32) {
    %c0_i32 = arith.constant 0 : i32
    %c0_i32_0 = arith.constant 0 : i32
    return %arg0, %c0_i32 : i32, i32
  }
  func.func @transform_3(%arg0: i32) -> (i32, i32) {
    %c0_i32 = arith.constant 0 : i32
    %c0_i32_0 = arith.constant 0 : i32
    %c0_i32_1 = arith.constant 0 : i32
    return %c0_i32, %c0_i32_0 : i32, i32
  }
  func.func @transform_4(%arg0: i32) -> (i32, i32) {
    %c0_i32 = arith.constant 0 : i32
    %c0_i32_0 = arith.constant 0 : i32
    %c0_i32_1 = arith.constant 0 : i32
    return %c0_i32, %c0_i32_0 : i32, i32
  }
  func.func @transform_5(%arg0: i32) -> (i32, i32) {
    %c0_i32 = arith.constant 0 : i32
    %c0_i32_0 = arith.constant 0 : i32
    %c0_i32_1 = arith.constant 0 : i32
    return %c0_i32, %c0_i32_0 : i32, i32
  }
  func.func @transform_6(%arg0: i32) -> (i32, i32) {
    %c0_i32 = arith.constant 0 : i32
    %c0_i32_0 = arith.constant 0 : i32
    %c0_i32_1 = arith.constant 0 : i32
    return %c0_i32, %c0_i32_0 : i32, i32
  }
  func.func @transform_7(%arg0: i32) -> (i32, i32) {
    %c0_i32 = arith.constant 0 : i32
    %c0_i32_0 = arith.constant 0 : i32
    return %arg0, %c0_i32 : i32, i32
  }
  func.func @transform_8(%arg0: i32) -> (i32, i32) {
    %c0_i32 = arith.constant 0 : i32
    %c0_i32_0 = arith.constant 0 : i32
    return %arg0, %c0_i32 : i32, i32
  }
  func.func @transform_9(%arg0: i32) -> (i32, i32) {
    %c0_i32 = arith.constant 0 : i32
    %c0_i32_0 = arith.constant 0 : i32
    return %arg0, %c0_i32 : i32, i32
  }
}

module attributes {stable_mosaic.version = 14 : i64} {
  func.func @_edge_body(%arg0: i32, %arg1: memref<1024x128xf32, #tpu.memory_space<vmem>>, %arg2: memref<1024x384xf32, #tpu.memory_space<vmem>>, %arg3: memref<1024x128xf32, #tpu.memory_space<vmem>>, %arg4: memref<1024x1xi32, #tpu.memory_space<vmem>>, %arg5: memref<1024x1xi32, #tpu.memory_space<vmem>>, %arg6: memref<1x32xf32, #tpu.memory_space<vmem>>, %arg7: memref<1x32xf32, #tpu.memory_space<vmem>>, %arg8: memref<48x128xf32, #tpu.memory_space<vmem>>, %arg9: memref<1024x128xf32, #tpu.memory_space<vmem>>, %arg10: memref<320x128xf32, #tpu.memory_space<vmem>>) attributes {dimension_semantics = [#tpu.dimension_semantics<arbitrary>], iteration_bounds = array<i64: 196>, scalar_prefetch = 0 : i64, scratch_operands = 0 : i64, tpu.core_type = #tpu.core_type<tc>, window_params = [{transform_indices = @transform_0, window_bounds = array<i64: 1024, 128>}, {transform_indices = @transform_1, window_bounds = array<i64: 1024, 384>}, {transform_indices = @transform_2, window_bounds = array<i64: 1024, 128>}, {transform_indices = @transform_3, window_bounds = array<i64: 1024, 1>}, {transform_indices = @transform_4, window_bounds = array<i64: 1024, 1>}, {pipeline_mode = #tpu.pipeline_mode<synchronous>, transform_indices = @transform_5, window_bounds = array<i64: 1, 32>}, {pipeline_mode = #tpu.pipeline_mode<synchronous>, transform_indices = @transform_6, window_bounds = array<i64: 1, 32>}, {pipeline_mode = #tpu.pipeline_mode<synchronous>, transform_indices = @transform_7, window_bounds = array<i64: 48, 128>}, {transform_indices = @transform_8, window_bounds = array<i64: 1024, 128>}, {transform_indices = @transform_9, window_bounds = array<i64: 320, 128>}]} {
    %get3A = arith.constant 0 : index
    %get3A_0 = arith.constant 0 : index
    %get3A_1 = vector.load %arg5[%get3A, %get3A_0] : memref<1024x1xi32, #tpu.memory_space<vmem>>, vector<1024x1xi32>
    %and3A = arith.constant 3 : i32
    %and3A_2 = vector.broadcast %and3A : i32 to vector<1024x1xi32>
    %and3A_3 = arith.andi %get3A_1, %and3A_2 : vector<1024x1xi32>
    %eq3A = arith.constant 0 : i32
    %eq3A_4 = vector.broadcast %eq3A : i32 to vector<1024x1xi32>
    %eq3A_5 = arith.cmpi eq, %and3A_3, %eq3A_4 : vector<1024x1xi32>
    %get3A_6 = arith.constant 0 : index
    %get3A_7 = arith.constant 0 : index
    %get3A_8 = vector.load %arg3[%get3A_6, %get3A_7] : memref<1024x128xf32, #tpu.memory_space<vmem>>, vector<1024x32xf32>
    %jit3A = arith.constant 0.000000e+00 : f32
    %broadcast_in_dim3A = vector.shape_cast %eq3A_5 : vector<1024x1xi1> to vector<1024x1xi1>
    %broadcast_in_dim3A_9 = vector.broadcast %broadcast_in_dim3A : vector<1024x1xi1> to vector<1024x32xi1>
    %broadcast_in_dim3A_10 = vector.broadcast %jit3A : f32 to vector<1024x32xf32>
    %select_n3A = arith.select %broadcast_in_dim3A_9, %get3A_8, %broadcast_in_dim3A_10 : vector<1024x32xi1>, vector<1024x32xf32>
    %eq3A_11 = arith.constant 1 : i32
    %eq3A_12 = vector.broadcast %eq3A_11 : i32 to vector<1024x1xi32>
    %eq3A_13 = arith.cmpi eq, %and3A_3, %eq3A_12 : vector<1024x1xi32>
    %get3A_14 = arith.constant 0 : index
    %get3A_15 = arith.constant 32 : index
    %get3A_16 = vector.load %arg3[%get3A_14, %get3A_15] : memref<1024x128xf32, #tpu.memory_space<vmem>>, vector<1024x32xf32>
    %jit3A_17 = arith.constant 0.000000e+00 : f32
    %broadcast_in_dim3A_18 = vector.shape_cast %eq3A_13 : vector<1024x1xi1> to vector<1024x1xi1>
    %broadcast_in_dim3A_19 = vector.broadcast %broadcast_in_dim3A_18 : vector<1024x1xi1> to vector<1024x32xi1>
    %broadcast_in_dim3A_20 = vector.broadcast %jit3A_17 : f32 to vector<1024x32xf32>
    %select_n3A_21 = arith.select %broadcast_in_dim3A_19, %get3A_16, %broadcast_in_dim3A_20 : vector<1024x32xi1>, vector<1024x32xf32>
    %add3A = arith.addf %select_n3A, %select_n3A_21 : vector<1024x32xf32>
    %eq3A_22 = arith.constant 2 : i32
    %eq3A_23 = vector.broadcast %eq3A_22 : i32 to vector<1024x1xi32>
    %eq3A_24 = arith.cmpi eq, %and3A_3, %eq3A_23 : vector<1024x1xi32>
    %get3A_25 = arith.constant 0 : index
    %get3A_26 = arith.constant 64 : index
    %get3A_27 = vector.load %arg3[%get3A_25, %get3A_26] : memref<1024x128xf32, #tpu.memory_space<vmem>>, vector<1024x32xf32>
    %jit3A_28 = arith.constant 0.000000e+00 : f32
    %broadcast_in_dim3A_29 = vector.shape_cast %eq3A_24 : vector<1024x1xi1> to vector<1024x1xi1>
    %broadcast_in_dim3A_30 = vector.broadcast %broadcast_in_dim3A_29 : vector<1024x1xi1> to vector<1024x32xi1>
    %broadcast_in_dim3A_31 = vector.broadcast %jit3A_28 : f32 to vector<1024x32xf32>
    %select_n3A_32 = arith.select %broadcast_in_dim3A_30, %get3A_27, %broadcast_in_dim3A_31 : vector<1024x32xi1>, vector<1024x32xf32>
    %add3A_33 = arith.addf %add3A, %select_n3A_32 : vector<1024x32xf32>
    %eq3A_34 = arith.constant 3 : i32
    %eq3A_35 = vector.broadcast %eq3A_34 : i32 to vector<1024x1xi32>
    %eq3A_36 = arith.cmpi eq, %and3A_3, %eq3A_35 : vector<1024x1xi32>
    %get3A_37 = arith.constant 0 : index
    %get3A_38 = arith.constant 96 : index
    %get3A_39 = vector.load %arg3[%get3A_37, %get3A_38] : memref<1024x128xf32, #tpu.memory_space<vmem>>, vector<1024x32xf32>
    %jit3A_40 = arith.constant 0.000000e+00 : f32
    %broadcast_in_dim3A_41 = vector.shape_cast %eq3A_36 : vector<1024x1xi1> to vector<1024x1xi1>
    %broadcast_in_dim3A_42 = vector.broadcast %broadcast_in_dim3A_41 : vector<1024x1xi1> to vector<1024x32xi1>
    %broadcast_in_dim3A_43 = vector.broadcast %jit3A_40 : f32 to vector<1024x32xf32>
    %select_n3A_44 = arith.select %broadcast_in_dim3A_42, %get3A_39, %broadcast_in_dim3A_43 : vector<1024x32xi1>, vector<1024x32xf32>
    %add3A_45 = arith.addf %add3A_33, %select_n3A_44 : vector<1024x32xf32>
    %get3A_46 = arith.constant 0 : index
    %get3A_47 = arith.constant 256 : index
    %get3A_48 = vector.load %arg2[%get3A_46, %get3A_47] : memref<1024x384xf32, #tpu.memory_space<vmem>>, vector<1024x1xf32>
    %slice3A = vector.extract_strided_slice %add3A_45 {offsets = [0, 16], sizes = [1024, 1], strides = [1, 1]} : vector<1024x32xf32> to vector<1024x1xf32>
    %sub3A = arith.subf %get3A_48, %slice3A : vector<1024x1xf32>
    %get3A_49 = arith.constant 0 : index
    %get3A_50 = arith.constant 0 : index
    %get3A_51 = vector.load %arg6[%get3A_49, %get3A_50] : memref<1x32xf32, #tpu.memory_space<vmem>>, vector<1x32xf32>
    %mul3A = vector.broadcast %sub3A : vector<1024x1xf32> to vector<1024x32xf32>
    %mul3A_52 = vector.broadcast %get3A_51 : vector<1x32xf32> to vector<1024x32xf32>
    %mul3A_53 = arith.mulf %mul3A, %mul3A_52 : vector<1024x32xf32>
    %get3A_54 = arith.constant 0 : index
    %get3A_55 = arith.constant 0 : index
    %get3A_56 = vector.load %arg7[%get3A_54, %get3A_55] : memref<1x32xf32, #tpu.memory_space<vmem>>, vector<1x32xf32>
    %add3A_57 = vector.broadcast %get3A_56 : vector<1x32xf32> to vector<1024x32xf32>
    %add3A_58 = arith.addf %mul3A_53, %add3A_57 : vector<1024x32xf32>
    %cos3A = math.cos %add3A_58 : vector<1024x32xf32>
    %slice3A_59 = vector.extract_strided_slice %add3A_45 {offsets = [0, 0], sizes = [1024, 16], strides = [1, 1]} : vector<1024x32xf32> to vector<1024x16xf32>
    %concatenate3A = tpu.concatenate %cos3A, %slice3A_59 in 1 : vector<1024x32xf32>, vector<1024x16xf32> -> vector<1024x48xf32>
    %get3A_60 = arith.constant 0 : index
    %get3A_61 = arith.constant 0 : index
    %get3A_62 = vector.load %arg8[%get3A_60, %get3A_61] : memref<48x128xf32, #tpu.memory_space<vmem>>, vector<48x128xf32>
    %dot_general3A = arith.constant dense<0.000000e+00> : vector<1024x128xf32>
    %dot_general3A_63 = tpu.matmul %concatenate3A, %get3A_62, %dot_general3A {dimension_numbers = #tpu.dot_dimension_numbers<[1], [0], [0], [1], [0, 0, 1, 1], [], []>, transpose_lhs_hint = false} : vector<1024x48xf32>, vector<48x128xf32>, vector<1024x128xf32> -> vector<1024x128xf32>
    %get3A_64 = arith.constant 0 : index
    %get3A_65 = arith.constant 0 : index
    %get3A_66 = vector.load %arg2[%get3A_64, %get3A_65] : memref<1024x384xf32, #tpu.memory_space<vmem>>, vector<1024x128xf32>
    %add3A_67 = arith.addf %get3A_66, %dot_general3A_63 : vector<1024x128xf32>
    %get3A_68 = arith.constant 0 : index
    %get3A_69 = arith.constant 128 : index
    %get3A_70 = vector.load %arg2[%get3A_68, %get3A_69] : memref<1024x384xf32, #tpu.memory_space<vmem>>, vector<1024x128xf32>
    %add3A_71 = arith.addf %get3A_70, %dot_general3A_63 : vector<1024x128xf32>
    %get3A_72 = arith.constant 0 : index
    %get3A_73 = arith.constant 0 : index
    %get3A_74 = vector.load %arg1[%get3A_72, %get3A_73] : memref<1024x128xf32, #tpu.memory_space<vmem>>, vector<1024x128xf32>
    %mul3A_75 = arith.mulf %get3A_74, %add3A_67 : vector<1024x128xf32>
    %slice3A_76 = vector.extract_strided_slice %mul3A_75 {offsets = [0, 0], sizes = [1024, 64], strides = [1, 1]} : vector<1024x128xf32> to vector<1024x64xf32>
    %reduce_sum3A = arith.constant dense<0.000000e+00> : vector<1024xf32>
    %reduce_sum3A_77 = vector.multi_reduction <add>, %slice3A_76, %reduce_sum3A [1] : vector<1024x64xf32> to vector<1024xf32>
    %broadcast_in_dim3A_78 = vector.shape_cast %reduce_sum3A_77 : vector<1024xf32> to vector<1024x1xf32>
    %mul3A_79 = arith.constant 1.250000e-01 : f32
    %mul3A_80 = vector.broadcast %mul3A_79 : f32 to vector<1024x1xf32>
    %mul3A_81 = arith.mulf %broadcast_in_dim3A_78, %mul3A_80 : vector<1024x1xf32>
    %slice3A_82 = vector.extract_strided_slice %mul3A_75 {offsets = [0, 64], sizes = [1024, 64], strides = [1, 1]} : vector<1024x128xf32> to vector<1024x64xf32>
    %reduce_sum3A_83 = arith.constant dense<0.000000e+00> : vector<1024xf32>
    %reduce_sum3A_84 = vector.multi_reduction <add>, %slice3A_82, %reduce_sum3A_83 [1] : vector<1024x64xf32> to vector<1024xf32>
    %broadcast_in_dim3A_85 = vector.shape_cast %reduce_sum3A_84 : vector<1024xf32> to vector<1024x1xf32>
    %mul3A_86 = arith.constant 1.250000e-01 : f32
    %mul3A_87 = vector.broadcast %mul3A_86 : f32 to vector<1024x1xf32>
    %mul3A_88 = arith.mulf %broadcast_in_dim3A_85, %mul3A_87 : vector<1024x1xf32>
    %mul3A_89 = arith.constant 1024 : i32
    %mul3A_90 = arith.muli %arg0, %mul3A_89 : i32
    %iota3A = tpu.iota {dimensions = array<i32: 0>} : vector<1024x1xi32>
    %add3A_91 = vector.broadcast %mul3A_90 : i32 to vector<1024x1xi32>
    %add3A_92 = arith.addi %add3A_91, %iota3A : vector<1024x1xi32>
    %lt3A = arith.constant 200000 : i32
    %lt3A_93 = vector.broadcast %lt3A : i32 to vector<1024x1xi32>
    %lt3A_94 = arith.cmpi slt, %add3A_92, %lt3A_93 : vector<1024x1xi32>
    %exp3A = math.exp %mul3A_81 : vector<1024x1xf32>
    %jit3A_95 = arith.constant 0.000000e+00 : f32
    %broadcast_in_dim3A_96 = vector.broadcast %jit3A_95 : f32 to vector<1024x1xf32>
    %select_n3A_97 = arith.select %lt3A_94, %exp3A, %broadcast_in_dim3A_96 : vector<1024x1xi1>, vector<1024x1xf32>
    %exp3A_98 = math.exp %mul3A_88 : vector<1024x1xf32>
    %jit3A_99 = arith.constant 0.000000e+00 : f32
    %broadcast_in_dim3A_100 = vector.broadcast %jit3A_99 : f32 to vector<1024x1xf32>
    %select_n3A_101 = arith.select %lt3A_94, %exp3A_98, %broadcast_in_dim3A_100 : vector<1024x1xi1>, vector<1024x1xf32>
    %slice3A_102 = vector.extract_strided_slice %add3A_71 {offsets = [0, 0], sizes = [1024, 64], strides = [1, 1]} : vector<1024x128xf32> to vector<1024x64xf32>
    %mul3A_103 = vector.broadcast %select_n3A_97 : vector<1024x1xf32> to vector<1024x64xf32>
    %mul3A_104 = arith.mulf %slice3A_102, %mul3A_103 : vector<1024x64xf32>
    %slice3A_105 = vector.extract_strided_slice %add3A_71 {offsets = [0, 64], sizes = [1024, 64], strides = [1, 1]} : vector<1024x128xf32> to vector<1024x64xf32>
    %mul3A_106 = vector.broadcast %select_n3A_101 : vector<1024x1xf32> to vector<1024x64xf32>
    %mul3A_107 = arith.mulf %slice3A_105, %mul3A_106 : vector<1024x64xf32>
    %concatenate3A_108 = tpu.concatenate %mul3A_104, %mul3A_107 in 1 : vector<1024x64xf32>, vector<1024x64xf32> -> vector<1024x128xf32>
    %swap3A = arith.constant 0 : index
    %swap3A_109 = arith.constant 0 : index
    %swap3A_110 = vector.load %arg9[%swap3A, %swap3A_109] : memref<1024x128xf32, #tpu.memory_space<vmem>>, vector<1024x128xf32>
    tpu.vector_store %arg9[%swap3A, %swap3A_109], %concatenate3A_108 {strides = array<i32>} : memref<1024x128xf32, #tpu.memory_space<vmem>>, vector<1024x128xf32>,
    %get3A_111 = arith.constant 0 : index
    %get3A_112 = arith.constant 0 : index
    %get3A_113 = vector.load %arg4[%get3A_111, %get3A_112] : memref<1024x1xi32, #tpu.memory_space<vmem>>, vector<1024x1xi32>
    %jit3A_114 = arith.constant 64 : i32
    %eq3A_115 = arith.constant 0 : i32
    %eq3A_116 = arith.cmpi eq, %jit3A_114, %eq3A_115 : i32
    %jit3A_117 = arith.constant 1 : i32
    %select_n3A_118 = arith.select %eq3A_116, %jit3A_117, %jit3A_114 : i32
    %rem3A = vector.broadcast %select_n3A_118 : i32 to vector<1024x1xi32>
    %rem3A_119 = arith.remsi %get3A_113, %rem3A : vector<1024x1xi32>
    %ne3A = arith.constant 0 : i32
    %ne3A_120 = vector.broadcast %ne3A : i32 to vector<1024x1xi32>
    %ne3A_121 = arith.cmpi ne, %rem3A_119, %ne3A_120 : vector<1024x1xi32>
    %lt3A_122 = arith.constant 0 : i32
    %lt3A_123 = vector.broadcast %lt3A_122 : i32 to vector<1024x1xi32>
    %lt3A_124 = arith.cmpi slt, %rem3A_119, %lt3A_123 : vector<1024x1xi32>
    %lt3A_125 = arith.constant 0 : i32
    %lt3A_126 = arith.cmpi slt, %select_n3A_118, %lt3A_125 : i32
    %ne3A_127 = vector.broadcast %lt3A_126 : i1 to vector<1024x1xi1>
    %ne3A_128 = vector.broadcast %ne3A_127 : vector<1024x1xi1> to vector<1024x1xi1>
    %ne3A_129 = arith.xori %lt3A_124, %ne3A_128 : vector<1024x1xi1>
    %and3A_130 = arith.andi %ne3A_129, %ne3A_121 : vector<1024x1xi1>
    %add3A_131 = vector.broadcast %select_n3A_118 : i32 to vector<1024x1xi32>
    %add3A_132 = arith.addi %rem3A_119, %add3A_131 : vector<1024x1xi32>
    %select_n3A_133 = arith.select %and3A_130, %add3A_132, %rem3A_119 : vector<1024x1xi1>, vector<1024x1xi32>
    %mul3A_134 = arith.constant 2 : i32
    %mul3A_135 = vector.broadcast %mul3A_134 : i32 to vector<1024x1xi32>
    %mul3A_136 = arith.muli %mul3A_135, %select_n3A_133 : vector<1024x1xi32>
    %iota3A_137 = tpu.iota {dimensions = array<i32: 1>} : vector<1024x128xi32>
    %eq3A_138 = vector.broadcast %mul3A_136 : vector<1024x1xi32> to vector<1024x128xi32>
    %eq3A_139 = arith.cmpi eq, %iota3A_137, %eq3A_138 : vector<1024x128xi32>
    %jit3A_140 = arith.constant 0.000000e+00 : f32
    %broadcast_in_dim3A_141 = vector.shape_cast %select_n3A_97 : vector<1024x1xf32> to vector<1024x1xf32>
    %broadcast_in_dim3A_142 = vector.broadcast %broadcast_in_dim3A_141 : vector<1024x1xf32> to vector<1024x128xf32>
    %broadcast_in_dim3A_143 = vector.broadcast %jit3A_140 : f32 to vector<1024x128xf32>
    %select_n3A_144 = arith.select %eq3A_139, %broadcast_in_dim3A_142, %broadcast_in_dim3A_143 : vector<1024x128xi1>, vector<1024x128xf32>
    %add3A_145 = arith.constant 1 : i32
    %add3A_146 = vector.broadcast %add3A_145 : i32 to vector<1024x1xi32>
    %add3A_147 = arith.addi %mul3A_136, %add3A_146 : vector<1024x1xi32>
    %eq3A_148 = vector.broadcast %add3A_147 : vector<1024x1xi32> to vector<1024x128xi32>
    %eq3A_149 = arith.cmpi eq, %iota3A_137, %eq3A_148 : vector<1024x128xi32>
    %jit3A_150 = arith.constant 0.000000e+00 : f32
    %broadcast_in_dim3A_151 = vector.shape_cast %select_n3A_101 : vector<1024x1xf32> to vector<1024x1xf32>
    %broadcast_in_dim3A_152 = vector.broadcast %broadcast_in_dim3A_151 : vector<1024x1xf32> to vector<1024x128xf32>
    %broadcast_in_dim3A_153 = vector.broadcast %jit3A_150 : f32 to vector<1024x128xf32>
    %select_n3A_154 = arith.select %eq3A_149, %broadcast_in_dim3A_152, %broadcast_in_dim3A_153 : vector<1024x128xi1>, vector<1024x128xf32>
    %add3A_155 = arith.addf %select_n3A_144, %select_n3A_154 : vector<1024x128xf32>
    %iota3A_156 = tpu.iota {dimensions = array<i32: 1>} : vector<1024x320xi32>
    %get3A_157 = arith.constant 0 : index
    %get3A_158 = arith.constant 0 : index
    %get3A_159 = vector.load %arg4[%get3A_157, %get3A_158] : memref<1024x1xi32, #tpu.memory_space<vmem>>, vector<1024x1xi32>
    %shift_right_arithmetic3A = arith.constant 6 : i32
    %shift_right_arithmetic3A_160 = vector.broadcast %shift_right_arithmetic3A : i32 to vector<1024x1xi32>
    %shift_right_arithmetic3A_161 = arith.shrsi %get3A_159, %shift_right_arithmetic3A_160 : vector<1024x1xi32>
    %eq3A_162 = vector.broadcast %shift_right_arithmetic3A_161 : vector<1024x1xi32> to vector<1024x320xi32>
    %eq3A_163 = arith.cmpi eq, %iota3A_156, %eq3A_162 : vector<1024x320xi32>
    %convert_element_type3A = arith.extui %eq3A_163 : vector<1024x320xi1> to vector<1024x320xi32>
    %convert_element_type3A_164 = arith.sitofp %convert_element_type3A : vector<1024x320xi32> to vector<1024x320xf32>
    %dot_general3A_165 = arith.constant dense<0.000000e+00> : vector<320x128xf32>
    %dot_general3A_166 = tpu.matmul %convert_element_type3A_164, %add3A_155, %dot_general3A_165 {dimension_numbers = #tpu.dot_dimension_numbers<[0], [0], [1], [1], [0, 1, 1, 1], [], []>, transpose_lhs_hint = false} : vector<1024x320xf32>, vector<1024x128xf32>, vector<320x128xf32> -> vector<320x128xf32>
    %swap3A_167 = arith.constant 0 : index
    %swap3A_168 = arith.constant 0 : index
    %swap3A_169 = vector.load %arg10[%swap3A_167, %swap3A_168] : memref<320x128xf32, #tpu.memory_space<vmem>>, vector<320x128xf32>
    tpu.vector_store %arg10[%swap3A_167, %swap3A_168], %dot_general3A_166 {strides = array<i32>} : memref<320x128xf32, #tpu.memory_space<vmem>>, vector<320x128xf32>,
    return
  }
  func.func @transform_0(%arg0: i32) -> (i32, i32) {
    %c0_i32 = arith.constant 0 : i32
    %c0_i32_0 = arith.constant 0 : i32
    return %arg0, %c0_i32 : i32, i32
  }
  func.func @transform_1(%arg0: i32) -> (i32, i32) {
    %c0_i32 = arith.constant 0 : i32
    %c0_i32_0 = arith.constant 0 : i32
    return %arg0, %c0_i32 : i32, i32
  }
  func.func @transform_2(%arg0: i32) -> (i32, i32) {
    %c0_i32 = arith.constant 0 : i32
    %c0_i32_0 = arith.constant 0 : i32
    return %arg0, %c0_i32 : i32, i32
  }
  func.func @transform_3(%arg0: i32) -> (i32, i32) {
    %c0_i32 = arith.constant 0 : i32
    %c0_i32_0 = arith.constant 0 : i32
    return %arg0, %c0_i32 : i32, i32
  }
  func.func @transform_4(%arg0: i32) -> (i32, i32) {
    %c0_i32 = arith.constant 0 : i32
    %c0_i32_0 = arith.constant 0 : i32
    return %arg0, %c0_i32 : i32, i32
  }
  func.func @transform_5(%arg0: i32) -> (i32, i32) {
    %c0_i32 = arith.constant 0 : i32
    %c0_i32_0 = arith.constant 0 : i32
    %c0_i32_1 = arith.constant 0 : i32
    return %c0_i32, %c0_i32_0 : i32, i32
  }
  func.func @transform_6(%arg0: i32) -> (i32, i32) {
    %c0_i32 = arith.constant 0 : i32
    %c0_i32_0 = arith.constant 0 : i32
    %c0_i32_1 = arith.constant 0 : i32
    return %c0_i32, %c0_i32_0 : i32, i32
  }
  func.func @transform_7(%arg0: i32) -> (i32, i32) {
    %c0_i32 = arith.constant 0 : i32
    %c0_i32_0 = arith.constant 0 : i32
    %c0_i32_1 = arith.constant 0 : i32
    return %c0_i32, %c0_i32_0 : i32, i32
  }
  func.func @transform_8(%arg0: i32) -> (i32, i32) {
    %c0_i32 = arith.constant 0 : i32
    %c0_i32_0 = arith.constant 0 : i32
    return %arg0, %c0_i32 : i32, i32
  }
  func.func @transform_9(%arg0: i32) -> (i32, i32) {
    %c0_i32 = arith.constant 0 : i32
    %c0_i32_0 = arith.constant 0 : i32
    return %arg0, %c0_i32 : i32, i32
  }
}

module attributes {stable_mosaic.version = 14 : i64} {
  func.func @_final_body(%arg0: i32, %arg1: memref<1x512x128xf32, #tpu.memory_space<vmem>>, %arg2: memref<1x8x128xf32, #tpu.memory_space<vmem>>, %arg3: memref<512x128xf32, #tpu.memory_space<vmem>>, %arg4: memref<128x64xf32, #tpu.memory_space<vmem>>, %arg5: memref<1x64xf32, #tpu.memory_space<vmem>>, %arg6: memref<512x128xf32, #tpu.memory_space<vmem>>) attributes {dimension_semantics = [#tpu.dimension_semantics<arbitrary>], iteration_bounds = array<i64: 40>, scalar_prefetch = 0 : i64, scratch_operands = 0 : i64, tpu.core_type = #tpu.core_type<tc>, window_params = [{transform_indices = @transform_0, window_bounds = array<i64: 1, 512, 128>}, {transform_indices = @transform_1, window_bounds = array<i64: 1, 8, 128>}, {transform_indices = @transform_2, window_bounds = array<i64: 512, 128>}, {pipeline_mode = #tpu.pipeline_mode<synchronous>, transform_indices = @transform_3, window_bounds = array<i64: 128, 64>}, {pipeline_mode = #tpu.pipeline_mode<synchronous>, transform_indices = @transform_4, window_bounds = array<i64: 1, 64>}, {transform_indices = @transform_5, window_bounds = array<i64: 512, 128>}]} {
    %get3A = arith.constant 0 : index
    %get3A_0 = arith.constant 0 : index
    %get3A_1 = arith.constant 0 : index
    %get3A_2 = vector.load %arg1[%get3A, %get3A_0, %get3A_1] : memref<1x512x128xf32, #tpu.memory_space<vmem>>, vector<1x512x128xf32>
    %get3A_3 = vector.shape_cast %get3A_2 : vector<1x512x128xf32> to vector<512x128xf32>
    %get3A_4 = arith.constant 0 : index
    %get3A_5 = arith.constant 0 : index
    %get3A_6 = arith.constant 0 : index
    %get3A_7 = vector.load %arg2[%get3A_4, %get3A_5, %get3A_6] : memref<1x8x128xf32, #tpu.memory_space<vmem>>, vector<1x8x128xf32>
    %get3A_8 = vector.shape_cast %get3A_7 : vector<1x8x128xf32> to vector<8x128xf32>
    %iota3A = tpu.iota {dimensions = array<i32: 0>} : vector<512x8xi32>
    %iota3A_9 = tpu.iota {dimensions = array<i32: 1>} : vector<512x8xi32>
    %shift_right_arithmetic3A = arith.constant 6 : i32
    %shift_right_arithmetic3A_10 = vector.broadcast %shift_right_arithmetic3A : i32 to vector<512x8xi32>
    %shift_right_arithmetic3A_11 = arith.shrsi %iota3A, %shift_right_arithmetic3A_10 : vector<512x8xi32>
    %eq3A = arith.cmpi eq, %shift_right_arithmetic3A_11, %iota3A_9 : vector<512x8xi32>
    %convert_element_type3A = arith.extui %eq3A : vector<512x8xi1> to vector<512x8xi32>
    %convert_element_type3A_12 = arith.sitofp %convert_element_type3A : vector<512x8xi32> to vector<512x8xf32>
    %dot_general3A = arith.constant dense<0.000000e+00> : vector<512x128xf32>
    %dot_general3A_13 = tpu.matmul %convert_element_type3A_12, %get3A_8, %dot_general3A {dimension_numbers = #tpu.dot_dimension_numbers<[1], [0], [0], [1], [0, 0, 1, 1], [], []>, transpose_lhs_hint = false} : vector<512x8xf32>, vector<8x128xf32>, vector<512x128xf32> -> vector<512x128xf32>
    %iota3A_14 = tpu.iota {dimensions = array<i32: 1>} : vector<512x128xi32>
    %iota3A_15 = tpu.iota {dimensions = array<i32: 0>} : vector<512x128xi32>
    %jit3A = arith.constant 64 : i32
    %eq3A_16 = arith.constant 0 : i32
    %eq3A_17 = arith.cmpi eq, %jit3A, %eq3A_16 : i32
    %jit3A_18 = arith.constant 1 : i32
    %select_n3A = arith.select %eq3A_17, %jit3A_18, %jit3A : i32
    %rem3A = vector.broadcast %select_n3A : i32 to vector<512x128xi32>
    %rem3A_19 = arith.remsi %iota3A_15, %rem3A : vector<512x128xi32>
    %ne3A = arith.constant 0 : i32
    %ne3A_20 = vector.broadcast %ne3A : i32 to vector<512x128xi32>
    %ne3A_21 = arith.cmpi ne, %rem3A_19, %ne3A_20 : vector<512x128xi32>
    %lt3A = arith.constant 0 : i32
    %lt3A_22 = vector.broadcast %lt3A : i32 to vector<512x128xi32>
    %lt3A_23 = arith.cmpi slt, %rem3A_19, %lt3A_22 : vector<512x128xi32>
    %lt3A_24 = arith.constant 0 : i32
    %lt3A_25 = arith.cmpi slt, %select_n3A, %lt3A_24 : i32
    %ne3A_26 = vector.broadcast %lt3A_25 : i1 to vector<512x128xi1>
    %ne3A_27 = vector.broadcast %ne3A_26 : vector<512x128xi1> to vector<512x128xi1>
    %ne3A_28 = arith.xori %lt3A_23, %ne3A_27 : vector<512x128xi1>
    %and3A = arith.andi %ne3A_28, %ne3A_21 : vector<512x128xi1>
    %add3A = vector.broadcast %select_n3A : i32 to vector<512x128xi32>
    %add3A_29 = arith.addi %rem3A_19, %add3A : vector<512x128xi32>
    %select_n3A_30 = arith.select %and3A, %add3A_29, %rem3A_19 : vector<512x128xi1>, vector<512x128xi32>
    %mul3A = arith.constant 2 : i32
    %mul3A_31 = vector.broadcast %mul3A : i32 to vector<512x128xi32>
    %mul3A_32 = arith.muli %mul3A_31, %select_n3A_30 : vector<512x128xi32>
    %eq3A_33 = arith.cmpi eq, %iota3A_14, %mul3A_32 : vector<512x128xi32>
    %jit3A_34 = arith.constant 0.000000e+00 : f32
    %broadcast_in_dim3A = vector.broadcast %jit3A_34 : f32 to vector<512x128xf32>
    %select_n3A_35 = arith.select %eq3A_33, %dot_general3A_13, %broadcast_in_dim3A : vector<512x128xi1>, vector<512x128xf32>
    %reduce_sum3A = arith.constant dense<0.000000e+00> : vector<512xf32>
    %reduce_sum3A_36 = vector.multi_reduction <add>, %select_n3A_35, %reduce_sum3A [1] : vector<512x128xf32> to vector<512xf32>
    %broadcast_in_dim3A_37 = vector.shape_cast %reduce_sum3A_36 : vector<512xf32> to vector<512x1xf32>
    %add3A_38 = arith.constant 1 : i32
    %add3A_39 = vector.broadcast %add3A_38 : i32 to vector<512x128xi32>
    %add3A_40 = arith.addi %mul3A_32, %add3A_39 : vector<512x128xi32>
    %eq3A_41 = arith.cmpi eq, %iota3A_14, %add3A_40 : vector<512x128xi32>
    %jit3A_42 = arith.constant 0.000000e+00 : f32
    %broadcast_in_dim3A_43 = vector.broadcast %jit3A_42 : f32 to vector<512x128xf32>
    %select_n3A_44 = arith.select %eq3A_41, %dot_general3A_13, %broadcast_in_dim3A_43 : vector<512x128xi1>, vector<512x128xf32>
    %reduce_sum3A_45 = arith.constant dense<0.000000e+00> : vector<512xf32>
    %reduce_sum3A_46 = vector.multi_reduction <add>, %select_n3A_44, %reduce_sum3A_45 [1] : vector<512x128xf32> to vector<512xf32>
    %broadcast_in_dim3A_47 = vector.shape_cast %reduce_sum3A_46 : vector<512xf32> to vector<512x1xf32>
    %slice3A = vector.extract_strided_slice %get3A_3 {offsets = [0, 0], sizes = [512, 64], strides = [1, 1]} : vector<512x128xf32> to vector<512x64xf32>
    %add3A_48 = arith.constant 1.000000e-16 : f32
    %add3A_49 = vector.broadcast %add3A_48 : f32 to vector<512x1xf32>
    %add3A_50 = arith.addf %broadcast_in_dim3A_37, %add3A_49 : vector<512x1xf32>
    %div3A = vector.broadcast %add3A_50 : vector<512x1xf32> to vector<512x64xf32>
    %div3A_51 = arith.divf %slice3A, %div3A : vector<512x64xf32>
    %slice3A_52 = vector.extract_strided_slice %get3A_3 {offsets = [0, 64], sizes = [512, 64], strides = [1, 1]} : vector<512x128xf32> to vector<512x64xf32>
    %add3A_53 = arith.constant 1.000000e-16 : f32
    %add3A_54 = vector.broadcast %add3A_53 : f32 to vector<512x1xf32>
    %add3A_55 = arith.addf %broadcast_in_dim3A_47, %add3A_54 : vector<512x1xf32>
    %div3A_56 = vector.broadcast %add3A_55 : vector<512x1xf32> to vector<512x64xf32>
    %div3A_57 = arith.divf %slice3A_52, %div3A_56 : vector<512x64xf32>
    %concatenate3A = tpu.concatenate %div3A_51, %div3A_57 in 1 : vector<512x64xf32>, vector<512x64xf32> -> vector<512x128xf32>
    %get3A_58 = arith.constant 0 : index
    %get3A_59 = arith.constant 0 : index
    %get3A_60 = vector.load %arg3[%get3A_58, %get3A_59] : memref<512x128xf32, #tpu.memory_space<vmem>>, vector<512x128xf32>
    %add3A_61 = arith.addf %concatenate3A, %get3A_60 : vector<512x128xf32>
    %get3A_62 = arith.constant 0 : index
    %get3A_63 = arith.constant 0 : index
    %get3A_64 = vector.load %arg4[%get3A_62, %get3A_63] : memref<128x64xf32, #tpu.memory_space<vmem>>, vector<128x64xf32>
    %dot_general3A_65 = arith.constant dense<0.000000e+00> : vector<512x64xf32>
    %dot_general3A_66 = tpu.matmul %add3A_61, %get3A_64, %dot_general3A_65 {dimension_numbers = #tpu.dot_dimension_numbers<[1], [0], [0], [1], [0, 0, 1, 1], [], []>, transpose_lhs_hint = false} : vector<512x128xf32>, vector<128x64xf32>, vector<512x64xf32> -> vector<512x64xf32>
    %get3A_67 = arith.constant 0 : index
    %get3A_68 = arith.constant 0 : index
    %get3A_69 = vector.load %arg5[%get3A_67, %get3A_68] : memref<1x64xf32, #tpu.memory_space<vmem>>, vector<1x64xf32>
    %add3A_70 = vector.broadcast %get3A_69 : vector<1x64xf32> to vector<512x64xf32>
    %add3A_71 = arith.addf %dot_general3A_66, %add3A_70 : vector<512x64xf32>
    %broadcast_in_dim3A_72 = arith.constant 0.000000e+00 : f32
    %broadcast_in_dim3A_73 = vector.broadcast %broadcast_in_dim3A_72 : f32 to vector<512x64xf32>
    %concatenate3A_74 = tpu.concatenate %add3A_71, %broadcast_in_dim3A_73 in 1 : vector<512x64xf32>, vector<512x64xf32> -> vector<512x128xf32>
    %swap3A = arith.constant 0 : index
    %swap3A_75 = arith.constant 0 : index
    %swap3A_76 = vector.load %arg6[%swap3A, %swap3A_75] : memref<512x128xf32, #tpu.memory_space<vmem>>, vector<512x128xf32>
    tpu.vector_store %arg6[%swap3A, %swap3A_75], %concatenate3A_74 {strides = array<i32>} : memref<512x128xf32, #tpu.memory_space<vmem>>, vector<512x128xf32>,
    return
  }
  func.func @transform_0(%arg0: i32) -> (i32, i32, i32) {
    %jit3A = arith.constant 20 : i32
    %div3A = arith.divsi %arg0, %jit3A : i32
    %sign3A = arith.constant 0 : i32
    %sign3A_0 = arith.cmpi sgt, %arg0, %sign3A : i32
    %sign3A_1 = arith.extui %sign3A_0 : i1 to i32
    %sign3A_2 = arith.constant 0 : i32
    %sign3A_3 = arith.cmpi slt, %arg0, %sign3A_2 : i32
    %sign3A_4 = arith.extui %sign3A_3 : i1 to i32
    %sign3A_5 = arith.subi %sign3A_1, %sign3A_4 : i32
    %sign3A_6 = arith.constant 0 : i32
    %sign3A_7 = arith.cmpi sgt, %jit3A, %sign3A_6 : i32
    %sign3A_8 = arith.extui %sign3A_7 : i1 to i32
    %sign3A_9 = arith.constant 0 : i32
    %sign3A_10 = arith.cmpi slt, %jit3A, %sign3A_9 : i32
    %sign3A_11 = arith.extui %sign3A_10 : i1 to i32
    %sign3A_12 = arith.subi %sign3A_8, %sign3A_11 : i32
    %ne3A = arith.cmpi ne, %sign3A_5, %sign3A_12 : i32
    %rem3A = arith.remsi %arg0, %jit3A : i32
    %ne3A_13 = arith.constant 0 : i32
    %ne3A_14 = arith.cmpi ne, %rem3A, %ne3A_13 : i32
    %and3A = arith.andi %ne3A, %ne3A_14 : i1
    %sub3A = arith.constant 1 : i32
    %sub3A_15 = arith.subi %div3A, %sub3A : i32
    %select_n3A = arith.select %and3A, %sub3A_15, %div3A : i32
    %jit3A_16 = arith.constant 20 : i32
    %eq3A = arith.constant 0 : i32
    %eq3A_17 = arith.cmpi eq, %jit3A_16, %eq3A : i32
    %jit3A_18 = arith.constant 1 : i32
    %select_n3A_19 = arith.select %eq3A_17, %jit3A_18, %jit3A_16 : i32
    %rem3A_20 = arith.remsi %arg0, %select_n3A_19 : i32
    %ne3A_21 = arith.constant 0 : i32
    %ne3A_22 = arith.cmpi ne, %rem3A_20, %ne3A_21 : i32
    %lt3A = arith.constant 0 : i32
    %lt3A_23 = arith.cmpi slt, %rem3A_20, %lt3A : i32
    %lt3A_24 = arith.constant 0 : i32
    %lt3A_25 = arith.cmpi slt, %select_n3A_19, %lt3A_24 : i32
    %ne3A_26 = arith.xori %lt3A_23, %lt3A_25 : i1
    %and3A_27 = arith.andi %ne3A_26, %ne3A_22 : i1
    %add3A = arith.addi %rem3A_20, %select_n3A_19 : i32
    %select_n3A_28 = arith.select %and3A_27, %add3A, %rem3A_20 : i32
    %c0_i32 = arith.constant 0 : i32
    %c0_i32_29 = arith.constant 0 : i32
    return %select_n3A, %select_n3A_28, %c0_i32 : i32, i32, i32
  }
  func.func @transform_1(%arg0: i32) -> (i32, i32, i32) {
    %jit3A = arith.constant 20 : i32
    %div3A = arith.divsi %arg0, %jit3A : i32
    %sign3A = arith.constant 0 : i32
    %sign3A_0 = arith.cmpi sgt, %arg0, %sign3A : i32
    %sign3A_1 = arith.extui %sign3A_0 : i1 to i32
    %sign3A_2 = arith.constant 0 : i32
    %sign3A_3 = arith.cmpi slt, %arg0, %sign3A_2 : i32
    %sign3A_4 = arith.extui %sign3A_3 : i1 to i32
    %sign3A_5 = arith.subi %sign3A_1, %sign3A_4 : i32
    %sign3A_6 = arith.constant 0 : i32
    %sign3A_7 = arith.cmpi sgt, %jit3A, %sign3A_6 : i32
    %sign3A_8 = arith.extui %sign3A_7 : i1 to i32
    %sign3A_9 = arith.constant 0 : i32
    %sign3A_10 = arith.cmpi slt, %jit3A, %sign3A_9 : i32
    %sign3A_11 = arith.extui %sign3A_10 : i1 to i32
    %sign3A_12 = arith.subi %sign3A_8, %sign3A_11 : i32
    %ne3A = arith.cmpi ne, %sign3A_5, %sign3A_12 : i32
    %rem3A = arith.remsi %arg0, %jit3A : i32
    %ne3A_13 = arith.constant 0 : i32
    %ne3A_14 = arith.cmpi ne, %rem3A, %ne3A_13 : i32
    %and3A = arith.andi %ne3A, %ne3A_14 : i1
    %sub3A = arith.constant 1 : i32
    %sub3A_15 = arith.subi %div3A, %sub3A : i32
    %select_n3A = arith.select %and3A, %sub3A_15, %div3A : i32
    %jit3A_16 = arith.constant 20 : i32
    %eq3A = arith.constant 0 : i32
    %eq3A_17 = arith.cmpi eq, %jit3A_16, %eq3A : i32
    %jit3A_18 = arith.constant 1 : i32
    %select_n3A_19 = arith.select %eq3A_17, %jit3A_18, %jit3A_16 : i32
    %rem3A_20 = arith.remsi %arg0, %select_n3A_19 : i32
    %ne3A_21 = arith.constant 0 : i32
    %ne3A_22 = arith.cmpi ne, %rem3A_20, %ne3A_21 : i32
    %lt3A = arith.constant 0 : i32
    %lt3A_23 = arith.cmpi slt, %rem3A_20, %lt3A : i32
    %lt3A_24 = arith.constant 0 : i32
    %lt3A_25 = arith.cmpi slt, %select_n3A_19, %lt3A_24 : i32
    %ne3A_26 = arith.xori %lt3A_23, %lt3A_25 : i1
    %and3A_27 = arith.andi %ne3A_26, %ne3A_22 : i1
    %add3A = arith.addi %rem3A_20, %select_n3A_19 : i32
    %select_n3A_28 = arith.select %and3A_27, %add3A, %rem3A_20 : i32
    %add3A_29 = arith.constant 1280 : i32
    %add3A_30 = arith.addi %add3A_29, %select_n3A_28 : i32
    %c0_i32 = arith.constant 0 : i32
    %c0_i32_31 = arith.constant 0 : i32
    return %select_n3A, %add3A_30, %c0_i32 : i32, i32, i32
  }
  func.func @transform_2(%arg0: i32) -> (i32, i32) {
    %c0_i32 = arith.constant 0 : i32
    %c0_i32_0 = arith.constant 0 : i32
    return %arg0, %c0_i32 : i32, i32
  }
  func.func @transform_3(%arg0: i32) -> (i32, i32) {
    %c0_i32 = arith.constant 0 : i32
    %c0_i32_0 = arith.constant 0 : i32
    %c0_i32_1 = arith.constant 0 : i32
    return %c0_i32, %c0_i32_0 : i32, i32
  }
  func.func @transform_4(%arg0: i32) -> (i32, i32) {
    %c0_i32 = arith.constant 0 : i32
    %c0_i32_0 = arith.constant 0 : i32
    %c0_i32_1 = arith.constant 0 : i32
    return %c0_i32, %c0_i32_0 : i32, i32
  }
  func.func @transform_5(%arg0: i32) -> (i32, i32) {
    %c0_i32 = arith.constant 0 : i32
    %c0_i32_0 = arith.constant 0 : i32
    return %arg0, %c0_i32 : i32, i32
  }
}

module attributes {stable_mosaic.version = 14 : i64} {
  func.func @_lp_body(%arg0: memref<1024x64xf32, #tpu.memory_space<vmem>>, %arg1: memref<1024x64xf32, #tpu.memory_space<vmem>>, %arg2: memref<1024x64xf32, #tpu.memory_space<vmem>>, %arg3: memref<64x64xf32, #tpu.memory_space<vmem>>, %arg4: memref<1x64xf32, #tpu.memory_space<vmem>>, %arg5: memref<64x64xf32, #tpu.memory_space<vmem>>, %arg6: memref<1x64xf32, #tpu.memory_space<vmem>>, %arg7: memref<1x64xf32, #tpu.memory_space<vmem>>, %arg8: memref<1x1xf32, #tpu.memory_space<vmem>>, %arg9: memref<1024x1xf32, #tpu.memory_space<vmem>>, %arg10: memref<1024x1xf32, #tpu.memory_space<vmem>>) attributes {dimension_semantics = [], scalar_prefetch = 0 : i64, scratch_operands = 0 : i64, tpu.core_type = #tpu.core_type<tc>} {
    %get3A = arith.constant 0 : index
    %get3A_0 = arith.constant 0 : index
    %get3A_1 = vector.load %arg0[%get3A, %get3A_0] : memref<1024x64xf32, #tpu.memory_space<vmem>>, vector<1024x64xf32>
    %get3A_2 = arith.constant 0 : index
    %get3A_3 = arith.constant 0 : index
    %get3A_4 = vector.load %arg3[%get3A_2, %get3A_3] : memref<64x64xf32, #tpu.memory_space<vmem>>, vector<64x64xf32>
    %dot_general3A = arith.constant dense<0.000000e+00> : vector<1024x64xf32>
    %dot_general3A_5 = tpu.matmul %get3A_1, %get3A_4, %dot_general3A {dimension_numbers = #tpu.dot_dimension_numbers<[1], [0], [0], [1], [0, 0, 1, 1], [], []>, transpose_lhs_hint = false} : vector<1024x64xf32>, vector<64x64xf32>, vector<1024x64xf32> -> vector<1024x64xf32>
    %get3A_6 = arith.constant 0 : index
    %get3A_7 = arith.constant 0 : index
    %get3A_8 = vector.load %arg4[%get3A_6, %get3A_7] : memref<1x64xf32, #tpu.memory_space<vmem>>, vector<1x64xf32>
    %add3A = vector.broadcast %get3A_8 : vector<1x64xf32> to vector<1024x64xf32>
    %add3A_9 = arith.addf %dot_general3A_5, %add3A : vector<1024x64xf32>
    %get3A_10 = arith.constant 0 : index
    %get3A_11 = arith.constant 0 : index
    %get3A_12 = vector.load %arg1[%get3A_10, %get3A_11] : memref<1024x64xf32, #tpu.memory_space<vmem>>, vector<1024x64xf32>
    %get3A_13 = arith.constant 0 : index
    %get3A_14 = arith.constant 0 : index
    %get3A_15 = vector.load %arg5[%get3A_13, %get3A_14] : memref<64x64xf32, #tpu.memory_space<vmem>>, vector<64x64xf32>
    %dot_general3A_16 = arith.constant dense<0.000000e+00> : vector<1024x64xf32>
    %dot_general3A_17 = tpu.matmul %get3A_12, %get3A_15, %dot_general3A_16 {dimension_numbers = #tpu.dot_dimension_numbers<[1], [0], [0], [1], [0, 0, 1, 1], [], []>, transpose_lhs_hint = false} : vector<1024x64xf32>, vector<64x64xf32>, vector<1024x64xf32> -> vector<1024x64xf32>
    %get3A_18 = arith.constant 0 : index
    %get3A_19 = arith.constant 0 : index
    %get3A_20 = vector.load %arg6[%get3A_18, %get3A_19] : memref<1x64xf32, #tpu.memory_space<vmem>>, vector<1x64xf32>
    %add3A_21 = vector.broadcast %get3A_20 : vector<1x64xf32> to vector<1024x64xf32>
    %add3A_22 = arith.addf %dot_general3A_17, %add3A_21 : vector<1024x64xf32>
    %get3A_23 = arith.constant 0 : index
    %get3A_24 = arith.constant 0 : index
    %get3A_25 = vector.load %arg2[%get3A_23, %get3A_24] : memref<1024x64xf32, #tpu.memory_space<vmem>>, vector<1024x64xf32>
    %get3A_26 = arith.constant 0 : index
    %get3A_27 = arith.constant 0 : index
    %get3A_28 = vector.load %arg5[%get3A_26, %get3A_27] : memref<64x64xf32, #tpu.memory_space<vmem>>, vector<64x64xf32>
    %dot_general3A_29 = arith.constant dense<0.000000e+00> : vector<1024x64xf32>
    %dot_general3A_30 = tpu.matmul %get3A_25, %get3A_28, %dot_general3A_29 {dimension_numbers = #tpu.dot_dimension_numbers<[1], [0], [0], [1], [0, 0, 1, 1], [], []>, transpose_lhs_hint = false} : vector<1024x64xf32>, vector<64x64xf32>, vector<1024x64xf32> -> vector<1024x64xf32>
    %get3A_31 = arith.constant 0 : index
    %get3A_32 = arith.constant 0 : index
    %get3A_33 = vector.load %arg6[%get3A_31, %get3A_32] : memref<1x64xf32, #tpu.memory_space<vmem>>, vector<1x64xf32>
    %add3A_34 = vector.broadcast %get3A_33 : vector<1x64xf32> to vector<1024x64xf32>
    %add3A_35 = arith.addf %dot_general3A_30, %add3A_34 : vector<1024x64xf32>
    %add3A_36 = arith.addf %add3A_9, %add3A_22 : vector<1024x64xf32>
    %max3A = arith.constant 0.000000e+00 : f32
    %max3A_37 = vector.broadcast %max3A : f32 to vector<1024x64xf32>
    %max3A_38 = arith.maximumf %add3A_36, %max3A_37 : vector<1024x64xf32>
    %add3A_39 = arith.addf %add3A_9, %add3A_35 : vector<1024x64xf32>
    %max3A_40 = arith.constant 0.000000e+00 : f32
    %max3A_41 = vector.broadcast %max3A_40 : f32 to vector<1024x64xf32>
    %max3A_42 = arith.maximumf %add3A_39, %max3A_41 : vector<1024x64xf32>
    %get3A_43 = arith.constant 0 : index
    %get3A_44 = arith.constant 0 : index
    %get3A_45 = vector.load %arg7[%get3A_43, %get3A_44] : memref<1x64xf32, #tpu.memory_space<vmem>>, vector<1x64xf32>
    %mul3A = vector.broadcast %get3A_45 : vector<1x64xf32> to vector<1024x64xf32>
    %mul3A_46 = arith.mulf %max3A_38, %mul3A : vector<1024x64xf32>
    %reduce_sum3A = arith.constant dense<0.000000e+00> : vector<1024xf32>
    %reduce_sum3A_47 = vector.multi_reduction <add>, %mul3A_46, %reduce_sum3A [1] : vector<1024x64xf32> to vector<1024xf32>
    %broadcast_in_dim3A = vector.shape_cast %reduce_sum3A_47 : vector<1024xf32> to vector<1024x1xf32>
    %get3A_48 = arith.constant 0 : index
    %get3A_49 = arith.constant 0 : index
    %get3A_50 = vector.load %arg8[%get3A_48, %get3A_49] : memref<1x1xf32, #tpu.memory_space<vmem>>, vector<1x1xf32>
    %add3A_51 = vector.broadcast %get3A_50 : vector<1x1xf32> to vector<1024x1xf32>
    %add3A_52 = arith.addf %broadcast_in_dim3A, %add3A_51 : vector<1024x1xf32>
    %swap3A = arith.constant 0 : index
    %swap3A_53 = arith.constant 0 : index
    %swap3A_54 = vector.load %arg9[%swap3A, %swap3A_53] : memref<1024x1xf32, #tpu.memory_space<vmem>>, vector<1024x1xf32>
    tpu.vector_store %arg9[%swap3A, %swap3A_53], %add3A_52 {strides = array<i32>} : memref<1024x1xf32, #tpu.memory_space<vmem>>, vector<1024x1xf32>,
    %get3A_55 = arith.constant 0 : index
    %get3A_56 = arith.constant 0 : index
    %get3A_57 = vector.load %arg7[%get3A_55, %get3A_56] : memref<1x64xf32, #tpu.memory_space<vmem>>, vector<1x64xf32>
    %mul3A_58 = vector.broadcast %get3A_57 : vector<1x64xf32> to vector<1024x64xf32>
    %mul3A_59 = arith.mulf %max3A_42, %mul3A_58 : vector<1024x64xf32>
    %reduce_sum3A_60 = arith.constant dense<0.000000e+00> : vector<1024xf32>
    %reduce_sum3A_61 = vector.multi_reduction <add>, %mul3A_59, %reduce_sum3A_60 [1] : vector<1024x64xf32> to vector<1024xf32>
    %broadcast_in_dim3A_62 = vector.shape_cast %reduce_sum3A_61 : vector<1024xf32> to vector<1024x1xf32>
    %get3A_63 = arith.constant 0 : index
    %get3A_64 = arith.constant 0 : index
    %get3A_65 = vector.load %arg8[%get3A_63, %get3A_64] : memref<1x1xf32, #tpu.memory_space<vmem>>, vector<1x1xf32>
    %add3A_66 = vector.broadcast %get3A_65 : vector<1x1xf32> to vector<1024x1xf32>
    %add3A_67 = arith.addf %broadcast_in_dim3A_62, %add3A_66 : vector<1024x1xf32>
    %swap3A_68 = arith.constant 0 : index
    %swap3A_69 = arith.constant 0 : index
    %swap3A_70 = vector.load %arg10[%swap3A_68, %swap3A_69] : memref<1024x1xf32, #tpu.memory_space<vmem>>, vector<1024x1xf32>
    tpu.vector_store %arg10[%swap3A_68, %swap3A_69], %add3A_67 {strides = array<i32>} : memref<1024x1xf32, #tpu.memory_space<vmem>>, vector<1024x1xf32>,
    return
  }
}

</mosaic_0001>

<sc_bundles>
// kernel: kernel.12.cloned.1.call-start
scs
__scs_entry_jumppad:
0x0: {  	(pc) =	sbr.rel $0x88, $3  }
0x1: {  	(tag) =	ssettag $0x0;
	lr =	simm.s32 $0x1  }
0x2: {  	[smem:$0x3F88] =	sst lr;
	_ =	strace $0xD0000000  }
0x3: {  	_ = 	snop  }
0x4: {  	_ = 	snop  }
0x5: {  	_ = 	snop  }
0x6: {  	_ = 	snop  }
0x7: {  	_ = 	snop  }
__scs_overlays_trampoline_lowered:
0x8: {  	[smem:$0x3F97] =	sst s0  }
0x9: {  	[smem:$0x3F98] =	sst s1  }
0xa: {  	[smem:$0x3F99] =	sst s2  }
0xb: {  	[smem:$0x3F9A] =	sst s3  }
0xc: {  	[smem:$0x3F9B] =	sst s4  }
0xd: {  	[smem:$0x3F9C] =	sst s5  }
0xe: {  	[smem:$0x3F9D] =	sst s6  }
0xf: {  	[smem:$0x3F9E] =	sst s7  }
0x10: {  	[smem:$0x3F9F] =	sst s8  }
0x11: {  	[smem:$0x3FA0] =	sst s9;
	s0 =	simm.s32 @!p0 $0x0  }
0x12: {  	s1 =	sld [smem:$0x3F86];
	s0 =	simm.s32 @p0 $0x1  }
0x13: {  	[smem:$0x3FA1] =	sst s0;
	s0 =	simm.s32 @!p1 $0x0  }
0x14: {  	s2 =	sld [smem:$0x3F85];
	s0 =	simm.s32 @p1 $0x1  }
0x15: {  	[smem:$0x3FA2] =	sst s0;
	s0 =	simm.s32 @!p2 $0x0  }
0x16: {  	s3 =	sld [smem:$0x3FDB];
	s0 =	simm.s32 @p2 $0x1  }
0x17: {  	s4 =	simm.s32 $0x1BF5;
	[smem:$0x3FA4] =	sst s0  }
0x18: {  	s0 =	sld [smem:$0x3F87];
	_ =	swait.ge [sflag:s4], $0x0  }
0x19: {  	s7 =	sld [smem:$0x3F88]  }
0x1a: {  	s8 =	sadd.s32 $0xFFFFE003, lr  }
0x1b: {  	s9 =	sadd.s32 $0xFFFFFEF7, lr;
	s5 =	simm.s32 $0xFFFFFFFF;
	p2 =	slt.u32 s8, $0xFFFFF086  }
0x1c: {  	p1 =	slt.u32 s9, $0xF7A;
	s5 =	simm.s32 @!p2 $0x0  }
0x1d: {  	s5 =	simm.s32 @p1 $0x1;
	p0 =	seq.s32 s7, s2  }
0x1e: {  	s7 =	smul.u32 @!p0 $0xF7A, s2;
	p2 =	seq.s32 @!p0 s5, $0x0  }
0x1f: {  	s9 =	smul.u32 $0xF7A, s1;
	s8 =	simm.s32 @!p0 $0x1BF5;
	p2 =	por !p2, p0  }
0x20: {  	[sflag:s8] =	ssyncset.s32 @!p0 $0xFFFFF086;
	s6 =	sadd.s32 @!p0 s3, s7;
	s7 =	simm.s32 @!p0 $0x108  }
0x21: {  	s3 =	sadd.s32 s3, s9;
	s6 =	sadd.s32 @!p0 $0x88, s6;
	s7 =	simm.s32 @p2 $0x1082  }
0x22: {  	[simem:s7], [sflag:s8] =	dma.local @!p0 [hbm:s6], $0xF7A  }
0x23: {  	s9 =	sor.u32 $0xD0000000, s2;
	s6 =	simm.s32 $0x108;
	_ =	swait.ge @!p0 [sflag:s8], $0x0  }
0x24: {  	s3 =	sadd.s32 $0x88, s3;
	s6 =	simm.s32 @!p1 $0x1082;
	[sflag:s4] =	ssyncset.s32 $0xFFFFF086  }
0x25: {  	[simem:s6], [sflag:s4] =	dma.local [hbm:s3], $0xF7A  }
0x26: {  	[smem:$0x3F88] =	sst s1;
	(tag) =	ssettag s2;
	_ =	strace s9  }
0x27: {  	s1 =	sld [smem:$0x3F98]  }
0x28: {  	s2 =	sld [smem:$0x3F99]  }
0x29: {  	s4 =	sld [smem:$0x3F9B]  }
0x2a: {  	p0 =	seq.s32 s5, $0x0;
	s5 =	sld [smem:$0x3F9C]  }
0x2b: {  	s6 =	sld [smem:$0x3F9D]  }
0x2c: {  	s7 =	sld [smem:$0x3F9E]  }
0x2d: {  	s3 =	simm.s32 $0x108;
	s8 =	sld [smem:$0x3F9F]  }
0x2e: {  	s3 =	simm.s32 @!p0 $0x1082;
	s9 =	sld [smem:$0x3FA0]  }
0x2f: {  	lr =	sadd.s32 s0, s3;
	s0 =	sld [smem:$0x3F97]  }
0x30: {  	s3 =	sld [smem:$0x3F9A]  }
0x31: {  	[smem:$0x3FA3] =	sst s10  }
0x32: {  	s10 =	sld [smem:$0x3FA1];
	_ =	sdelay $0x3  }
0x33: {  	p0 =	seq.s32 s10, $0x1;
	s10 =	sld [smem:$0x3FA3];
	_ =	sdelay $0x3  }
0x34: {  	[smem:$0x3FA3] =	sst s10  }
0x35: {  	s10 =	sld [smem:$0x3FA2];
	_ =	sdelay $0x3  }
0x36: {  	p1 =	seq.s32 s10, $0x1;
	s10 =	sld [smem:$0x3FA3];
	_ =	sdelay $0x3  }
0x37: {  	[smem:$0x3FA3] =	sst s10  }
0x38: {  	s10 =	sld [smem:$0x3FA4]  }
0x39: {  	_ = 	snop;
	(pc) =	sbr.ind lr, $3  }
0x3a: {  	_ = 	snop  }
0x3b: {  	_ = 	snop  }
0x3c: {  	p2 =	seq.s32 s10, $0x1;
	s10 =	sld [smem:$0x3FA3]  }
0x3d: {  	_ =	shalt  }
0x3e: {  	_ =	shalt  }
0x3f: {  	_ =	shalt  }
0x40: {  	_ =	shalt  }
0x41: {  	_ =	shalt  }
0x42: {  	_ =	shalt  }
0x43: {  	_ =	shalt  }
0x44: {  	_ =	shalt  }
0x45: {  	_ =	shalt  }
0x46: {  	_ =	shalt  }
0x47: {  	_ =	shalt  }
0x48: {  	_ =	shalt  }
0x49: {  	_ =	shalt  }
0x4a: {  	_ =	shalt  }
0x4b: {  	_ =	shalt  }
0x4c: {  	_ =	shalt  }
0x4d: {  	_ =	shalt  }
0x4e: {  	_ =	shalt  }
0x4f: {  	_ =	shalt  }
0x50: {  	_ =	shalt  }
0x51: {  	_ =	shalt  }
0x52: {  	_ =	shalt  }
0x53: {  	_ =	shalt  }
0x54: {  	_ =	shalt  }
0x55: {  	_ =	shalt  }
0x56: {  	_ =	shalt  }
0x57: {  	_ =	shalt  }
0x58: {  	_ =	shalt  }
0x59: {  	_ =	shalt  }
0x5a: {  	_ =	shalt  }
0x5b: {  	_ =	shalt  }
0x5c: {  	_ =	shalt  }
0x5d: {  	_ =	shalt  }
0x5e: {  	_ =	shalt  }
0x5f: {  	_ =	shalt  }
0x60: {  	_ =	shalt  }
0x61: {  	_ =	shalt  }
0x62: {  	_ =	shalt  }
0x63: {  	_ =	shalt  }
0x64: {  	_ =	shalt  }
0x65: {  	_ =	shalt  }
0x66: {  	_ =	shalt  }
0x67: {  	_ =	shalt  }
0x68: {  	_ =	shalt  }
0x69: {  	_ =	shalt  }
0x6a: {  	_ =	shalt  }
0x6b: {  	_ =	shalt  }
0x6c: {  	_ =	shalt  }
0x6d: {  	_ =	shalt  }
0x6e: {  	_ =	shalt  }
0x6f: {  	_ =	shalt  }
0x70: {  	_ =	shalt  }
0x71: {  	_ =	shalt  }
0x72: {  	_ =	shalt  }
0x73: {  	_ =	shalt  }
0x74: {  	_ =	shalt  }
0x75: {  	_ =	shalt  }
0x76: {  	_ =	shalt  }
0x77: {  	_ =	shalt  }
0x78: {  	_ =	shalt  }
0x79: {  	_ =	shalt  }
0x7a: {  	_ =	shalt  }
0x7b: {  	_ =	shalt  }
0x7c: {  	_ =	shalt  }
0x7d: {  	_ =	shalt  }
0x7e: {  	_ =	shalt  }
0x7f: {  	_ =	shalt  }
0x80: {  	_ =	shalt  }
0x81: {  	_ =	shalt  }
0x82: {  	_ =	shalt  }
0x83: {  	_ =	shalt  }
0x84: {  	_ =	shalt  }
0x85: {  	_ =	shalt  }
0x86: {  	_ =	shalt  }
0x87: {  	_ =	shalt  }
.Lfunc_end0:
.L_simem_size_0:
called_computation.2_lowered:
.L_overlay_start_0:
0x88: {  	s2 =	sld [smem:$0x3FD9]  }
0x89: {  	s3 =	sld [smem:$0x3FFE];
	_ =	sdelay $0x1  }
0x8a: {  	s1 =	srdreg.scid  }
0x8b: {  	s0 =	sand.u32 $0x1, s1  }
0x8c: {  	s16 =	sshll.u32 s0, $0xA;
	s2 =	sadd.s32 s3, s2  }
0x8d: {  	s2 =	sadd.s32 s2, s16  }
0x8e: {  	[smem:$0x3FAF] =	sst s2  }
0x8f: {  	_ = 	snop  }
0x90: {  	(tm) =	ssettm $0x1  }
0x91: {  	s17 =	sld [smem:$0x3FFB];
	_ =	sdelay $0x3  }
0x92: {  	_ =	strace s17  }
0x93: {  	s2 =	sld [smem:$0x3FFC];
	_ =	sdelay $0x3  }
0x94: {  	_ =	strace s2  }
0x95: {  	s2 =	sld [smem:$0x3FFD];
	_ =	sdelay $0x3  }
0x96: {  	_ =	strace s2  }
0x97: {  	_ =	strace $0x8FFFFFFF  }
0x98: {  	s18 =	sld [smem:$0x3FDB];
	_ =	sdelay $0x1  }
0x99: {  	s19 =	simm.s32 $_scs_section_size  }
0x9a: {  	s4 =	simm.s32 $_size__tile_overlayer_lowered;
	s5 =	simm.s32 $_tile_overlayer_lowered  }
0x9b: {  	s22 =	simm.s32 $0x1BFF;
	s21 =	sshll.u32 s5, $0x1;
	s2 =	sadd.s32 s19, s18  }
0x9c: {  	s6 =	simm.s32 $0x0;
	s20 =	sshll.u32 s4, $0x1;
	s4 =	sadd.s32 s21, s2  }
0x9d: {  	[timem:s6], [sflag:s22] =	dma.local [hbm:s4], s20  }
0x9e: {  	_ =	swait.ge [sflag:s22], s20  }
0x9f: {  	s3 =	ssub.s32 $0x0, s20;
	[sflag:s22] =	ssyncset.done $0x0  }
0xa0: {  	[sflag:s22] =	ssyncadd.s32 s3;
	_ =	sdelay $0x1  }
0xa1: {  	s23 =	simm.s32 $0x1B8B  }
0xa2: {  	_ =	swait.ge [sflag:s23], $0x1  }
0xa3: {  	[sflag:s23] =	ssyncset.done $0x0  }
0xa4: {  	s25 =	simm.s32 $0x1B8E;
	s24 =	sld [smem:$0x3FFE];
	[sflag:s23] =	ssyncadd.s32 $0xFFFFFFFF  }
0xa5: {  	s26 =	simm.s32 $execute0_lowered;
	[smem:$0x3FD2] =	sst s25  }
0xa6: {  	s4 =	sshll.u32 s26, $0x1;
	_ =	strace $0x8000004C;
	[dreg:$0x1] =	wrdreg $0xFFFFFFFF  }
0xa7: {  	s28 =	simm.s32 $_size_execute0_lowered;
	s2 =	sadd.s32 s2, s4;
	[dreg:$0x0] =	wrdreg $0x0  }
0xa8: {  	s4 =	sshll.u32 s28, $0x1;
	[dreg:$0x2] =	wrdreg s2  }
0xa9: {  	[dreg:$0x3] =	wrdreg s4  }
0xaa: {  	[dreg:$0x4] =	wrdreg $0xC0  }
0xab: {  	_ =	task [dreg:s6], $0x5FFFF  }
0xac: {  	[dreg:$0x1] =	wrdreg $0xFFFFFFFF  }
0xad: {  	[dreg:$0x0] =	wrdreg $0x60  }
0xae: {  	[dreg:$0x2] =	wrdreg s24  }
0xaf: {  	[dreg:$0x3] =	wrdreg $0x71800  }
0xb0: {  	[dreg:$0x4] =	wrdreg $0x9  }
0xb1: {  	_ =	task.clear_ibuf [dreg:s6], $0x5FFFF;
	_ =	strace $0x9000004C  }
0xb2: {  	s29 =	simm.s32 $0x9;
	_ =	strace $0x8000004E  }
0xb3: {  	_ =	swait.ge [sflag:s29], $0x1  }
0xb4: {  	[sflag:s29] =	ssyncadd.s32 $0xFFFFFFFF  }
0xb5: {  	_ =	strace $0x9000004E  }
0xb6: {  	_ =	sfence  }
0xb7: {  	s30 =	sld [smem:$0x0];
	_ =	sdelay $0x2  }
0xb8: {  	s31 =	sshll.u32 s1, $0xD;
	s1 =	sshrl.u32 s1, $0x2  }
0xb9: {  	s3 =	sand.u32 $0x4000, s31;
	s1 =	sadd.s32 s1, s30  }
0xba: {  	s0 =	sor.u32 s3, s0;
	s1 =	sshll.u32 s1, $0x11  }
0xbb: {  	s0 =	sor.u32 s1, s0  }
0xbc: {  	s0 =	sadd.s32 $0x8F2B, s0  }
0xbd: {  	[sflag:s0] =	ssyncadd.remote.s32 $0x1  }
0xbe: {  	_ =	sfence.sel $0xFFFF  }
0xbf: {  	[dreg:$0x0] =	wrdreg $0xFFFFFFFF;
	(pc) =	sbr.abs _section_cstart, $3  }
0xc0: {  	[dreg:$0x1] =	wrdreg $0xFFFFFFFF  }
0xc1: {  	_ =	task.clear_ibuf [dreg:s6], $0x2FFFF;
	_ =	strace $0x9FFFFFFF  }
0xc2: {  	(tm) =	ssettm $0x7FFFFFFF  }
0xc3: {  	_ =	shalt  }
tec
execute0_lowered:
.L_overlay_start_1:
0x0: {  	(tag) =	ssettag $0x1  }
0x1: {  	s0 =	rddreg [dreg:$0x0];
	s19 =	stileid.u32  }
0x2: {  	s2 =	rddreg [dreg:$0x1];
	s1 =	smul.u32 $0x31000, s19  }
0x3: {  	s3 =	simm.s32 $0x0;
	s6 =	srdreg.scid;
	s4 =	smul.u32 $0xF500, s19  }
0x4: {  	s28 =	simm.s32 $0x80;
	s30 =	simm.s32 $0x100;
	s5 =	smul.u32 $0x620, s19  }
0x5: {  	s31 =	simm.s32 $0x0;
	[smem:$0x7FF] =	sst s3;
	s12 =	smul.u32 $0x54000, s19  }
0x6: {  	s10 =	sand.u32 $0x1, s6;
	s7 =	sadd.s32 $0x99B000, s0;
	s11 =	smul.u32 $0x15000, s19  }
0x7: {  	_ =	strace $0x8000004D;
	[dreg:$0x3] =	wrdreg s7;
	s8 =	ssub.s32 $0x2, s10  }
0x8: {  	s29 =	smul.u32 $0x2800, s10;
	s1 =	sadd.s32 s1, s0;
	s4 =	sadd.s32 s4, s0  }
0x9: {  	s9 =	sadd.s32 s5, s0;
	s0 =	sadd.s32 $0x99B600, s0;
	s7 =	sshrl.u32 s8, $0x1  }
0xa: {  	s13 =	sshrl.u32 s12, $0x2;
	s12 =	sadd.s32 $0x3000, s11;
	s14 =	sadd.s32 $0x6000, s11  }
0xb: {  	s15 =	sadd.s32 $0x9000, s11;
	s17 =	sadd.s32 $0xC000, s11;
	s18 =	sadd.s32 $0xF000, s11  }
0xc: {  	s22 =	ssub.s32 s8, s7;
	s5 =	sadd.s32 s13, s2;
	s13 =	smul.u32 $0x150000, s10  }
0xd: {  	s6 =	sadd.s32 s12, s2;
	s7 =	sadd.s32 s14, s2;
	s8 =	sadd.s32 s15, s2  }
0xe: {  	v0 =	vmov s29;
	s29 =	simm.s32 $0x70;
	s22 =	smax.u32 s22, $0x1;
	s16 =	sadd.s32 s11, s13  }
0xf: {  	s11 =	sadd.s32 $0x12000, s11;
	s12 =	sadd.s32 s13, s12;
	s14 =	sadd.s32 s13, s14  }
0x10: {  	s15 =	sadd.s32 s13, s15;
	s21 =	sadd.s32 s13, s17;
	s23 =	sadd.s32 s13, s18  }
0x11: {  	s17 =	sadd.s32 s17, s2;
	s18 =	sadd.s32 s18, s2;
	s16 =	sshrl.u32 s16, $0x3  }
0x12: {  	s12 =	sshrl.u32 s12, $0x3;
	s14 =	sshrl.u32 s14, $0x3;
	s24 =	sadd.s32 s13, s11  }
0x13: {  	s25 =	sshrl.u32 s23, $0x3;
	s23 =	sadd.s32 $0xA4D600, s4;
	s16 =	sadd.s32 s0, s16  }
0x14: {  	s12 =	sadd.s32 s0, s12;
	s26 =	sshrl.u32 s24, $0x3;
	[dreg:$0x4] =	wrdreg s16  }
0x15: {  	s24 =	simm.s32 $0x4180;
	[dreg:$0x5] =	wrdreg s12;
	s16 =	sshrl.u32 s15, $0x3  }
0x16: {  	s12 =	sadd.s32 s0, s14;
	s14 =	sshrl.u32 s21, $0x3;
	s15 =	sadd.s32 s0, s26  }
0x17: {  	s21 =	sadd.s32 $0x994E00, s9;
	s26 =	simm.s32 $0x180;
	[dreg:$0x6] =	wrdreg s12  }
0x18: {  	s20 =	sadd.s32 s0, s16;
	s13 =	sadd.s32 s0, s14;
	s12 =	smul.u32 $0xA0, s10  }
0x19: {  	s14 =	sadd.s32 s0, s25;
	s16 =	smul.u32 $0xF50, s19;
	s19 =	sadd.s32 s11, s2  }
0x1a: {  	v2 =	vlaneseq.u32;
	s25 =	simm.s32 $0x1;
	[dreg:$0x7] =	wrdreg s20;
	s20 =	sadd.s32 $0x1ADD600, s1;
	v1 =	vmov s12  }
.LBB2_1:
0x1b: {  	s0 =	rddreg [dreg:$0x3]  }
0x1c: {  	[tilespmem:s24], [sflag:$0x1] =	stream.linear.gather [hbm4b:s0+s3], $0x3000, $0x38;
	[tilespmem:$0x1C180] =	vst v63  }
0x1d: {  	_ =	swait.ge [sflag:s25], $0x3000  }
0x1e: {  	[sflag:s25] =	ssyncset.done $0x0  }
0x1f: {  	[sflag:s25] =	ssyncadd.s32 $0xFFFFD000  }
0x20: {  	[spmem:s5] =	stream.linear.scatter [tilespmem:s24], [sflag:$0x1], $0x3000, $0x38;
	[tilespmem:$0x1C180] =	vst v63  }
0x21: {  	_ =	swait.ge [sflag:s25], $0x3000  }
0x22: {  	[sflag:s25] =	ssyncset.done $0x0  }
0x23: {  	[sflag:s25] =	ssyncadd.s32 $0xFFFFD000  }
0x24: {  	[spmem:s6] =	stream.linear.scatter [tilespmem:s24], [sflag:$0x1], $0x3000, $0x38;
	[tilespmem:$0x1C180] =	vst v63  }
0x25: {  	_ =	swait.ge [sflag:s25], $0x3000  }
0x26: {  	[sflag:s25] =	ssyncset.done $0x0  }
0x27: {  	[sflag:s25] =	ssyncadd.s32 $0xFFFFD000  }
0x28: {  	[spmem:s7] =	stream.linear.scatter [tilespmem:s24], [sflag:$0x1], $0x3000, $0x38;
	[tilespmem:$0x1C180] =	vst v63  }
0x29: {  	_ =	swait.ge [sflag:s25], $0x3000  }
0x2a: {  	[sflag:s25] =	ssyncset.done $0x0  }
0x2b: {  	[sflag:s25] =	ssyncadd.s32 $0xFFFFD000  }
0x2c: {  	[spmem:s8] =	stream.linear.scatter [tilespmem:s24], [sflag:$0x1], $0x3000, $0x38;
	[tilespmem:$0x1C180] =	vst v63  }
0x2d: {  	_ =	swait.ge [sflag:s25], $0x3000  }
0x2e: {  	[sflag:s25] =	ssyncset.done $0x0  }
0x2f: {  	[sflag:s25] =	ssyncadd.s32 $0xFFFFD000  }
0x30: {  	[spmem:s17] =	stream.linear.scatter [tilespmem:s24], [sflag:$0x1], $0x3000, $0x38;
	[tilespmem:$0x1C180] =	vst v63  }
0x31: {  	_ =	swait.ge [sflag:s25], $0x3000  }
0x32: {  	[sflag:s25] =	ssyncset.done $0x0  }
0x33: {  	[sflag:s25] =	ssyncadd.s32 $0xFFFFD000  }
0x34: {  	[spmem:s18] =	stream.linear.scatter [tilespmem:s24], [sflag:$0x1], $0x3000, $0x38;
	[tilespmem:$0x1C180] =	vst v63  }
0x35: {  	_ =	swait.ge [sflag:s25], $0x3000  }
0x36: {  	[sflag:s25] =	ssyncset.done $0x0  }
0x37: {  	[sflag:s25] =	ssyncadd.s32 $0xFFFFD000  }
0x38: {  	[spmem:s19] =	stream.linear.scatter [tilespmem:s24], [sflag:$0x1], $0x3000, $0x38;
	[tilespmem:$0x1C180] =	vst v63  }
0x39: {  	_ =	swait.ge [sflag:s25], $0x3000  }
0x3a: {  	[sflag:s25] =	ssyncset.done $0x0  }
0x3b: {  	[sflag:s25] =	ssyncadd.s32 $0xFFFFD000  }
0x3c: {  	s12 =	sadd.s32 $0x0, s21;
	[bflag:$0x0] =	sbarrier.arrive $0xFFFF  }
0x3d: {  	[tilespmem:s3], [sflag:$0x1] =	stream.linear.gather [hbm4b:s12+s3], $0x80, $0x38;
	[tilespmem:$0x1C180] =	vst v63  }
0x3e: {  	_ =	swait.ge [sflag:s25], $0x80  }
0x3f: {  	[sflag:s25] =	ssyncset.done $0x0  }
0x40: {  	[sflag:s25] =	ssyncadd.s32 $0xFFFFFF80  }
0x41: {  	v3 =	vld [tilespmem:$0x20]  }
0x42: {  	v8 =	vld [tilespmem:$0x50]  }
0x43: {  	v4 =	vld [tilespmem:$0x40]  }
0x44: {  	v5 =	vld [tilespmem:$0x60]  }
0x45: {  	v6 =	vld [tilespmem:$0x70]  }
0x46: {  	v9 =	vld [tilespmem:$0x0];
	v3 =	vsub.s32 v3, v0  }
0x47: {  	v7 =	vld [tilespmem:$0x10];
	v60 =	vsub.s32 v8, v0;
	vm0 =	vlt.u32 v3, $0x2800  }
0x48: {  	v10 =	vld [tilespmem:$0x30];
	v4 =	vsub.s32 v4, v0;
	vm13 =	vlt.u32 v60, $0x2800;
	v3 =	vnsel vm0, $0x28A0, v3  }
0x49: {  	v5 =	vsub.s32 v5, v0;
	vm10 =	vlt.u32 v4, $0x2800;
	v62 =	vnsel vm13, $0x28A0, v60;
	[tilespmem:$0xA0] =	vst v3  }
0x4a: {  	v6 =	vsub.s32 v6, v0;
	vm11 =	vlt.u32 v5, $0x2800;
	v3 =	vnsel vm10, $0x28A0, v4;
	[tilespmem:$0xD0] =	vst v62  }
0x4b: {  	v61 =	vsub.s32 v9, v0;
	vm12 =	vlt.u32 v6, $0x2800;
	[tilespmem:$0xC0] =	vst v3;
	v3 =	vnsel vm11, $0x28A0, v5  }
0x4c: {  	v59 =	vsub.s32 v7, v0;
	vm14 =	vlt.u32 v61, $0x2800;
	[tilespmem:$0xE0] =	vst v3;
	v3 =	vnsel vm12, $0x28A0, v6  }
0x4d: {  	vm1 =	vlt.u32 v59, $0x2800;
	v63 =	vnsel vm14, $0x28A0, v61;
	[tilespmem:$0xF0] =	vst v3;
	v3 =	vsub.s32 v10, v0  }
0x4e: {  	v4 =	vnsel vm1, $0x28A0, v59;
	[tilespmem:$0x80] =	vst v63;
	vm15 =	vlt.u32 v3, $0x2800  }
0x4f: {  	[tilespmem:$0x90] =	vst v4;
	v3 =	vnsel vm15, $0x28A0, v3  }
0x50: {  	[tilespmem:$0xB0] =	vst v3  }
0x51: {  	[tilespmem:s26], [sflag:$0x1] =	stream.linear.gather [hbm4b:s20+s3], $0x4000, $0x38;
	[tilespmem:$0x1C180] =	vst v63  }
0x52: {  	_ =	swait.ge [sflag:s25], $0x4000  }
0x53: {  	[sflag:s25] =	ssyncset.done $0x0  }
0x54: {  	s1 =	sadd.s32 $0x800, s20;
	s9 =	simm.s32 $0x20;
	[sflag:s25] =	ssyncadd.s32 $0xFFFFC000  }
0x55: {  	[spmem:s2] =	stream.indirect.scatter.add.f32 [tilespmem:s26], [sflag:$0x1], $0x80, s28, s28, $0xb8;
	[tilespmem:$0x1C180] =	vst v63  }
0x56: {  	s11 =	sadd.s32 $0x10, s21;
	s4 =	smov.u32 s1;
	_ =	swait.ge [sflag:s25], $0x4000  }
.LBB2_2:
0x57: {  	p0 =	sne.s32 s9, $0x610  }
0x58: {  	s1 =	sadd.s32 $0x800, s1;
	[sflag:s25] =	ssyncset.done $0x0;
	s10 =	smov.u32 s9  }
0x59: {  	s9 =	sadd.s32 $0x10, s9;
	s0 =	simm.s32 $0x0;
	[sflag:s25] =	ssyncadd.s32 $0xFFFFC000  }
0x5a: {  	[tilespmem:s0], [sflag:$0x1] =	stream.linear.gather [hbm4b:s11+s0], $0x80, $0x38;
	[tilespmem:$0x1C180] =	vst v63  }
0x5b: {  	_ =	swait.ge [sflag:s25], $0x80  }
0x5c: {  	[sflag:s25] =	ssyncset.done $0x0  }
0x5d: {  	[sflag:s25] =	ssyncadd.s32 $0xFFFFFF80  }
0x5e: {  	v3 =	vld [tilespmem:$0x60]  }
0x5f: {  	v4 =	vld [tilespmem:$0x20]  }
0x60: {  	v5 =	vld [tilespmem:$0x40]  }
0x61: {  	v6 =	vld [tilespmem:$0x70]  }
0x62: {  	v7 =	vld [tilespmem:$0x10]  }
0x63: {  	v8 =	vld [tilespmem:$0x50]  }
0x64: {  	v4 =	vsub.s32 v4, v0;
	v9 =	vld [tilespmem:$0x30]  }
0x65: {  	v3 =	vsub.s32 v3, v0;
	v10 =	vld [tilespmem:$0x0];
	vm0 =	vlt.u32 v4, $0x2800;
	v5 =	vsub.s32 v5, v0  }
0x66: {  	v4 =	vnsel vm0, $0x28A0, v4;
	vm0 =	vlt.u32 v5, $0x2800;
	v6 =	vsub.s32 v6, v0  }
0x67: {  	v7 =	vsub.s32 v7, v0;
	[tilespmem:$0xA0] =	vst v4;
	v4 =	vnsel vm0, $0x28A0, v5;
	vm0 =	vlt.u32 v3, $0x2800  }
0x68: {  	[tilespmem:$0xC0] =	vst v4;
	v4 =	vsub.s32 v8, v0;
	v3 =	vnsel vm0, $0x28A0, v3;
	vm0 =	vlt.u32 v6, $0x2800  }
0x69: {  	vm1 =	vlt.u32 v7, $0x2800;
	v5 =	vsub.s32 v9, v0;
	[tilespmem:$0xE0] =	vst v3;
	v3 =	vnsel vm0, $0x28A0, v6  }
0x6a: {  	v7 =	vnsel vm1, $0x28A0, v7;
	vm0 =	vlt.u32 v4, $0x2800;
	v6 =	vsub.s32 v10, v0;
	[tilespmem:$0xF0] =	vst v3  }
0x6b: {  	vm2 =	vlt.u32 v5, $0x2800;
	v3 =	vnsel vm0, $0x28A0, v4;
	vm1 =	vlt.u32 v6, $0x2800;
	[tilespmem:$0x90] =	vst v7  }
0x6c: {  	v5 =	vnsel vm2, $0x28A0, v5;
	v4 =	vnsel vm1, $0x28A0, v6;
	[tilespmem:$0xD0] =	vst v3  }
0x6d: {  	[tilespmem:$0x80] =	vst v4  }
0x6e: {  	[tilespmem:$0xB0] =	vst v5  }
0x6f: {  	[tilespmem:s26], [sflag:$0x1] =	stream.linear.gather [hbm4b:s4+s0], $0x4000, $0x38;
	[tilespmem:$0x1C180] =	vst v63  }
.Ltmp0:
0x70: {  	s4 =	smov.u32 s1;
	_ =	swait.ge [sflag:s25], $0x4000;
	(pc) =	sbr.rel @p0 .LBB2_2-.Ltmp0, $4  }
0x71: {  	[sflag:s25] =	ssyncset.done $0x0  }
0x72: {  	[sflag:s25] =	ssyncadd.s32 $0xFFFFC000  }
0x73: {  	[spmem:s2] =	stream.indirect.scatter.add.f32 [tilespmem:s26], [sflag:$0x1], $0x80, s28, s28, $0xb8;
	[tilespmem:$0x1C180] =	vst v63  }
0x74: {  	s11 =	sadd.s32 s10, s21;
	_ =	swait.ge [sflag:s25], $0x4000  }
0x75: {  	[sflag:s25] =	ssyncset.done $0x0  }
0x76: {  	[sflag:s25] =	ssyncadd.s32 $0xFFFFC000  }
0x77: {  	[tilespmem:s0], [sflag:$0x1] =	stream.linear.gather [hbm4b:s11+s0], $0x80, $0x38;
	[tilespmem:$0x1C180] =	vst v63  }
0x78: {  	_ =	swait.ge [sflag:s25], $0x80  }
0x79: {  	[sflag:s25] =	ssyncset.done $0x0  }
0x7a: {  	[sflag:s25] =	ssyncadd.s32 $0xFFFFFF80  }
0x7b: {  	v3 =	vld [tilespmem:$0x60]  }
0x7c: {  	v4 =	vld [tilespmem:$0x20]  }
0x7d: {  	v5 =	vld [tilespmem:$0x40]  }
0x7e: {  	v6 =	vld [tilespmem:$0x70]  }
0x7f: {  	s1 =	sadd.s32 $0x0, s16;
	v7 =	vld [tilespmem:$0x10]  }
0x80: {  	v11 =	vor.u32 s1, v2;
	v8 =	vld [tilespmem:$0x50]  }
0x81: {  	s9 =	sadd.s32 $0x60, s1;
	v12 =	vmulhi.u32 $0xCCCCCCCD, v11;
	v9 =	vld [tilespmem:$0x30]  }
0x82: {  	v13 =	vor.u32 s9, v2;
	v10 =	vld [tilespmem:$0x0]  }
0x83: {  	s11 =	sadd.s32 $0x40, s1;
	v14 =	vmulhi.u32 $0xCCCCCCCD, v13;
	v12 =	vshrl.u32 v12, $0x8  }
0x84: {  	v16 =	vor.u32 s11, v2;
	v12 =	vmul.u32 $0x140, v12;
	v4 =	vsub.s32 v4, v0  }
0x85: {  	v5 =	vsub.s32 v5, v0;
	v3 =	vsub.s32 v3, v0;
	v6 =	vsub.s32 v6, v0  }
0x86: {  	v7 =	vsub.s32 v7, v0;
	v8 =	vsub.s32 v8, v0;
	v9 =	vsub.s32 v9, v0  }
0x87: {  	v10 =	vsub.s32 v10, v0;
	vm0 =	vlt.u32 v4, $0x2800;
	vm11 =	vlt.u32 v5, $0x2800  }
0x88: {  	vm12 =	vlt.u32 v3, $0x2800;
	vm13 =	vlt.u32 v6, $0x2800;
	vm1 =	vlt.u32 v7, $0x2800  }
0x89: {  	vm14 =	vlt.u32 v8, $0x2800;
	vm15 =	vlt.u32 v10, $0x2800;
	v4 =	vnsel vm0, $0x28A0, v4  }
0x8a: {  	vm2 =	vlt.u32 v9, $0x2800;
	v5 =	vnsel vm11, $0x28A0, v5;
	v3 =	vnsel vm12, $0x28A0, v3;
	[tilespmem:$0xA0] =	vst v4  }
0x8b: {  	s12 =	sadd.s32 $0x50, s1;
	v6 =	vnsel vm13, $0x28A0, v6;
	v7 =	vnsel vm1, $0x28A0, v7;
	v8 =	vnsel vm14, $0x28A0, v8;
	[tilespmem:$0xC0] =	vst v5  }
0x8c: {  	s10 =	sadd.s32 $0x10, s1;
	v4 =	vnsel vm2, $0x28A0, v9;
	v9 =	vor.u32 s12, v2;
	[tilespmem:$0xF0] =	vst v6;
	v6 =	vmulhi.u32 $0xCCCCCCCD, v16  }
0x8d: {  	v10 =	vnsel vm15, $0x28A0, v10;
	v5 =	vor.u32 s10, v2;
	[tilespmem:$0x90] =	vst v7;
	v15 =	vmulhi.u32 $0xCCCCCCCD, v9  }
0x8e: {  	s12 =	sadd.s32 $0x20, s1;
	s1 =	sadd.s32 $0x30, s1;
	v7 =	vsub.s32 v11, v12;
	[tilespmem:$0xD0] =	vst v8;
	v8 =	vshrl.u32 v14, $0x8;
	v17 =	vmulhi.u32 $0xCCCCCCCD, v5  }
0x8f: {  	[tilespmem:$0xE0] =	vst v3;
	v3 =	vor.u32 s12, v2;
	v18 =	vor.u32 s1, v2;
	v7 =	vsub.s32 v7, v1  }
0x90: {  	v63 =	vmulhi.u32 $0xCCCCCCCD, v18;
	v6 =	vshrl.u32 v6, $0x8;
	v11 =	vshrl.u32 v17, $0x8  }
0x91: {  	[tilespmem:$0x80] =	vst v10;
	v10 =	vshrl.u32 v15, $0x8;
	v6 =	vmul.u32 $0x140, v6;
	v11 =	vmul.u32 $0x140, v11  }
0x92: {  	[tilespmem:$0xB0] =	vst v4;
	v7 =	vmin.u32 v7, $0xA0;
	v12 =	vshrl.u32 v63, $0x8;
	v10 =	vmul.u32 $0x140, v10  }
0x93: {  	[tilespmem:s26], [sflag:$0x1] =	stream.linear.gather [hbm4b:s4+s0], $0x4000, $0x38;
	v6 =	vsub.s32 v16, v6;
	v4 =	vsub.s32 v5, v11;
	v5 =	vmul.u32 $0x140, v8;
	[tilespmem:$0x1C180] =	vst v63  }
0x94: {  	_ =	swait.ge [sflag:s25], $0x4000;
	v11 =	vmul.u32 $0x140, v12;
	v6 =	vsub.s32 v6, v1;
	v9 =	vsub.s32 v9, v10  }
0x95: {  	p1 =	por $0x1, $0x1;
	[sflag:s25] =	ssyncset.done $0x0;
	v4 =	vsub.s32 v4, v1;
	v6 =	vmin.u32 v6, $0xA0;
	v5 =	vsub.s32 v13, v5  }
.Ltmp1:
0x96: {  	[sflag:s25] =	ssyncadd.s32 $0xFFFFC000;
	v4 =	vmin.u32 v4, $0xA0;
	v11 =	vsub.s32 v18, v11;
	v5 =	vsub.s32 v5, v1;
	(pc) =	sbr.rel @!p1 .LBB2_4-.Ltmp1, $4  }
0x97: {  	[spmem:s2] =	stream.indirect.scatter.add.f32 [tilespmem:s26], [sflag:$0x1], $0x80, s28, s28, $0xb8;
	v8 =	vmin.u32 v5, $0xA0;
	v5 =	vor.u32 $0x2800, v7;
	v7 =	vmulhi.u32 $0xCCCCCCCD, v3;
	[tilespmem:$0x1C180] =	vst v63  }
0x98: {  	_ =	swait.ge [sflag:s25], $0x4000;
	v6 =	vor.u32 $0x2800, v6;
	v4 =	vor.u32 $0x2800, v4;
	v10 =	vsub.s32 v11, v1  }
0x99: {  	[sflag:s25] =	ssyncset.done $0x0;
	v11 =	vsub.s32 v9, v1;
	v8 =	vor.u32 $0x2800, v8;
	v7 =	vshrl.u32 v7, $0x8  }
0x9a: {  	p0 =	por $0x0, $0x0;
	[sflag:s25] =	ssyncadd.s32 $0xFFFFC000;
	v9 =	vmul.u32 $0x140, v7;
	v7 =	vmin.u32 v10, $0xA0;
	v10 =	vmin.u32 v11, $0xA0  }
0x9b: {  	s0 =	sadd.s32 $0x70, s16  }
0x9c: {  	v10 =	vor.u32 $0x2800, v10;
	v11 =	vor.u32 s0, v2  }
0x9d: {  	[tilespmem:$0x110] =	vst v4;
	v4 =	vor.u32 $0x2800, v7;
	s1 =	sadd.s32 $0x10, s0;
	v9 =	vsub.s32 v3, v9;
	s4 =	sadd.s32 $0x20, s0;
	s9 =	sadd.s32 $0x60, s0;
	v12 =	vmulhi.u32 $0xCCCCCCCD, v11  }
0x9e: {  	s11 =	sadd.s32 $0x40, s0;
	s12 =	sadd.s32 $0x50, s0;
	v13 =	vor.u32 s1, v2;
	v3 =	vor.u32 s4, v2;
	v15 =	vor.u32 s9, v2  }
0x9f: {  	[tilespmem:$0x160] =	vst v8;
	s0 =	sadd.s32 $0x30, s0;
	v14 =	vor.u32 s11, v2;
	v16 =	vor.u32 s12, v2;
	v17 =	vmulhi.u32 $0xCCCCCCCD, v15  }
0xa0: {  	[tilespmem:$0x140] =	vst v6;
	v9 =	vsub.s32 v9, v1;
	v18 =	vor.u32 s0, v2;
	v63 =	vmulhi.u32 $0xCCCCCCCD, v16  }
0xa1: {  	[tilespmem:$0x100] =	vst v5;
	v6 =	vmulhi.u32 $0xCCCCCCCD, v13;
	v9 =	vmin.u32 v9, $0xA0;
	v12 =	vshrl.u32 v12, $0x8  }
0xa2: {  	[tilespmem:$0x150] =	vst v10;
	v10 =	vmulhi.u32 $0xCCCCCCCD, v18;
	v9 =	vor.u32 $0x2800, v9;
	v8 =	vmul.u32 $0x140, v12  }
0xa3: {  	[tilespmem:$0x130] =	vst v4;
	v6 =	vshrl.u32 v6, $0x8;
	v5 =	vshrl.u32 v17, $0x8;
	v4 =	vshrl.u32 v63, $0x8  }
0xa4: {  	v10 =	vshrl.u32 v10, $0x8;
	v7 =	vsub.s32 v11, v8;
	v8 =	vmulhi.u32 $0xCCCCCCCD, v14  }
0xa5: {  	[tilespmem:$0x120] =	vst v9;
	v6 =	vmul.u32 $0x140, v6;
	v9 =	vmul.u32 $0x140, v10;
	v5 =	vmul.u32 $0x140, v5  }
0xa6: {  	v10 =	vmul.u32 $0x140, v4;
	v7 =	vsub.s32 v7, v1;
	v8 =	vshrl.u32 v8, $0x8  }
0xa7: {  	[tilespmem:s26], [sflag:$0x1] =	stream.linear.gather [hbm4b:s23+s3], $0x3800, $0x38;
	v6 =	vsub.s32 v13, v6;
	v5 =	vsub.s32 v15, v5;
	v8 =	vmul.u32 $0x140, v8;
	[tilespmem:$0x1C180] =	vst v63  }
0xa8: {  	_ =	swait.ge [sflag:s25], $0x3800;
	v9 =	vsub.s32 v18, v9;
	v10 =	vsub.s32 v16, v10;
	v6 =	vsub.s32 v6, v1  }
0xa9: {  	p1 =	por $0x1, $0x1;
	[sflag:s25] =	ssyncset.done $0x0;
	v5 =	vsub.s32 v5, v1;
	v7 =	vmin.u32 v7, $0xA0;
	v8 =	vsub.s32 v14, v8  }
.Ltmp2:
0xaa: {  	[sflag:s25] =	ssyncadd.s32 $0xFFFFC800;
	v10 =	vsub.s32 v10, v1;
	v4 =	vmin.u32 v6, $0xA0;
	v6 =	vsub.s32 v8, v1;
	(pc) =	sbr.rel @!p1 .LBB2_6-.Ltmp2, $4  }
0xab: {  	[spmem:s2] =	stream.indirect.scatter.add.f32 [tilespmem:s26], [sflag:$0x1], $0x80, s30, s29, $0xb8;
	v8 =	vmin.u32 v5, $0xA0;
	v5 =	vor.u32 $0x2800, v7;
	v7 =	vmulhi.u32 $0xCCCCCCCD, v3;
	[tilespmem:$0x1C180] =	vst v63  }
0xac: {  	v11 =	vsub.s32 v9, v1;
	v10 =	vmin.u32 v10, $0xA0;
	v4 =	vor.u32 $0x2800, v4;
	_ =	swait.ge [sflag:s25], $0x3800  }
0xad: {  	p0 =	por $0x1, $0x1;
	[sflag:s25] =	ssyncset.done $0x0;
	v6 =	vmin.u32 v6, $0xA0;
	v8 =	vor.u32 $0x2800, v8;
	v7 =	vshrl.u32 v7, $0x8  }
0xae: {  	s4 =	simm.s32 $0xE0;
	s0 =	smov.u32 s23;
	[sflag:s25] =	ssyncadd.s32 $0xFFFFC800;
	v6 =	vor.u32 $0x2800, v6;
	v9 =	vmul.u32 $0x140, v7;
	v7 =	vmin.u32 v11, $0xA0  }
.LBB2_7:
0xaf: {  	s1 =	smov.u32 s4  }
0xb0: {  	s9 =	sadd.s32 s4, s16;
	s0 =	sadd.s32 $0x700, s0;
	s1 =	sadd.s32 $0x70, s4  }
0xb1: {  	v10 =	vor.u32 $0x2800, v10;
	v11 =	vor.u32 s9, v2;
	s10 =	sadd.s32 $0x10, s9;
	s11 =	sadd.s32 $0x20, s9;
	s12 =	sadd.s32 $0x30, s9;
	v9 =	vsub.s32 v3, v9  }
0xb2: {  	v12 =	vmulhi.u32 $0xCCCCCCCD, v11;
	v13 =	vor.u32 s10, v2;
	v3 =	vor.u32 s11, v2;
	s10 =	sadd.s32 $0x40, s9;
	s11 =	sadd.s32 $0x50, s9;
	s9 =	sadd.s32 $0x60, s9;
	[tilespmem:$0x160] =	vst v8  }
0xb3: {  	p1 =	sne.s32 s4, $0xEE0;
	v8 =	vor.u32 s10, v2;
	v14 =	vor.u32 s11, v2;
	v15 =	vor.u32 s9, v2;
	[tilespmem:$0x140] =	vst v6  }
0xb4: {  	v6 =	vshrl.u32 v12, $0x8;
	v12 =	vor.u32 s12, v2;
	v16 =	vmulhi.u32 $0xCCCCCCCD, v15;
	[tilespmem:$0x110] =	vst v4  }
0xb5: {  	v9 =	vsub.s32 v9, v1;
	v4 =	vmul.u32 $0x140, v6;
	v6 =	vmulhi.u32 $0xCCCCCCCD, v14;
	[tilespmem:$0x150] =	vst v10  }
0xb6: {  	v7 =	vor.u32 $0x2800, v7;
	v10 =	vmulhi.u32 $0xCCCCCCCD, v13;
	[tilespmem:$0x100] =	vst v5;
	v5 =	vmin.u32 v9, $0xA0  }
0xb7: {  	v4 =	vsub.s32 v11, v4;
	v9 =	vmulhi.u32 $0xCCCCCCCD, v8;
	v5 =	vor.u32 $0x2800, v5;
	[tilespmem:$0x130] =	vst v7  }
0xb8: {  	v11 =	vshrl.u32 v16, $0x8;
	v7 =	vshrl.u32 v10, $0x8;
	v10 =	vmulhi.u32 $0xCCCCCCCD, v12;
	[tilespmem:$0x120] =	vst v5  }
0xb9: {  	v6 =	vshrl.u32 v6, $0x8;
	v5 =	vmul.u32 $0x140, v7;
	v7 =	vshrl.u32 v9, $0x8;
	[tilespmem:s26], [sflag:$0x1] =	stream.linear.gather [hbm4b:s0+s3], $0x3800, $0x38;
	[tilespmem:$0x1C180] =	vst v63  }
0xba: {  	v9 =	vsub.s32 v4, v1;
	v4 =	vshrl.u32 v10, $0x8;
	v7 =	vmul.u32 $0x140, v7;
	_ =	swait.ge [sflag:s25], $0x3800  }
0xbb: {  	v5 =	vsub.s32 v13, v5;
	v10 =	vmul.u32 $0x140, v4;
	v4 =	vmul.u32 $0x140, v11;
	[sflag:s25] =	ssyncset.done $0x0  }
0xbc: {  	v11 =	vmul.u32 $0x140, v6;
	v5 =	vsub.s32 v5, v1;
	v7 =	vsub.s32 v8, v7;
	[sflag:s25] =	ssyncadd.s32 $0xFFFFC800  }
0xbd: {  	v5 =	vmin.u32 v5, $0xA0;
	v6 =	vsub.s32 v7, v1;
	v7 =	vsub.s32 v15, v4;
	[spmem:s2] =	stream.indirect.scatter.add.f32 [tilespmem:s26], [sflag:$0x1], $0x80, s30, s29, $0xb8;
	[tilespmem:$0x1C180] =	vst v63  }
0xbe: {  	v4 =	vor.u32 $0x2800, v5;
	v5 =	vmin.u32 v6, $0xA0;
	v7 =	vsub.s32 v7, v1;
	_ =	swait.ge [sflag:s25], $0x3800  }
.Ltmp3:
0xbf: {  	v8 =	vmin.u32 v9, $0xA0;
	v6 =	vor.u32 $0x2800, v5;
	v7 =	vmin.u32 v7, $0xA0;
	[sflag:s25] =	ssyncset.done $0x0;
	(pc) =	sbr.rel @p1 .LBB2_7-.Ltmp3, $4  }
0xc0: {  	v9 =	vmulhi.u32 $0xCCCCCCCD, v3;
	v5 =	vor.u32 $0x2800, v8;
	v8 =	vor.u32 $0x2800, v7;
	[sflag:s25] =	ssyncadd.s32 $0xFFFFC800  }
0xc1: {  	v7 =	vsub.s32 v12, v10;
	v10 =	vsub.s32 v14, v11  }
0xc2: {  	v9 =	vshrl.u32 v9, $0x8;
	v7 =	vsub.s32 v7, v1;
	v10 =	vsub.s32 v10, v1  }
0xc3: {  	s4 =	smov.u32 s1;
	v9 =	vmul.u32 $0x140, v9;
	v7 =	vmin.u32 v7, $0xA0;
	v10 =	vmin.u32 v10, $0xA0  }
.LBB2_8:
0xc4: {  	[tilespmem:$0x160] =	vst v8  }
0xc5: {  	[tilespmem:$0x140] =	vst v6  }
0xc6: {  	[tilespmem:$0x110] =	vst v4;
	v3 =	vsub.s32 v3, v9  }
0xc7: {  	v62 =	vor.u32 $0x2800, v10;
	[tilespmem:$0x100] =	vst v5;
	v3 =	vsub.s32 v3, v1  }
0xc8: {  	v63 =	vor.u32 $0x2800, v7;
	[tilespmem:$0x150] =	vst v62;
	v3 =	vmin.u32 v3, $0xA0  }
0xc9: {  	s0 =	sadd.s32 @p0 $0x700, s0;
	s1 =	smov.u32 s23;
	[tilespmem:$0x130] =	vst v63;
	v3 =	vor.u32 $0x2800, v3  }
0xca: {  	s1 =	smov.u32 @p0 s0;
	[tilespmem:$0x120] =	vst v3  }
0xcb: {  	[tilespmem:s26], [sflag:$0x1] =	stream.linear.gather [hbm4b:s1+s3], $0x3800, $0x38;
	[tilespmem:$0x1C180] =	vst v63  }
0xcc: {  	_ =	swait.ge [sflag:s25], $0x3800  }
0xcd: {  	[sflag:s25] =	ssyncset.done $0x0  }
0xce: {  	[sflag:s25] =	ssyncadd.s32 $0xFFFFC800  }
0xcf: {  	[spmem:s2] =	stream.indirect.scatter.add.f32 [tilespmem:s26], [sflag:$0x1], $0x80, s30, s29, $0xb8;
	[tilespmem:$0x1C180] =	vst v63  }
0xd0: {  	_ =	swait.ge [sflag:s25], $0x3800  }
0xd1: {  	[sflag:s25] =	ssyncset.done $0x0  }
0xd2: {  	[sflag:s25] =	ssyncadd.s32 $0xFFFFC800  }
0xd3: {  	[bflag:$0x0] =	sbarrier.arrive $0xFFFF  }
0xd4: {  	[tilespmem:s24], [sflag:$0x1] =	stream.linear.gather [spmem:s5], $0x3000, $0x38;
	[tilespmem:$0x1C180] =	vst v63  }
0xd5: {  	_ =	swait.ge [sflag:s25], $0x3000  }
0xd6: {  	[sflag:s25] =	ssyncset.done $0x0  }
0xd7: {  	s9 =	rddreg [dreg:$0x4];
	[sflag:s25] =	ssyncadd.s32 $0xFFFFD000  }
0xd8: {  	[hbm4b:s9+s3] =	stream.linear.scatter [tilespmem:s24], [sflag:$0x1], $0x3000, $0x38;
	[tilespmem:$0x1C180] =	vst v63  }
0xd9: {  	_ =	swait.ge [sflag:s25], $0x3000  }
0xda: {  	[sflag:s25] =	ssyncset.done $0x0  }
0xdb: {  	[sflag:s25] =	ssyncadd.s32 $0xFFFFD000  }
0xdc: {  	[tilespmem:s24], [sflag:$0x1] =	stream.linear.gather [spmem:s6], $0x3000, $0x38;
	[tilespmem:$0x1C180] =	vst v63  }
0xdd: {  	_ =	swait.ge [sflag:s25], $0x3000  }
0xde: {  	[sflag:s25] =	ssyncset.done $0x0  }
0xdf: {  	s10 =	rddreg [dreg:$0x5];
	[sflag:s25] =	ssyncadd.s32 $0xFFFFD000  }
0xe0: {  	[hbm4b:s10+s3] =	stream.linear.scatter [tilespmem:s24], [sflag:$0x1], $0x3000, $0x38;
	[tilespmem:$0x1C180] =	vst v63  }
0xe1: {  	_ =	swait.ge [sflag:s25], $0x3000  }
0xe2: {  	[sflag:s25] =	ssyncset.done $0x0  }
0xe3: {  	[sflag:s25] =	ssyncadd.s32 $0xFFFFD000  }
0xe4: {  	[tilespmem:s24], [sflag:$0x1] =	stream.linear.gather [spmem:s7], $0x3000, $0x38;
	[tilespmem:$0x1C180] =	vst v63  }
0xe5: {  	_ =	swait.ge [sflag:s25], $0x3000  }
0xe6: {  	[sflag:s25] =	ssyncset.done $0x0  }
0xe7: {  	s11 =	rddreg [dreg:$0x6];
	[sflag:s25] =	ssyncadd.s32 $0xFFFFD000  }
0xe8: {  	[hbm4b:s11+s3] =	stream.linear.scatter [tilespmem:s24], [sflag:$0x1], $0x3000, $0x38;
	[tilespmem:$0x1C180] =	vst v63  }
0xe9: {  	_ =	swait.ge [sflag:s25], $0x3000  }
0xea: {  	[sflag:s25] =	ssyncset.done $0x0  }
0xeb: {  	[sflag:s25] =	ssyncadd.s32 $0xFFFFD000  }
0xec: {  	[tilespmem:s24], [sflag:$0x1] =	stream.linear.gather [spmem:s8], $0x3000, $0x38;
	[tilespmem:$0x1C180] =	vst v63  }
0xed: {  	_ =	swait.ge [sflag:s25], $0x3000  }
0xee: {  	[sflag:s25] =	ssyncset.done $0x0  }
0xef: {  	s12 =	rddreg [dreg:$0x7];
	[sflag:s25] =	ssyncadd.s32 $0xFFFFD000  }
0xf0: {  	[hbm4b:s12+s3] =	stream.linear.scatter [tilespmem:s24], [sflag:$0x1], $0x3000, $0x38;
	[tilespmem:$0x1C180] =	vst v63  }
0xf1: {  	_ =	swait.ge [sflag:s25], $0x3000  }
0xf2: {  	[sflag:s25] =	ssyncset.done $0x0  }
0xf3: {  	[sflag:s25] =	ssyncadd.s32 $0xFFFFD000  }
0xf4: {  	[tilespmem:s24], [sflag:$0x1] =	stream.linear.gather [spmem:s17], $0x3000, $0x38;
	[tilespmem:$0x1C180] =	vst v63  }
0xf5: {  	_ =	swait.ge [sflag:s25], $0x3000  }
0xf6: {  	[sflag:s25] =	ssyncset.done $0x0  }
0xf7: {  	[sflag:s25] =	ssyncadd.s32 $0xFFFFD000  }
0xf8: {  	[hbm4b:s13+s3] =	stream.linear.scatter [tilespmem:s24], [sflag:$0x1], $0x3000, $0x38;
	[tilespmem:$0x1C180] =	vst v63  }
0xf9: {  	_ =	swait.ge [sflag:s25], $0x3000  }
0xfa: {  	[sflag:s25] =	ssyncset.done $0x0  }
0xfb: {  	[sflag:s25] =	ssyncadd.s32 $0xFFFFD000  }
0xfc: {  	[tilespmem:s24], [sflag:$0x1] =	stream.linear.gather [spmem:s18], $0x3000, $0x38;
	[tilespmem:$0x1C180] =	vst v63  }
0xfd: {  	_ =	swait.ge [sflag:s25], $0x3000  }
0xfe: {  	[sflag:s25] =	ssyncset.done $0x0  }
0xff: {  	[sflag:s25] =	ssyncadd.s32 $0xFFFFD000  }
0x100: {  	[hbm4b:s14+s3] =	stream.linear.scatter [tilespmem:s24], [sflag:$0x1], $0x3000, $0x38;
	[tilespmem:$0x1C180] =	vst v63  }
0x101: {  	_ =	swait.ge [sflag:s25], $0x3000  }
0x102: {  	[sflag:s25] =	ssyncset.done $0x0  }
0x103: {  	[sflag:s25] =	ssyncadd.s32 $0xFFFFD000  }
0x104: {  	[tilespmem:s24], [sflag:$0x1] =	stream.linear.gather [spmem:s19], $0x3000, $0x38;
	[tilespmem:$0x1C180] =	vst v63  }
0x105: {  	_ =	swait.ge [sflag:s25], $0x3000  }
0x106: {  	s31 =	sadd.s32 $0x1, s31;
	[sflag:s25] =	ssyncset.done $0x0  }
0x107: {  	p0 =	sne.s32 s31, s22;
	[sflag:s25] =	ssyncadd.s32 $0xFFFFD000  }
0x108: {  	[hbm4b:s15+s3] =	stream.linear.scatter [tilespmem:s24], [sflag:$0x1], $0x3000, $0x38;
	[tilespmem:$0x1C180] =	vst v63  }
.Ltmp4:
0x109: {  	_ = 	snop;
	(pc) =	sbr.rel @p0 .LBB2_1-.Ltmp4, $4  }
.Ltmp5:
0x10a: {  	_ = 	snop;
	(pc) =	sbr.rel @!p0 .LBB2_9-.Ltmp5, $4  }
0x10b: {  	_ =	swait.ge [sflag:s25], $0x3000  }
0x10c: {  	[sflag:s25] =	ssyncset.done $0x0  }
0x10d: {  	[sflag:s25] =	ssyncadd.s32 $0xFFFFD000  }
0x10e: {  	_ = 	snop  }
.LBB2_4:
.Ltmp6:
0x10f: {  	(pc) =	sbr.rel .LBB2_8-.Ltmp6, $2  }
0x110: {  	_ =	sdelay $0x2  }
0x111: {  	s0 =	smov.u32 s23  }
.LBB2_6:
.Ltmp7:
0x112: {  	(pc) =	sbr.rel .LBB2_8-.Ltmp7, $2  }
0x113: {  	_ =	sdelay $0x2  }
0x114: {  	s0 =	smov.u32 s23  }
.LBB2_9:
0x115: {  	_ =	sfence.sel $0x180000  }
0x116: {  	[bflag:$0x0] =	sbarrier.arrive $0xFFFF  }
0x117: {  	_ =	strace $0x9000004D  }
0x118: {  	s0 =	stileid.u32;
	[bflag:$0x2] =	sbarrier.arrive $0xFFFF  }
0x119: {  	p0 =	sne.s32 s0, $0x0;
	s0 =	rddreg [dreg:$0x2]  }
0x11a: {  	s0 =	sadd.s32 @!p0 $0x100000, s0  }
0x11b: {  	[sflag:s0] =	ssyncadd.tile.s32 @!p0 $0x1;
	_ =	shalt  }
.Lfunc_end2:
_tile_overlayer_lowered:
.L_overlay_start_2:
0x11c: {  	(tag) =	ssettag $0x2  }
0x11d: {  	s0 =	rddreg [dreg:$0x0];
	s2 =	stileid.u32  }
0x11e: {  	s1 =	rddreg [dreg:$0x1];
	p0 =	sne.s32 s2, $0x0  }
0x11f: {  	s3 =	rddreg [dreg:$0x2];
	[bflag:$0x3] =	sbarrier.arrive $0xFFFF;
	s2 =	simm.s32 @!p0 $0x1C01  }
0x120: {  	[timem:s3], [sflag:s2] =	dma.local @!p0 [hbm:s0], s1  }
0x121: {  	s0 =	simm.s32 @!p0 $0x1  }
0x122: {  	_ =	swait.ge @!p0 [sflag:s0], s1  }
0x123: {  	s1 =	ssub.s32 @!p0 $0x0, s1;
	[sflag:s0] =	ssyncset.done @!p0 $0x0  }
0x124: {  	[sflag:s0] =	ssyncadd.s32 @!p0 s1  }
0x125: {  	[bflag:$0x3] =	sbarrier.arrive $0xFFFF  }
0x126: {  	_ =	shalt  }

// kernel: kernel.15.cloned.1.call-start
scs
__scs_entry_jumppad:
0x0: {  	(pc) =	sbr.rel $0x88, $3  }
0x1: {  	(tag) =	ssettag $0x0;
	lr =	simm.s32 $0x1  }
0x2: {  	[smem:$0x3F88] =	sst lr;
	_ =	strace $0xD0000000  }
0x3: {  	_ = 	snop  }
0x4: {  	_ = 	snop  }
0x5: {  	_ = 	snop  }
0x6: {  	_ = 	snop  }
0x7: {  	_ = 	snop  }
__scs_overlays_trampoline_lowered:
0x8: {  	[smem:$0x3F97] =	sst s0  }
0x9: {  	[smem:$0x3F98] =	sst s1  }
0xa: {  	[smem:$0x3F99] =	sst s2  }
0xb: {  	[smem:$0x3F9A] =	sst s3  }
0xc: {  	[smem:$0x3F9B] =	sst s4  }
0xd: {  	[smem:$0x3F9C] =	sst s5  }
0xe: {  	[smem:$0x3F9D] =	sst s6  }
0xf: {  	[smem:$0x3F9E] =	sst s7  }
0x10: {  	[smem:$0x3F9F] =	sst s8  }
0x11: {  	[smem:$0x3FA0] =	sst s9;
	s0 =	simm.s32 @!p0 $0x0  }
0x12: {  	s1 =	sld [smem:$0x3F86];
	s0 =	simm.s32 @p0 $0x1  }
0x13: {  	[smem:$0x3FA1] =	sst s0;
	s0 =	simm.s32 @!p1 $0x0  }
0x14: {  	s2 =	sld [smem:$0x3F85];
	s0 =	simm.s32 @p1 $0x1  }
0x15: {  	[smem:$0x3FA2] =	sst s0;
	s0 =	simm.s32 @!p2 $0x0  }
0x16: {  	s3 =	sld [smem:$0x3FDB];
	s0 =	simm.s32 @p2 $0x1  }
0x17: {  	s4 =	simm.s32 $0x1BF5;
	[smem:$0x3FA4] =	sst s0  }
0x18: {  	s0 =	sld [smem:$0x3F87];
	_ =	swait.ge [sflag:s4], $0x0  }
0x19: {  	s7 =	sld [smem:$0x3F88]  }
0x1a: {  	s8 =	sadd.s32 $0xFFFFE003, lr  }
0x1b: {  	s9 =	sadd.s32 $0xFFFFFEF7, lr;
	s5 =	simm.s32 $0xFFFFFFFF;
	p2 =	slt.u32 s8, $0xFFFFF086  }
0x1c: {  	p1 =	slt.u32 s9, $0xF7A;
	s5 =	simm.s32 @!p2 $0x0  }
0x1d: {  	s5 =	simm.s32 @p1 $0x1;
	p0 =	seq.s32 s7, s2  }
0x1e: {  	s7 =	smul.u32 @!p0 $0xF7A, s2;
	p2 =	seq.s32 @!p0 s5, $0x0  }
0x1f: {  	s9 =	smul.u32 $0xF7A, s1;
	s8 =	simm.s32 @!p0 $0x1BF5;
	p2 =	por !p2, p0  }
0x20: {  	[sflag:s8] =	ssyncset.s32 @!p0 $0xFFFFF086;
	s6 =	sadd.s32 @!p0 s3, s7;
	s7 =	simm.s32 @!p0 $0x108  }
0x21: {  	s3 =	sadd.s32 s3, s9;
	s6 =	sadd.s32 @!p0 $0x88, s6;
	s7 =	simm.s32 @p2 $0x1082  }
0x22: {  	[simem:s7], [sflag:s8] =	dma.local @!p0 [hbm:s6], $0xF7A  }
0x23: {  	s9 =	sor.u32 $0xD0000000, s2;
	s6 =	simm.s32 $0x108;
	_ =	swait.ge @!p0 [sflag:s8], $0x0  }
0x24: {  	s3 =	sadd.s32 $0x88, s3;
	s6 =	simm.s32 @!p1 $0x1082;
	[sflag:s4] =	ssyncset.s32 $0xFFFFF086  }
0x25: {  	[simem:s6], [sflag:s4] =	dma.local [hbm:s3], $0xF7A  }
0x26: {  	[smem:$0x3F88] =	sst s1;
	(tag) =	ssettag s2;
	_ =	strace s9  }
0x27: {  	s1 =	sld [smem:$0x3F98]  }
0x28: {  	s2 =	sld [smem:$0x3F99]  }
0x29: {  	s4 =	sld [smem:$0x3F9B]  }
0x2a: {  	p0 =	seq.s32 s5, $0x0;
	s5 =	sld [smem:$0x3F9C]  }
0x2b: {  	s6 =	sld [smem:$0x3F9D]  }
0x2c: {  	s7 =	sld [smem:$0x3F9E]  }
0x2d: {  	s3 =	simm.s32 $0x108;
	s8 =	sld [smem:$0x3F9F]  }
0x2e: {  	s3 =	simm.s32 @!p0 $0x1082;
	s9 =	sld [smem:$0x3FA0]  }
0x2f: {  	lr =	sadd.s32 s0, s3;
	s0 =	sld [smem:$0x3F97]  }
0x30: {  	s3 =	sld [smem:$0x3F9A]  }
0x31: {  	[smem:$0x3FA3] =	sst s10  }
0x32: {  	s10 =	sld [smem:$0x3FA1];
	_ =	sdelay $0x3  }
0x33: {  	p0 =	seq.s32 s10, $0x1;
	s10 =	sld [smem:$0x3FA3];
	_ =	sdelay $0x3  }
0x34: {  	[smem:$0x3FA3] =	sst s10  }
0x35: {  	s10 =	sld [smem:$0x3FA2];
	_ =	sdelay $0x3  }
0x36: {  	p1 =	seq.s32 s10, $0x1;
	s10 =	sld [smem:$0x3FA3];
	_ =	sdelay $0x3  }
0x37: {  	[smem:$0x3FA3] =	sst s10  }
0x38: {  	s10 =	sld [smem:$0x3FA4]  }
0x39: {  	_ = 	snop;
	(pc) =	sbr.ind lr, $3  }
0x3a: {  	_ = 	snop  }
0x3b: {  	_ = 	snop  }
0x3c: {  	p2 =	seq.s32 s10, $0x1;
	s10 =	sld [smem:$0x3FA3]  }
0x3d: {  	_ =	shalt  }
0x3e: {  	_ =	shalt  }
0x3f: {  	_ =	shalt  }
0x40: {  	_ =	shalt  }
0x41: {  	_ =	shalt  }
0x42: {  	_ =	shalt  }
0x43: {  	_ =	shalt  }
0x44: {  	_ =	shalt  }
0x45: {  	_ =	shalt  }
0x46: {  	_ =	shalt  }
0x47: {  	_ =	shalt  }
0x48: {  	_ =	shalt  }
0x49: {  	_ =	shalt  }
0x4a: {  	_ =	shalt  }
0x4b: {  	_ =	shalt  }
0x4c: {  	_ =	shalt  }
0x4d: {  	_ =	shalt  }
0x4e: {  	_ =	shalt  }
0x4f: {  	_ =	shalt  }
0x50: {  	_ =	shalt  }
0x51: {  	_ =	shalt  }
0x52: {  	_ =	shalt  }
0x53: {  	_ =	shalt  }
0x54: {  	_ =	shalt  }
0x55: {  	_ =	shalt  }
0x56: {  	_ =	shalt  }
0x57: {  	_ =	shalt  }
0x58: {  	_ =	shalt  }
0x59: {  	_ =	shalt  }
0x5a: {  	_ =	shalt  }
0x5b: {  	_ =	shalt  }
0x5c: {  	_ =	shalt  }
0x5d: {  	_ =	shalt  }
0x5e: {  	_ =	shalt  }
0x5f: {  	_ =	shalt  }
0x60: {  	_ =	shalt  }
0x61: {  	_ =	shalt  }
0x62: {  	_ =	shalt  }
0x63: {  	_ =	shalt  }
0x64: {  	_ =	shalt  }
0x65: {  	_ =	shalt  }
0x66: {  	_ =	shalt  }
0x67: {  	_ =	shalt  }
0x68: {  	_ =	shalt  }
0x69: {  	_ =	shalt  }
0x6a: {  	_ =	shalt  }
0x6b: {  	_ =	shalt  }
0x6c: {  	_ =	shalt  }
0x6d: {  	_ =	shalt  }
0x6e: {  	_ =	shalt  }
0x6f: {  	_ =	shalt  }
0x70: {  	_ =	shalt  }
0x71: {  	_ =	shalt  }
0x72: {  	_ =	shalt  }
0x73: {  	_ =	shalt  }
0x74: {  	_ =	shalt  }
0x75: {  	_ =	shalt  }
0x76: {  	_ =	shalt  }
0x77: {  	_ =	shalt  }
0x78: {  	_ =	shalt  }
0x79: {  	_ =	shalt  }
0x7a: {  	_ =	shalt  }
0x7b: {  	_ =	shalt  }
0x7c: {  	_ =	shalt  }
0x7d: {  	_ =	shalt  }
0x7e: {  	_ =	shalt  }
0x7f: {  	_ =	shalt  }
0x80: {  	_ =	shalt  }
0x81: {  	_ =	shalt  }
0x82: {  	_ =	shalt  }
0x83: {  	_ =	shalt  }
0x84: {  	_ =	shalt  }
0x85: {  	_ =	shalt  }
0x86: {  	_ =	shalt  }
0x87: {  	_ =	shalt  }
.Lfunc_end0:
.L_simem_size_0:
called_computation.3_lowered:
.L_overlay_start_0:
0x88: {  	s2 =	sld [smem:$0x3FD9]  }
0x89: {  	s3 =	sld [smem:$0x3FFE];
	_ =	sdelay $0x1  }
0x8a: {  	s1 =	srdreg.scid  }
0x8b: {  	s0 =	sand.u32 $0x1, s1  }
0x8c: {  	s16 =	sshll.u32 s0, $0xA;
	s2 =	sadd.s32 s3, s2  }
0x8d: {  	s2 =	sadd.s32 s2, s16  }
0x8e: {  	[smem:$0x3FAF] =	sst s2  }
0x8f: {  	_ = 	snop  }
0x90: {  	(tm) =	ssettm $0x1  }
0x91: {  	s17 =	sld [smem:$0x3FFB];
	_ =	sdelay $0x3  }
0x92: {  	_ =	strace s17  }
0x93: {  	s2 =	sld [smem:$0x3FFC];
	_ =	sdelay $0x3  }
0x94: {  	_ =	strace s2  }
0x95: {  	s2 =	sld [smem:$0x3FFD];
	_ =	sdelay $0x3  }
0x96: {  	_ =	strace s2  }
0x97: {  	_ =	strace $0x8FFFFFFF  }
0x98: {  	s18 =	sld [smem:$0x3FDB];
	_ =	sdelay $0x1  }
0x99: {  	s19 =	simm.s32 $_scs_section_size  }
0x9a: {  	s4 =	simm.s32 $_size__tile_overlayer_lowered;
	s5 =	simm.s32 $_tile_overlayer_lowered  }
0x9b: {  	s22 =	simm.s32 $0x1BFF;
	s21 =	sshll.u32 s5, $0x1;
	s2 =	sadd.s32 s19, s18  }
0x9c: {  	s6 =	simm.s32 $0x0;
	s20 =	sshll.u32 s4, $0x1;
	s4 =	sadd.s32 s21, s2  }
0x9d: {  	[timem:s6], [sflag:s22] =	dma.local [hbm:s4], s20  }
0x9e: {  	_ =	swait.ge [sflag:s22], s20  }
0x9f: {  	s3 =	ssub.s32 $0x0, s20;
	[sflag:s22] =	ssyncset.done $0x0  }
0xa0: {  	[sflag:s22] =	ssyncadd.s32 s3;
	_ =	sdelay $0x1  }
0xa1: {  	s23 =	simm.s32 $0x1B8B  }
0xa2: {  	_ =	swait.ge [sflag:s23], $0x1  }
0xa3: {  	[sflag:s23] =	ssyncset.done $0x0  }
0xa4: {  	s25 =	simm.s32 $0x1B8E;
	s24 =	sld [smem:$0x3FFE];
	[sflag:s23] =	ssyncadd.s32 $0xFFFFFFFF  }
0xa5: {  	s26 =	simm.s32 $execute0_lowered;
	[smem:$0x3FD2] =	sst s25  }
0xa6: {  	s4 =	sshll.u32 s26, $0x1;
	_ =	strace $0x8000004F;
	[dreg:$0x1] =	wrdreg $0xFFFFFFFF  }
0xa7: {  	s28 =	simm.s32 $_size_execute0_lowered;
	s2 =	sadd.s32 s2, s4;
	[dreg:$0x0] =	wrdreg $0x0  }
0xa8: {  	s4 =	sshll.u32 s28, $0x1;
	[dreg:$0x2] =	wrdreg s2  }
0xa9: {  	[dreg:$0x3] =	wrdreg s4  }
0xaa: {  	[dreg:$0x4] =	wrdreg $0xC0  }
0xab: {  	_ =	task [dreg:s6], $0x5FFFF  }
0xac: {  	[dreg:$0x1] =	wrdreg $0xFFFFFFFF  }
0xad: {  	[dreg:$0x0] =	wrdreg $0x60  }
0xae: {  	[dreg:$0x2] =	wrdreg s24  }
0xaf: {  	[dreg:$0x3] =	wrdreg $0x9  }
0xb0: {  	_ =	task.clear_ibuf [dreg:s6], $0x4FFFF;
	_ =	strace $0x9000004F  }
0xb1: {  	s29 =	simm.s32 $0x9;
	_ =	strace $0x80000051  }
0xb2: {  	_ =	swait.ge [sflag:s29], $0x1  }
0xb3: {  	[sflag:s29] =	ssyncadd.s32 $0xFFFFFFFF  }
0xb4: {  	_ =	strace $0x90000051  }
0xb5: {  	_ =	sfence  }
0xb6: {  	s30 =	sld [smem:$0x0];
	_ =	sdelay $0x2  }
0xb7: {  	s31 =	sshll.u32 s1, $0xD;
	s1 =	sshrl.u32 s1, $0x2  }
0xb8: {  	s3 =	sand.u32 $0x4000, s31;
	s1 =	sadd.s32 s1, s30  }
0xb9: {  	s0 =	sor.u32 s3, s0;
	s1 =	sshll.u32 s1, $0x11  }
0xba: {  	s0 =	sor.u32 s1, s0  }
0xbb: {  	s0 =	sadd.s32 $0x8F2B, s0  }
0xbc: {  	[sflag:s0] =	ssyncadd.remote.s32 $0x1  }
0xbd: {  	_ =	sfence.sel $0xFFFF  }
0xbe: {  	[dreg:$0x0] =	wrdreg $0xFFFFFFFF;
	(pc) =	sbr.abs _section_cstart, $3  }
0xbf: {  	[dreg:$0x1] =	wrdreg $0xFFFFFFFF  }
0xc0: {  	_ =	task.clear_ibuf [dreg:s6], $0x2FFFF;
	_ =	strace $0x9FFFFFFF  }
0xc1: {  	(tm) =	ssettm $0x7FFFFFFF  }
tec
execute0_lowered:
.L_overlay_start_1:
0x0: {  	(tag) =	ssettag $0x1  }
0x1: {  	s1 =	srdreg.scid;
	s0 =	stileid.u32  }
0x2: {  	s6 =	sand.u32 $0x1, s1;
	s30 =	sshll.u32 s0, $0x1  }
0x3: {  	s9 =	rddreg [dreg:$0x0];
	s7 =	sor.u32 s6, s30  }
0x4: {  	s2 =	simm.s32 $0x0;
	s1 =	rddreg [dreg:$0x1];
	s3 =	smul.u32 $0xC, s7  }
0x5: {  	s8 =	simm.s32 $0x1;
	[smem:$0x7FF] =	sst s2;
	s5 =	sadd.s32 $0x5400, s9  }
0x6: {  	_ =	strace $0x80000050;
	s11 =	ssub.s32 $0x2, s6;
	s3 =	sadd.s32 s3, s9  }
0x7: {  	s6 =	simm.s32 $0x60;
	s4 =	sadd.s32 $0x9EF600, s3;
	s3 =	simm.s32 $0x2  }
0x8: {  	[tilespmem:s2], [sflag:$0x2] =	stream.linear.gather [hbm4b:s4+s2], $0x60, $0x38;
	[tilespmem:$0x3080] =	vst v63  }
0x9: {  	s10 =	smul.u32 $0x600, s7;
	s12 =	sshrl.u32 s11, $0x1;
	_ =	swait.ge [sflag:s3], $0x60  }
0xa: {  	s7 =	simm.s32 $0x80;
	s31 =	ssub.s32 s11, s12;
	[sflag:s3] =	ssyncset.done $0x0  }
0xb: {  	s9 =	sadd.s32 s10, s9;
	s10 =	smax.u32 s31, $0x1;
	[sflag:s3] =	ssyncadd.s32 $0xFFFFFFA0  }
0xc: {  	[tilespmem:s7], [sflag:$0x1] =	stream.indirect.gather [hbm4b:s5+s6], $0x80, s2, s6, $0xb8;
	[tilespmem:$0x3080] =	vst v63  }
0xd: {  	p0 =	sne.s32 s10, $0x1;
	_ =	swait.ge [sflag:s8], $0x3000  }
.Ltmp0:
0xe: {  	[sflag:s8] =	ssyncset.done $0x0;
	(pc) =	sbr.rel @!p0 .LBB2_2-.Ltmp0, $4  }
0xf: {  	s9 =	sadd.s32 $0x55400, s9;
	[sflag:s8] =	ssyncadd.s32 $0xFFFFD000  }
0x10: {  	[hbm4b:s9+s2] =	stream.linear.scatter [tilespmem:s7], [sflag:$0x2], $0x3000, $0x38;
	[tilespmem:$0x3080] =	vst v63  }
0x11: {  	_ =	swait.ge [sflag:s3], $0x3000  }
0x12: {  	s10 =	sadd.s32 $0xFFFFFFFF, s10;
	[sflag:s3] =	ssyncset.done $0x0  }
.LBB2_1:
0x13: {  	p0 =	sne.s32 s10, $0x1;
	s10 =	sadd.s32 $0xFFFFFFFF, s10;
	[sflag:s3] =	ssyncadd.s32 $0xFFFFD000  }
0x14: {  	[tilespmem:s2], [sflag:$0x2] =	stream.linear.gather [hbm4b:s4+s2], $0x60, $0x38;
	[tilespmem:$0x3080] =	vst v63  }
0x15: {  	_ =	swait.ge [sflag:s3], $0x60  }
0x16: {  	[sflag:s3] =	ssyncset.done $0x0  }
0x17: {  	[sflag:s3] =	ssyncadd.s32 $0xFFFFFFA0  }
0x18: {  	[tilespmem:s7], [sflag:$0x1] =	stream.indirect.gather [hbm4b:s5+s6], $0x80, s2, s6, $0xb8;
	[tilespmem:$0x3080] =	vst v63  }
0x19: {  	_ =	swait.ge [sflag:s8], $0x3000  }
.Ltmp1:
0x1a: {  	[sflag:s8] =	ssyncset.done $0x0;
	(pc) =	sbr.rel @p0 .LBB2_1-.Ltmp1, $4  }
0x1b: {  	[sflag:s8] =	ssyncadd.s32 $0xFFFFD000  }
0x1c: {  	[hbm4b:s9+s2] =	stream.linear.scatter [tilespmem:s7], [sflag:$0x2], $0x3000, $0x38;
	[tilespmem:$0x3080] =	vst v63  }
0x1d: {  	_ =	swait.ge [sflag:s3], $0x3000  }
0x1e: {  	[sflag:s3] =	ssyncset.done $0x0  }
.LBB2_2:
0x1f: {  	[sflag:s3] =	ssyncadd.s32 $0xFFFFD000  }
0x20: {  	_ =	sfence.sel $0x180000  }
0x21: {  	[bflag:$0x0] =	sbarrier.arrive $0xFFFF  }
0x22: {  	p0 =	sne.s32 s0, $0x0;
	_ =	strace $0x90000050  }
0x23: {  	s0 =	sadd.s32 @!p0 $0x100000, s1;
	[bflag:$0x2] =	sbarrier.arrive $0xFFFF  }
0x24: {  	[sflag:s0] =	ssyncadd.tile.s32 @!p0 $0x1;
	_ =	shalt  }
.Lfunc_end2:
_tile_overlayer_lowered:
.L_overlay_start_2:
0x25: {  	(tag) =	ssettag $0x2  }
0x26: {  	s0 =	rddreg [dreg:$0x0];
	s2 =	stileid.u32  }
0x27: {  	s1 =	rddreg [dreg:$0x1];
	p0 =	sne.s32 s2, $0x0  }
0x28: {  	s3 =	rddreg [dreg:$0x2];
	[bflag:$0x3] =	sbarrier.arrive $0xFFFF;
	s2 =	simm.s32 @!p0 $0x1C02  }
0x29: {  	[timem:s3], [sflag:s2] =	dma.local @!p0 [hbm:s0], s1  }
0x2a: {  	s0 =	simm.s32 @!p0 $0x2  }
0x2b: {  	_ =	swait.ge @!p0 [sflag:s0], s1  }
0x2c: {  	s1 =	ssub.s32 @!p0 $0x0, s1;
	[sflag:s0] =	ssyncset.done @!p0 $0x0  }
0x2d: {  	[sflag:s0] =	ssyncadd.s32 @!p0 s1  }
0x2e: {  	[bflag:$0x3] =	sbarrier.arrive $0xFFFF  }
0x2f: {  	_ =	shalt  }

// kernel: kernel.9.cloned.1.call-start
scs
__scs_entry_jumppad:
0x0: {  	(pc) =	sbr.rel $0x88, $3  }
0x1: {  	(tag) =	ssettag $0x0;
	lr =	simm.s32 $0x1  }
0x2: {  	[smem:$0x3F88] =	sst lr;
	_ =	strace $0xD0000000  }
0x3: {  	_ = 	snop  }
0x4: {  	_ = 	snop  }
0x5: {  	_ = 	snop  }
0x6: {  	_ = 	snop  }
0x7: {  	_ = 	snop  }
__scs_overlays_trampoline_lowered:
0x8: {  	[smem:$0x3F97] =	sst s0  }
0x9: {  	[smem:$0x3F98] =	sst s1  }
0xa: {  	[smem:$0x3F99] =	sst s2  }
0xb: {  	[smem:$0x3F9A] =	sst s3  }
0xc: {  	[smem:$0x3F9B] =	sst s4  }
0xd: {  	[smem:$0x3F9C] =	sst s5  }
0xe: {  	[smem:$0x3F9D] =	sst s6  }
0xf: {  	[smem:$0x3F9E] =	sst s7  }
0x10: {  	[smem:$0x3F9F] =	sst s8  }
0x11: {  	[smem:$0x3FA0] =	sst s9;
	s0 =	simm.s32 @!p0 $0x0  }
0x12: {  	s1 =	sld [smem:$0x3F86];
	s0 =	simm.s32 @p0 $0x1  }
0x13: {  	[smem:$0x3FA1] =	sst s0;
	s0 =	simm.s32 @!p1 $0x0  }
0x14: {  	s2 =	sld [smem:$0x3F85];
	s0 =	simm.s32 @p1 $0x1  }
0x15: {  	[smem:$0x3FA2] =	sst s0;
	s0 =	simm.s32 @!p2 $0x0  }
0x16: {  	s3 =	sld [smem:$0x3FDB];
	s0 =	simm.s32 @p2 $0x1  }
0x17: {  	s4 =	simm.s32 $0x1BF5;
	[smem:$0x3FA4] =	sst s0  }
0x18: {  	s0 =	sld [smem:$0x3F87];
	_ =	swait.ge [sflag:s4], $0x0  }
0x19: {  	s7 =	sld [smem:$0x3F88]  }
0x1a: {  	s8 =	sadd.s32 $0xFFFFE003, lr  }
0x1b: {  	s9 =	sadd.s32 $0xFFFFFEF7, lr;
	s5 =	simm.s32 $0xFFFFFFFF;
	p2 =	slt.u32 s8, $0xFFFFF086  }
0x1c: {  	p1 =	slt.u32 s9, $0xF7A;
	s5 =	simm.s32 @!p2 $0x0  }
0x1d: {  	s5 =	simm.s32 @p1 $0x1;
	p0 =	seq.s32 s7, s2  }
0x1e: {  	s7 =	smul.u32 @!p0 $0xF7A, s2;
	p2 =	seq.s32 @!p0 s5, $0x0  }
0x1f: {  	s9 =	smul.u32 $0xF7A, s1;
	s8 =	simm.s32 @!p0 $0x1BF5;
	p2 =	por !p2, p0  }
0x20: {  	[sflag:s8] =	ssyncset.s32 @!p0 $0xFFFFF086;
	s6 =	sadd.s32 @!p0 s3, s7;
	s7 =	simm.s32 @!p0 $0x108  }
0x21: {  	s3 =	sadd.s32 s3, s9;
	s6 =	sadd.s32 @!p0 $0x88, s6;
	s7 =	simm.s32 @p2 $0x1082  }
0x22: {  	[simem:s7], [sflag:s8] =	dma.local @!p0 [hbm:s6], $0xF7A  }
0x23: {  	s9 =	sor.u32 $0xD0000000, s2;
	s6 =	simm.s32 $0x108;
	_ =	swait.ge @!p0 [sflag:s8], $0x0  }
0x24: {  	s3 =	sadd.s32 $0x88, s3;
	s6 =	simm.s32 @!p1 $0x1082;
	[sflag:s4] =	ssyncset.s32 $0xFFFFF086  }
0x25: {  	[simem:s6], [sflag:s4] =	dma.local [hbm:s3], $0xF7A  }
0x26: {  	[smem:$0x3F88] =	sst s1;
	(tag) =	ssettag s2;
	_ =	strace s9  }
0x27: {  	s1 =	sld [smem:$0x3F98]  }
0x28: {  	s2 =	sld [smem:$0x3F99]  }
0x29: {  	s4 =	sld [smem:$0x3F9B]  }
0x2a: {  	p0 =	seq.s32 s5, $0x0;
	s5 =	sld [smem:$0x3F9C]  }
0x2b: {  	s6 =	sld [smem:$0x3F9D]  }
0x2c: {  	s7 =	sld [smem:$0x3F9E]  }
0x2d: {  	s3 =	simm.s32 $0x108;
	s8 =	sld [smem:$0x3F9F]  }
0x2e: {  	s3 =	simm.s32 @!p0 $0x1082;
	s9 =	sld [smem:$0x3FA0]  }
0x2f: {  	lr =	sadd.s32 s0, s3;
	s0 =	sld [smem:$0x3F97]  }
0x30: {  	s3 =	sld [smem:$0x3F9A]  }
0x31: {  	[smem:$0x3FA3] =	sst s10  }
0x32: {  	s10 =	sld [smem:$0x3FA1];
	_ =	sdelay $0x3  }
0x33: {  	p0 =	seq.s32 s10, $0x1;
	s10 =	sld [smem:$0x3FA3];
	_ =	sdelay $0x3  }
0x34: {  	[smem:$0x3FA3] =	sst s10  }
0x35: {  	s10 =	sld [smem:$0x3FA2];
	_ =	sdelay $0x3  }
0x36: {  	p1 =	seq.s32 s10, $0x1;
	s10 =	sld [smem:$0x3FA3];
	_ =	sdelay $0x3  }
0x37: {  	[smem:$0x3FA3] =	sst s10  }
0x38: {  	s10 =	sld [smem:$0x3FA4]  }
0x39: {  	_ = 	snop;
	(pc) =	sbr.ind lr, $3  }
0x3a: {  	_ = 	snop  }
0x3b: {  	_ = 	snop  }
0x3c: {  	p2 =	seq.s32 s10, $0x1;
	s10 =	sld [smem:$0x3FA3]  }
0x3d: {  	_ =	shalt  }
0x3e: {  	_ =	shalt  }
0x3f: {  	_ =	shalt  }
0x40: {  	_ =	shalt  }
0x41: {  	_ =	shalt  }
0x42: {  	_ =	shalt  }
0x43: {  	_ =	shalt  }
0x44: {  	_ =	shalt  }
0x45: {  	_ =	shalt  }
0x46: {  	_ =	shalt  }
0x47: {  	_ =	shalt  }
0x48: {  	_ =	shalt  }
0x49: {  	_ =	shalt  }
0x4a: {  	_ =	shalt  }
0x4b: {  	_ =	shalt  }
0x4c: {  	_ =	shalt  }
0x4d: {  	_ =	shalt  }
0x4e: {  	_ =	shalt  }
0x4f: {  	_ =	shalt  }
0x50: {  	_ =	shalt  }
0x51: {  	_ =	shalt  }
0x52: {  	_ =	shalt  }
0x53: {  	_ =	shalt  }
0x54: {  	_ =	shalt  }
0x55: {  	_ =	shalt  }
0x56: {  	_ =	shalt  }
0x57: {  	_ =	shalt  }
0x58: {  	_ =	shalt  }
0x59: {  	_ =	shalt  }
0x5a: {  	_ =	shalt  }
0x5b: {  	_ =	shalt  }
0x5c: {  	_ =	shalt  }
0x5d: {  	_ =	shalt  }
0x5e: {  	_ =	shalt  }
0x5f: {  	_ =	shalt  }
0x60: {  	_ =	shalt  }
0x61: {  	_ =	shalt  }
0x62: {  	_ =	shalt  }
0x63: {  	_ =	shalt  }
0x64: {  	_ =	shalt  }
0x65: {  	_ =	shalt  }
0x66: {  	_ =	shalt  }
0x67: {  	_ =	shalt  }
0x68: {  	_ =	shalt  }
0x69: {  	_ =	shalt  }
0x6a: {  	_ =	shalt  }
0x6b: {  	_ =	shalt  }
0x6c: {  	_ =	shalt  }
0x6d: {  	_ =	shalt  }
0x6e: {  	_ =	shalt  }
0x6f: {  	_ =	shalt  }
0x70: {  	_ =	shalt  }
0x71: {  	_ =	shalt  }
0x72: {  	_ =	shalt  }
0x73: {  	_ =	shalt  }
0x74: {  	_ =	shalt  }
0x75: {  	_ =	shalt  }
0x76: {  	_ =	shalt  }
0x77: {  	_ =	shalt  }
0x78: {  	_ =	shalt  }
0x79: {  	_ =	shalt  }
0x7a: {  	_ =	shalt  }
0x7b: {  	_ =	shalt  }
0x7c: {  	_ =	shalt  }
0x7d: {  	_ =	shalt  }
0x7e: {  	_ =	shalt  }
0x7f: {  	_ =	shalt  }
0x80: {  	_ =	shalt  }
0x81: {  	_ =	shalt  }
0x82: {  	_ =	shalt  }
0x83: {  	_ =	shalt  }
0x84: {  	_ =	shalt  }
0x85: {  	_ =	shalt  }
0x86: {  	_ =	shalt  }
0x87: {  	_ =	shalt  }
.Lfunc_end0:
.L_simem_size_0:
called_computation.1_lowered:
.L_overlay_start_0:
0x88: {  	s2 =	sld [smem:$0x3FD9]  }
0x89: {  	s3 =	sld [smem:$0x3FFE];
	_ =	sdelay $0x1  }
0x8a: {  	s1 =	srdreg.scid  }
0x8b: {  	s0 =	sand.u32 $0x1, s1  }
0x8c: {  	s16 =	sshll.u32 s0, $0xA;
	s2 =	sadd.s32 s3, s2  }
0x8d: {  	s2 =	sadd.s32 s2, s16  }
0x8e: {  	[smem:$0x3FAF] =	sst s2  }
0x8f: {  	_ = 	snop  }
0x90: {  	(tm) =	ssettm $0x1  }
0x91: {  	s17 =	sld [smem:$0x3FFB];
	_ =	sdelay $0x3  }
0x92: {  	_ =	strace s17  }
0x93: {  	s2 =	sld [smem:$0x3FFC];
	_ =	sdelay $0x3  }
0x94: {  	_ =	strace s2  }
0x95: {  	s2 =	sld [smem:$0x3FFD];
	_ =	sdelay $0x3  }
0x96: {  	_ =	strace s2  }
0x97: {  	_ =	strace $0x8FFFFFFF  }
0x98: {  	s18 =	sld [smem:$0x3FDB];
	_ =	sdelay $0x1  }
0x99: {  	s19 =	simm.s32 $_scs_section_size  }
0x9a: {  	s4 =	simm.s32 $_size__tile_overlayer_lowered;
	s5 =	simm.s32 $_tile_overlayer_lowered  }
0x9b: {  	s22 =	simm.s32 $0x1BFF;
	s21 =	sshll.u32 s5, $0x1;
	s2 =	sadd.s32 s19, s18  }
0x9c: {  	s6 =	simm.s32 $0x0;
	s20 =	sshll.u32 s4, $0x1;
	s4 =	sadd.s32 s21, s2  }
0x9d: {  	[timem:s6], [sflag:s22] =	dma.local [hbm:s4], s20  }
0x9e: {  	_ =	swait.ge [sflag:s22], s20  }
0x9f: {  	s3 =	ssub.s32 $0x0, s20;
	[sflag:s22] =	ssyncset.done $0x0  }
0xa0: {  	[sflag:s22] =	ssyncadd.s32 s3;
	_ =	sdelay $0x1  }
0xa1: {  	s23 =	simm.s32 $0x1B8B  }
0xa2: {  	_ =	swait.ge [sflag:s23], $0x1  }
0xa3: {  	[sflag:s23] =	ssyncset.done $0x0  }
0xa4: {  	s25 =	simm.s32 $0x1B8E;
	s24 =	sld [smem:$0x3FFE];
	[sflag:s23] =	ssyncadd.s32 $0xFFFFFFFF  }
0xa5: {  	s26 =	simm.s32 $execute0_lowered;
	[smem:$0x3FD2] =	sst s25  }
0xa6: {  	s4 =	sshll.u32 s26, $0x1;
	_ =	strace $0x80000049;
	[dreg:$0x1] =	wrdreg $0xFFFFFFFF  }
0xa7: {  	s28 =	simm.s32 $_size_execute0_lowered;
	s2 =	sadd.s32 s2, s4;
	[dreg:$0x0] =	wrdreg $0x0  }
0xa8: {  	s4 =	sshll.u32 s28, $0x1;
	[dreg:$0x2] =	wrdreg s2  }
0xa9: {  	[dreg:$0x3] =	wrdreg s4  }
0xaa: {  	[dreg:$0x4] =	wrdreg $0xC0  }
0xab: {  	_ =	task [dreg:s6], $0x5FFFF  }
0xac: {  	[dreg:$0x1] =	wrdreg $0xFFFFFFFF  }
0xad: {  	[dreg:$0x0] =	wrdreg $0x60  }
0xae: {  	[dreg:$0x2] =	wrdreg s24  }
0xaf: {  	[dreg:$0x3] =	wrdreg $0x9  }
0xb0: {  	_ =	task.clear_ibuf [dreg:s6], $0x4FFFF;
	_ =	strace $0x90000049  }
0xb1: {  	s29 =	simm.s32 $0x9;
	_ =	strace $0x8000004B  }
0xb2: {  	_ =	swait.ge [sflag:s29], $0x1  }
0xb3: {  	[sflag:s29] =	ssyncadd.s32 $0xFFFFFFFF  }
0xb4: {  	_ =	strace $0x9000004B  }
0xb5: {  	_ =	sfence  }
0xb6: {  	s30 =	sld [smem:$0x0];
	_ =	sdelay $0x2  }
0xb7: {  	s31 =	sshll.u32 s1, $0xD;
	s1 =	sshrl.u32 s1, $0x2  }
0xb8: {  	s3 =	sand.u32 $0x4000, s31;
	s1 =	sadd.s32 s1, s30  }
0xb9: {  	s0 =	sor.u32 s3, s0;
	s1 =	sshll.u32 s1, $0x11  }
0xba: {  	s0 =	sor.u32 s1, s0  }
0xbb: {  	s0 =	sadd.s32 $0x8F2B, s0  }
0xbc: {  	[sflag:s0] =	ssyncadd.remote.s32 $0x1  }
0xbd: {  	_ =	sfence.sel $0xFFFF  }
0xbe: {  	[dreg:$0x0] =	wrdreg $0xFFFFFFFF;
	(pc) =	sbr.abs _section_cstart, $3  }
0xbf: {  	[dreg:$0x1] =	wrdreg $0xFFFFFFFF  }
0xc0: {  	_ =	task.clear_ibuf [dreg:s6], $0x2FFFF;
	_ =	strace $0x9FFFFFFF  }
0xc1: {  	(tm) =	ssettm $0x7FFFFFFF  }
tec
execute0_lowered:
.L_overlay_start_1:
0x0: {  	(tag) =	ssettag $0x1  }
0x1: {  	s0 =	rddreg [dreg:$0x0];
	s2 =	simm.s32 $0x0  }
0x2: {  	s1 =	stileid.u32;
	[smem:$0x7FF] =	sst s2;
	s20 =	sadd.s32 $0x9AD600, s0  }
0x3: {  	s7 =	sadd.s32 $0x5400, s0;
	_ =	strace $0x8000004A;
	[dreg:$0x2] =	wrdreg s20  }
0x4: {  	s3 =	srdreg.scid;
	s23 =	simm.s32 $0x4980;
	[dreg:$0x3] =	wrdreg s7  }
0x5: {  	s24 =	simm.s32 $0x4D80;
	s25 =	simm.s32 $0x5580;
	[dreg:$0x6] =	wrdreg s23  }
0x6: {  	s30 =	simm.s32 $0x5980;
	s10 =	simm.s32 $0x6180;
	[dreg:$0x7] =	wrdreg s24  }
0x7: {  	s12 =	simm.s32 $0x6580;
	s14 =	simm.s32 $0x6D80;
	[dreg:$0x8] =	wrdreg s25  }
0x8: {  	s15 =	simm.s32 $0x7180;
	s16 =	simm.s32 $0x7980;
	[dreg:$0x9] =	wrdreg s30  }
0x9: {  	s18 =	simm.s32 $0x7D80;
	s4 =	smul.u32 $0x31000, s1;
	[dreg:$0xa] =	wrdreg s10  }
0xa: {  	s28 =	simm.s32 $0x1;
	s8 =	smul.u32 $0x3100, s1;
	[dreg:$0xb] =	wrdreg s12  }
0xb: {  	s5 =	sand.u32 $0x1, s3;
	s9 =	smul.u32 $0x1260, s1;
	[dreg:$0xc] =	wrdreg s14  }
0xc: {  	s29 =	simm.s32 $0x0;
	s6 =	smul.u32 $0x18800, s5;
	[dreg:$0xd] =	wrdreg s15  }
0xd: {  	s3 =	sadd.s32 $0xA9D600, s0;
	s21 =	smul.u32 $0x1880, s5;
	[dreg:$0xe] =	wrdreg s16  }
0xe: {  	s11 =	ssub.s32 $0x2, s5;
	s17 =	smul.u32 $0x930, s5;
	[dreg:$0xf] =	wrdreg s18  }
0xf: {  	s20 =	simm.s32 $0x8580;
	s23 =	simm.s32 $0x9180;
	s24 =	simm.s32 $0x9580  }
0x10: {  	s25 =	simm.s32 $0x9D80;
	s10 =	simm.s32 $0x180;
	s30 =	simm.s32 $0xA980  }
0x11: {  	s12 =	simm.s32 $0xB580;
	s14 =	simm.s32 $0xC180;
	[dreg:$0x10] =	wrdreg s20  }
0x12: {  	s15 =	simm.s32 $0xC580;
	s16 =	simm.s32 $0xCD80;
	[dreg:$0x12] =	wrdreg s23  }
0x13: {  	s18 =	simm.s32 $0xD980;
	s4 =	sadd.s32 s4, s0;
	[dreg:$0x13] =	wrdreg s24  }
0x14: {  	s26 =	sadd.s32 s9, s0;
	s13 =	sshrl.u32 s11, $0x1;
	[dreg:$0x14] =	wrdreg s25  }
0x15: {  	s9 =	simm.s32 $0x80;
	[dreg:$0x16] =	wrdreg s30;
	s20 =	simm.s32 $0xE580  }
0x16: {  	s23 =	simm.s32 $0xF580;
	s24 =	simm.s32 $0xFD80;
	s25 =	simm.s32 $0x100  }
0x17: {  	s4 =	sadd.s32 s6, s4;
	s6 =	sadd.s32 s21, s8;
	s21 =	sadd.s32 s17, s26  }
0x18: {  	s8 =	simm.s32 $0x2;
	s26 =	simm.s32 $0xA180;
	s17 =	simm.s32 $0xD180  }
0x19: {  	s22 =	sadd.s32 $0x1EDA00, s4;
	s4 =	sadd.s32 $0x4FDA00, s4;
	[dreg:$0x15] =	wrdreg s26  }
0x1a: {  	s6 =	sshrl.u32 s6, $0x3;
	s26 =	simm.s32 $0x10180;
	[dreg:$0x4] =	wrdreg s22  }
0x1b: {  	[dreg:$0x5] =	wrdreg s4;
	s6 =	smul.u32 $0x180, s6;
	s22 =	simm.s32 $0x8980  }
0x1c: {  	s4 =	sadd.s32 $0xA9D700, s0;
	[dreg:$0x11] =	wrdreg s22;
	s22 =	simm.s32 $0xF180  }
0x1d: {  	s31 =	sadd.s32 s6, s0;
	s6 =	ssub.s32 s11, s13;
	s11 =	simm.s32 $0x4180  }
0x1e: {  	v2 =	vlaneseq.u32;
	s13 =	simm.s32 $0xB980;
	s19 =	smax.u32 s6, $0x1;
	s6 =	sadd.s32 $0x99B000, s21  }
0x1f: {  	vm0 =	vmmov $0xffff;
	vm1 =	vmmov $0xff;
	v1 =	vshrl.u32 v2, $0x3;
	s7 =	sadd.s32 $0xB8D600, s31;
	s31 =	simm.s32 $0xAD80;
	[dreg:$0x18] =	wrdreg s19  }
0x20: {  	v0 =	vand.u32 $0x7, v2;
	v2 =	vor.u32 $0x8, v2;
	v1 =	vmul.u32 $0x8, v1;
	s21 =	simm.s32 $0xE980;
	[dreg:$0x17] =	wrdreg s31;
	s19 =	simm.s32 $0xDD80  }
.LBB2_1:
0x21: {  	s30 =	smov.u32 s7;
	s31 =	smov.u32 s6;
	s0 =	simm.s32 $0x0  }
.LBB2_2:
0x22: {  	[tilespmem:s2], [sflag:$0x2] =	stream.linear.gather [hbm4b:s31+s2], $0x180, $0x38;
	[tilespmem:$0x14180] =	vst v63  }
0x23: {  	_ =	swait.ge [sflag:s8], $0x180  }
0x24: {  	[sflag:s8] =	ssyncset.done $0x0  }
0x25: {  	s1 =	rddreg [dreg:$0x2];
	[sflag:s8] =	ssyncadd.s32 $0xFFFFFE80  }
0x26: {  	[tilespmem:s10], [sflag:$0x1] =	stream.indirect.gather [hbm4b:s1+s9], $0x80, s9, s9, $0xb8;
	[tilespmem:$0x14180] =	vst v63  }
0x27: {  	v3 =	vld [tilespmem:$0x0];
	_ =	sdelay $0x4  }
0x28: {  	v4 =	vshrl.u32 v3, $0x3  }
0x29: {  	v4 =	vmul.u32 $0x18, v4  }
0x2a: {  	v3 =	vand.u32 $0x7, v3  }
0x2b: {  	v3 =	vor.u32 v3, v4  }
0x2c: {  	v4 =	vperm.xlane v3, v0;
	_ =	sdelay $0x1  }
0x2d: {  	v4 =	vadd.s32 v1, v4;
	_ =	sdelay $0x1  }
0x2e: {  	v3 =	vperm.xlane v3, v2;
	_ =	sdelay $0x1  }
0x2f: {  	v3 =	vadd.s32 v1, v3  }
0x30: {  	[tilespmem:s11], [sflag:$0x1] =	stream.indirect_vreg.gather [hbm4b:s3+s2], $0x80, v4, vm0, $0xb8;
	[tilespmem:$0x14180] =	vst v63  }
0x31: {  	s1 =	rddreg [dreg:$0x6]  }
0x32: {  	[tilespmem:s1], [sflag:$0x1] =	stream.indirect_vreg.gather [hbm4b:s4+s2], $0x80, v4, vm1, $0xb8;
	[tilespmem:$0x14180] =	vst v63  }
0x33: {  	s5 =	rddreg [dreg:$0x7]  }
0x34: {  	[tilespmem:s5], [sflag:$0x1] =	stream.indirect_vreg.gather [hbm4b:s3+s2], $0x80, v3, vm0, $0xb8;
	[tilespmem:$0x14180] =	vst v63  }
0x35: {  	s1 =	rddreg [dreg:$0x8]  }
0x36: {  	[tilespmem:s1], [sflag:$0x1] =	stream.indirect_vreg.gather [hbm4b:s4+s2], $0x80, v3, vm1, $0xb8;
	[tilespmem:$0x14180] =	vst v63  }
0x37: {  	v3 =	vld [tilespmem:$0x10];
	_ =	sdelay $0x4  }
0x38: {  	v57 =	vshrl.u32 v3, $0x3  }
0x39: {  	v4 =	vmul.u32 $0x18, v57  }
0x3a: {  	v3 =	vand.u32 $0x7, v3  }
0x3b: {  	v3 =	vor.u32 v3, v4  }
0x3c: {  	v4 =	vperm.xlane v3, v0;
	_ =	sdelay $0x1  }
0x3d: {  	v4 =	vadd.s32 v1, v4;
	_ =	sdelay $0x1  }
0x3e: {  	v3 =	vperm.xlane v3, v2;
	_ =	sdelay $0x1  }
0x3f: {  	s1 =	rddreg [dreg:$0x9];
	v3 =	vadd.s32 v1, v3  }
0x40: {  	[tilespmem:s1], [sflag:$0x1] =	stream.indirect_vreg.gather [hbm4b:s3+s2], $0x80, v4, vm0, $0xb8;
	[tilespmem:$0x14180] =	vst v63  }
0x41: {  	s5 =	rddreg [dreg:$0xa]  }
0x42: {  	[tilespmem:s5], [sflag:$0x1] =	stream.indirect_vreg.gather [hbm4b:s4+s2], $0x80, v4, vm1, $0xb8;
	[tilespmem:$0x14180] =	vst v63  }
0x43: {  	s1 =	rddreg [dreg:$0xb]  }
0x44: {  	[tilespmem:s1], [sflag:$0x1] =	stream.indirect_vreg.gather [hbm4b:s3+s2], $0x80, v3, vm0, $0xb8;
	[tilespmem:$0x14180] =	vst v63  }
0x45: {  	s5 =	rddreg [dreg:$0xc]  }
0x46: {  	[tilespmem:s5], [sflag:$0x1] =	stream.indirect_vreg.gather [hbm4b:s4+s2], $0x80, v3, vm1, $0xb8;
	[tilespmem:$0x14180] =	vst v63  }
0x47: {  	v3 =	vld [tilespmem:$0x20];
	_ =	sdelay $0x4  }
0x48: {  	v58 =	vshrl.u32 v3, $0x3  }
0x49: {  	v4 =	vmul.u32 $0x18, v58  }
0x4a: {  	v3 =	vand.u32 $0x7, v3  }
0x4b: {  	v3 =	vor.u32 v3, v4  }
0x4c: {  	v4 =	vperm.xlane v3, v0;
	_ =	sdelay $0x1  }
0x4d: {  	v4 =	vadd.s32 v1, v4;
	_ =	sdelay $0x1  }
0x4e: {  	v3 =	vperm.xlane v3, v2;
	_ =	sdelay $0x1  }
0x4f: {  	s1 =	rddreg [dreg:$0xd];
	v3 =	vadd.s32 v1, v3  }
0x50: {  	[tilespmem:s1], [sflag:$0x1] =	stream.indirect_vreg.gather [hbm4b:s3+s2], $0x80, v4, vm0, $0xb8;
	[tilespmem:$0x14180] =	vst v63  }
0x51: {  	s5 =	rddreg [dreg:$0xe]  }
0x52: {  	[tilespmem:s5], [sflag:$0x1] =	stream.indirect_vreg.gather [hbm4b:s4+s2], $0x80, v4, vm1, $0xb8;
	[tilespmem:$0x14180] =	vst v63  }
0x53: {  	s1 =	rddreg [dreg:$0xf]  }
0x54: {  	[tilespmem:s1], [sflag:$0x1] =	stream.indirect_vreg.gather [hbm4b:s3+s2], $0x80, v3, vm0, $0xb8;
	[tilespmem:$0x14180] =	vst v63  }
0x55: {  	s5 =	rddreg [dreg:$0x10]  }
0x56: {  	[tilespmem:s5], [sflag:$0x1] =	stream.indirect_vreg.gather [hbm4b:s4+s2], $0x80, v3, vm1, $0xb8;
	[tilespmem:$0x14180] =	vst v63  }
0x57: {  	v3 =	vld [tilespmem:$0x30];
	_ =	sdelay $0x4  }
0x58: {  	v59 =	vshrl.u32 v3, $0x3  }
0x59: {  	v4 =	vmul.u32 $0x18, v59  }
0x5a: {  	v3 =	vand.u32 $0x7, v3  }
0x5b: {  	v3 =	vor.u32 v3, v4  }
0x5c: {  	v4 =	vperm.xlane v3, v0;
	_ =	sdelay $0x1  }
0x5d: {  	v4 =	vadd.s32 v1, v4;
	_ =	sdelay $0x1  }
0x5e: {  	v3 =	vperm.xlane v3, v2;
	_ =	sdelay $0x1  }
0x5f: {  	s1 =	rddreg [dreg:$0x11];
	v3 =	vadd.s32 v1, v3  }
0x60: {  	[tilespmem:s1], [sflag:$0x1] =	stream.indirect_vreg.gather [hbm4b:s3+s2], $0x80, v4, vm0, $0xb8;
	[tilespmem:$0x14180] =	vst v63  }
0x61: {  	s5 =	rddreg [dreg:$0x12]  }
0x62: {  	[tilespmem:s5], [sflag:$0x1] =	stream.indirect_vreg.gather [hbm4b:s4+s2], $0x80, v4, vm1, $0xb8;
	[tilespmem:$0x14180] =	vst v63  }
0x63: {  	s1 =	rddreg [dreg:$0x13]  }
0x64: {  	[tilespmem:s1], [sflag:$0x1] =	stream.indirect_vreg.gather [hbm4b:s3+s2], $0x80, v3, vm0, $0xb8;
	[tilespmem:$0x14180] =	vst v63  }
0x65: {  	s5 =	rddreg [dreg:$0x14]  }
0x66: {  	[tilespmem:s5], [sflag:$0x1] =	stream.indirect_vreg.gather [hbm4b:s4+s2], $0x80, v3, vm1, $0xb8;
	[tilespmem:$0x14180] =	vst v63  }
0x67: {  	v3 =	vld [tilespmem:$0x40];
	_ =	sdelay $0x4  }
0x68: {  	v60 =	vshrl.u32 v3, $0x3  }
0x69: {  	v4 =	vmul.u32 $0x18, v60  }
0x6a: {  	v3 =	vand.u32 $0x7, v3  }
0x6b: {  	v3 =	vor.u32 v3, v4  }
0x6c: {  	v4 =	vperm.xlane v3, v0;
	_ =	sdelay $0x1  }
0x6d: {  	v4 =	vadd.s32 v1, v4;
	_ =	sdelay $0x1  }
0x6e: {  	v3 =	vperm.xlane v3, v2;
	_ =	sdelay $0x1  }
0x6f: {  	s1 =	rddreg [dreg:$0x15];
	v3 =	vadd.s32 v1, v3  }
0x70: {  	[tilespmem:s1], [sflag:$0x1] =	stream.indirect_vreg.gather [hbm4b:s3+s2], $0x80, v4, vm0, $0xb8;
	[tilespmem:$0x14180] =	vst v63  }
0x71: {  	s5 =	rddreg [dreg:$0x16]  }
0x72: {  	[tilespmem:s5], [sflag:$0x1] =	stream.indirect_vreg.gather [hbm4b:s4+s2], $0x80, v4, vm1, $0xb8;
	[tilespmem:$0x14180] =	vst v63  }
0x73: {  	s1 =	rddreg [dreg:$0x17]  }
0x74: {  	[tilespmem:s1], [sflag:$0x1] =	stream.indirect_vreg.gather [hbm4b:s3+s2], $0x80, v3, vm0, $0xb8;
	[tilespmem:$0x14180] =	vst v63  }
0x75: {  	_ = 	snop  }
0x76: {  	[tilespmem:s12], [sflag:$0x1] =	stream.indirect_vreg.gather [hbm4b:s4+s2], $0x80, v3, vm1, $0xb8;
	[tilespmem:$0x14180] =	vst v63  }
0x77: {  	v3 =	vld [tilespmem:$0x50];
	_ =	sdelay $0x4  }
0x78: {  	v61 =	vshrl.u32 v3, $0x3  }
0x79: {  	v4 =	vmul.u32 $0x18, v61  }
0x7a: {  	v3 =	vand.u32 $0x7, v3  }
0x7b: {  	v3 =	vor.u32 v3, v4  }
0x7c: {  	v4 =	vperm.xlane v3, v0;
	_ =	sdelay $0x1  }
0x7d: {  	v4 =	vadd.s32 v1, v4;
	_ =	sdelay $0x1  }
0x7e: {  	v3 =	vperm.xlane v3, v2;
	_ =	sdelay $0x1  }
0x7f: {  	v3 =	vadd.s32 v1, v3  }
0x80: {  	[tilespmem:s13], [sflag:$0x1] =	stream.indirect_vreg.gather [hbm4b:s3+s2], $0x80, v4, vm0, $0xb8;
	[tilespmem:$0x14180] =	vst v63  }
0x81: {  	_ = 	snop  }
0x82: {  	[tilespmem:s14], [sflag:$0x1] =	stream.indirect_vreg.gather [hbm4b:s4+s2], $0x80, v4, vm1, $0xb8;
	[tilespmem:$0x14180] =	vst v63  }
0x83: {  	_ = 	snop  }
0x84: {  	[tilespmem:s15], [sflag:$0x1] =	stream.indirect_vreg.gather [hbm4b:s3+s2], $0x80, v3, vm0, $0xb8;
	[tilespmem:$0x14180] =	vst v63  }
0x85: {  	_ = 	snop  }
0x86: {  	[tilespmem:s16], [sflag:$0x1] =	stream.indirect_vreg.gather [hbm4b:s4+s2], $0x80, v3, vm1, $0xb8;
	[tilespmem:$0x14180] =	vst v63  }
0x87: {  	v3 =	vld [tilespmem:$0x60];
	_ =	sdelay $0x4  }
0x88: {  	v62 =	vshrl.u32 v3, $0x3  }
0x89: {  	v4 =	vmul.u32 $0x18, v62  }
0x8a: {  	v3 =	vand.u32 $0x7, v3  }
0x8b: {  	v3 =	vor.u32 v3, v4  }
0x8c: {  	v4 =	vperm.xlane v3, v0;
	_ =	sdelay $0x1  }
0x8d: {  	v4 =	vadd.s32 v1, v4;
	_ =	sdelay $0x1  }
0x8e: {  	v3 =	vperm.xlane v3, v2;
	_ =	sdelay $0x1  }
0x8f: {  	v3 =	vadd.s32 v1, v3  }
0x90: {  	[tilespmem:s17], [sflag:$0x1] =	stream.indirect_vreg.gather [hbm4b:s3+s2], $0x80, v4, vm0, $0xb8;
	[tilespmem:$0x14180] =	vst v63  }
0x91: {  	_ = 	snop  }
0x92: {  	[tilespmem:s18], [sflag:$0x1] =	stream.indirect_vreg.gather [hbm4b:s4+s2], $0x80, v4, vm1, $0xb8;
	[tilespmem:$0x14180] =	vst v63  }
0x93: {  	_ = 	snop  }
0x94: {  	[tilespmem:s19], [sflag:$0x1] =	stream.indirect_vreg.gather [hbm4b:s3+s2], $0x80, v3, vm0, $0xb8;
	[tilespmem:$0x14180] =	vst v63  }
0x95: {  	_ = 	snop  }
0x96: {  	[tilespmem:s20], [sflag:$0x1] =	stream.indirect_vreg.gather [hbm4b:s4+s2], $0x80, v3, vm1, $0xb8;
	[tilespmem:$0x14180] =	vst v63  }
0x97: {  	v3 =	vld [tilespmem:$0x70];
	_ =	sdelay $0x4  }
0x98: {  	v63 =	vshrl.u32 v3, $0x3  }
0x99: {  	v4 =	vmul.u32 $0x18, v63  }
0x9a: {  	v3 =	vand.u32 $0x7, v3  }
0x9b: {  	v3 =	vor.u32 v3, v4  }
0x9c: {  	v4 =	vperm.xlane v3, v0;
	_ =	sdelay $0x1  }
0x9d: {  	v4 =	vadd.s32 v1, v4;
	_ =	sdelay $0x1  }
0x9e: {  	v3 =	vperm.xlane v3, v2;
	_ =	sdelay $0x1  }
0x9f: {  	v3 =	vadd.s32 v1, v3  }
0xa0: {  	[tilespmem:s21], [sflag:$0x1] =	stream.indirect_vreg.gather [hbm4b:s3+s2], $0x80, v4, vm0, $0xb8;
	[tilespmem:$0x14180] =	vst v63  }
0xa1: {  	_ = 	snop  }
0xa2: {  	[tilespmem:s22], [sflag:$0x1] =	stream.indirect_vreg.gather [hbm4b:s4+s2], $0x80, v4, vm1, $0xb8;
	[tilespmem:$0x14180] =	vst v63  }
0xa3: {  	_ = 	snop  }
0xa4: {  	[tilespmem:s23], [sflag:$0x1] =	stream.indirect_vreg.gather [hbm4b:s3+s2], $0x80, v3, vm0, $0xb8;
	[tilespmem:$0x14180] =	vst v63  }
0xa5: {  	_ = 	snop  }
0xa6: {  	[tilespmem:s24], [sflag:$0x1] =	stream.indirect_vreg.gather [hbm4b:s4+s2], $0x80, v3, vm1, $0xb8;
	[tilespmem:$0x14180] =	vst v63  }
0xa7: {  	s5 =	rddreg [dreg:$0x3]  }
0xa8: {  	[tilespmem:s26], [sflag:$0x1] =	stream.indirect.gather [hbm4b:s5+s9], $0x80, s25, s9, $0xb8;
	[tilespmem:$0x14180] =	vst v63  }
0xa9: {  	_ =	swait.ge [sflag:s28], $0x4000  }
0xaa: {  	[sflag:s28] =	ssyncset.done $0x0  }
0xab: {  	[sflag:s28] =	ssyncadd.s32 $0xFFFFC000  }
0xac: {  	_ =	swait.ge [sflag:s28], $0xC000  }
0xad: {  	[sflag:s28] =	ssyncset.done $0x0  }
0xae: {  	[sflag:s28] =	ssyncadd.s32 $0xFFFF4000  }
0xaf: {  	_ =	swait.ge [sflag:s28], $0x4000  }
0xb0: {  	s5 =	rddreg [dreg:$0x4];
	[sflag:s28] =	ssyncset.done $0x0  }
0xb1: {  	[sflag:s28] =	ssyncadd.s32 $0xFFFFC000;
	s1 =	sadd.s32 s0, s5  }
0xb2: {  	[hbm4b:s1+s2] =	stream.linear.scatter [tilespmem:s10], [sflag:$0x2], $0x4000, $0x38;
	[tilespmem:$0x14180] =	vst v63  }
0xb3: {  	_ =	swait.ge [sflag:s8], $0x4000  }
0xb4: {  	[sflag:s8] =	ssyncset.done $0x0  }
0xb5: {  	[sflag:s8] =	ssyncadd.s32 $0xFFFFC000  }
0xb6: {  	[hbm4b:s30+s2] =	stream.linear.scatter [tilespmem:s11], [sflag:$0x2], $0xC000, $0x38;
	[tilespmem:$0x14180] =	vst v63  }
0xb7: {  	_ =	swait.ge [sflag:s8], $0xC000  }
0xb8: {  	p0 =	sne.s32 s0, $0x18000;
	s5 =	rddreg [dreg:$0x5];
	[sflag:s8] =	ssyncset.done $0x0  }
.Ltmp0:
0xb9: {  	[sflag:s8] =	ssyncadd.s32 $0xFFFF4000;
	s1 =	sadd.s32 s0, s5;
	(pc) =	sbr.rel @p0 .LBB2_2-.Ltmp0, $4  }
0xba: {  	[hbm4b:s1+s2] =	stream.linear.scatter [tilespmem:s26], [sflag:$0x2], $0x4000, $0x38;
	[tilespmem:$0x14180] =	vst v63  }
0xbb: {  	_ =	swait.ge [sflag:s8], $0x4000  }
0xbc: {  	s31 =	sadd.s32 $0x30, s31;
	[sflag:s8] =	ssyncset.done $0x0  }
0xbd: {  	s30 =	sadd.s32 $0x1800, s30;
	s0 =	sadd.s32 $0x800, s0;
	[sflag:s8] =	ssyncadd.s32 $0xFFFFC000  }
0xbe: {  	s29 =	sadd.s32 $0x1, s29;
	s0 =	rddreg [dreg:$0x18]  }
0xbf: {  	p0 =	sne.s32 s29, s0  }
.Ltmp1:
0xc0: {  	_ = 	snop;
	(pc) =	sbr.rel @p0 .LBB2_1-.Ltmp1, $1  }
0xc1: {  	_ =	sdelay $0x3  }
0xc2: {  	_ =	sfence.sel $0x180000  }
0xc3: {  	[bflag:$0x0] =	sbarrier.arrive $0xFFFF  }
0xc4: {  	_ =	strace $0x9000004A  }
0xc5: {  	s0 =	stileid.u32;
	[bflag:$0x2] =	sbarrier.arrive $0xFFFF  }
0xc6: {  	p0 =	sne.s32 s0, $0x0;
	s0 =	rddreg [dreg:$0x1]  }
0xc7: {  	s0 =	sadd.s32 @!p0 $0x100000, s0  }
0xc8: {  	[sflag:s0] =	ssyncadd.tile.s32 @!p0 $0x1;
	_ =	shalt  }
.Lfunc_end2:
_tile_overlayer_lowered:
.L_overlay_start_2:
0xc9: {  	(tag) =	ssettag $0x2  }
0xca: {  	s0 =	rddreg [dreg:$0x0];
	s2 =	stileid.u32  }
0xcb: {  	s1 =	rddreg [dreg:$0x1];
	p0 =	sne.s32 s2, $0x0  }
0xcc: {  	s3 =	rddreg [dreg:$0x2];
	[bflag:$0x3] =	sbarrier.arrive $0xFFFF;
	s2 =	simm.s32 @!p0 $0x1C02  }
0xcd: {  	[timem:s3], [sflag:s2] =	dma.local @!p0 [hbm:s0], s1  }
0xce: {  	s0 =	simm.s32 @!p0 $0x2  }
0xcf: {  	_ =	swait.ge @!p0 [sflag:s0], s1  }
0xd0: {  	s1 =	ssub.s32 @!p0 $0x0, s1;
	[sflag:s0] =	ssyncset.done @!p0 $0x0  }
0xd1: {  	[sflag:s0] =	ssyncadd.s32 @!p0 s1  }
0xd2: {  	[bflag:$0x3] =	sbarrier.arrive $0xFFFF  }
0xd3: {  	_ =	shalt  }

// kernel: sparse-core-data-format-call.cloned.1.call-start
scs
called_computation_lowered:
.L_overlay_start_0:
0x0: {  	s1 =	sld [smem:$0x3FD9]  }
0x1: {  	s2 =	sld [smem:$0x3FFE];
	_ =	sdelay $0x1  }
0x2: {  	s3 =	srdreg.scid  }
0x3: {  	s0 =	sand.u32 $0x1, s3  }
0x4: {  	s17 =	sshll.u32 s0, $0xA;
	s1 =	sadd.s32 s2, s1  }
0x5: {  	s1 =	sadd.s32 s1, s17  }
0x6: {  	[smem:$0x3FAF] =	sst s1  }
0x7: {  	_ = 	snop  }
0x8: {  	(tm) =	ssettm $0x1  }
0x9: {  	s18 =	sld [smem:$0x3FFB];
	_ =	sdelay $0x3  }
0xa: {  	_ =	strace s18  }
0xb: {  	s1 =	sld [smem:$0x3FFC];
	_ =	sdelay $0x3  }
0xc: {  	_ =	strace s1  }
0xd: {  	s1 =	sld [smem:$0x3FFD];
	_ =	sdelay $0x3  }
0xe: {  	_ =	strace s1  }
0xf: {  	_ =	strace $0x8FFFFFFF  }
0x10: {  	s19 =	sld [smem:$0x3FDB];
	_ =	sdelay $0x1  }
0x11: {  	s20 =	simm.s32 $_scs_section_size  }
0x12: {  	s4 =	simm.s32 $_size__tile_overlayer_lowered;
	s5 =	simm.s32 $_tile_overlayer_lowered  }
0x13: {  	s23 =	simm.s32 $0x1BFF;
	s22 =	sshll.u32 s5, $0x1;
	s1 =	sadd.s32 s20, s19  }
0x14: {  	s6 =	simm.s32 $0x0;
	s21 =	sshll.u32 s4, $0x1;
	s4 =	sadd.s32 s22, s1  }
0x15: {  	[timem:s6], [sflag:s23] =	dma.local [hbm:s4], s21  }
0x16: {  	_ =	swait.ge [sflag:s23], s21  }
0x17: {  	s2 =	ssub.s32 $0x0, s21;
	[sflag:s23] =	ssyncset.done $0x0  }
0x18: {  	[sflag:s23] =	ssyncadd.s32 s2;
	_ =	sdelay $0x1  }
0x19: {  	s24 =	simm.s32 $0x1B8B  }
0x1a: {  	_ =	swait.ge [sflag:s24], $0x1  }
0x1b: {  	[sflag:s24] =	ssyncset.done $0x0  }
0x1c: {  	s26 =	simm.s32 $0x1B8E;
	s25 =	sld [smem:$0x3FFE];
	[sflag:s24] =	ssyncadd.s32 $0xFFFFFFFF  }
0x1d: {  	s27 =	simm.s32 $execute0_lowered;
	[smem:$0x3FD2] =	sst s26  }
0x1e: {  	s4 =	sshll.u32 s27, $0x1;
	_ =	strace $0x80000046;
	[dreg:$0x1] =	wrdreg $0xFFFFFFFF  }
0x1f: {  	s28 =	simm.s32 $_size_execute0_lowered;
	s1 =	sadd.s32 s1, s4;
	[dreg:$0x0] =	wrdreg $0x0  }
0x20: {  	s4 =	sshll.u32 s28, $0x1;
	[dreg:$0x2] =	wrdreg s1  }
0x21: {  	[dreg:$0x3] =	wrdreg s4  }
0x22: {  	[dreg:$0x4] =	wrdreg $0xC0  }
0x23: {  	_ =	task [dreg:s6], $0x5FFFF  }
0x24: {  	[dreg:$0x1] =	wrdreg $0xFFFFFFFF  }
0x25: {  	[dreg:$0x0] =	wrdreg $0x60  }
0x26: {  	[dreg:$0x2] =	wrdreg s25  }
0x27: {  	[dreg:$0x3] =	wrdreg $0x9  }
0x28: {  	_ =	task.clear_ibuf [dreg:s6], $0x4FFFF;
	_ =	strace $0x90000046  }
0x29: {  	s29 =	simm.s32 $0x9;
	_ =	strace $0x80000048  }
0x2a: {  	_ =	swait.ge [sflag:s29], $0x1  }
0x2b: {  	[sflag:s29] =	ssyncadd.s32 $0xFFFFFFFF  }
0x2c: {  	_ =	strace $0x90000048  }
0x2d: {  	_ =	sfence  }
0x2e: {  	s30 =	sld [smem:$0x0];
	_ =	sdelay $0x2  }
0x2f: {  	s31 =	sshll.u32 s3, $0xD;
	s3 =	sshrl.u32 s3, $0x2  }
0x30: {  	s2 =	sand.u32 $0x4000, s31;
	s1 =	sadd.s32 s3, s30  }
0x31: {  	s0 =	sor.u32 s2, s0;
	s1 =	sshll.u32 s1, $0x11  }
0x32: {  	s0 =	sor.u32 s1, s0  }
0x33: {  	s0 =	sadd.s32 $0x8F2B, s0  }
0x34: {  	[sflag:s0] =	ssyncadd.remote.s32 $0x1  }
0x35: {  	_ =	sfence.sel $0xFFFF  }
0x36: {  	[dreg:$0x0] =	wrdreg $0xFFFFFFFF;
	(pc) =	sbr.abs _section_cstart, $3  }
0x37: {  	[dreg:$0x1] =	wrdreg $0xFFFFFFFF  }
0x38: {  	_ =	task.clear_ibuf [dreg:s6], $0x2FFFF;
	_ =	strace $0x9FFFFFFF  }
0x39: {  	(tm) =	ssettm $0x7FFFFFFF  }
tec
execute0_lowered:
.L_overlay_start_1:
0x0: {  	(tag) =	ssettag $0x1  }
0x1: {  	s0 =	srdreg.scid  }
0x2: {  	s5 =	rddreg [dreg:$0x0];
	s1 =	stileid.u32;
	s4 =	simm.s32 $0x1  }
0x3: {  	s6 =	simm.s32 $0x2;
	s15 =	simm.s32 $0x0;
	p0 =	por $0x0, $0x0  }
0x4: {  	s8 =	simm.s32 $0x80;
	s14 =	simm.s32 $0x0;
	s2 =	sshll.u32 s0, $0x4  }
0x5: {  	s9 =	simm.s32 $0x0;
	s10 =	simm.s32 $0x0;
	s2 =	sand.u32 $0x10, s2  }
.Ltmp0:
0x6: {  	s12 =	simm.s32 $0x0;
	s3 =	sor.u32 s1, s2;
	(pc) =	sbr.rel .LBB1_1-.Ltmp0, $4  }
0x7: {  	s0 =	rddreg [dreg:$0x1];
	_ =	strace $0x80000047;
	s3 =	sshll.u32 s3, $0x7  }
0x8: {  	s13 =	simm.s32 $0x0;
	[sflag:s4] =	ssyncpa.u1 $0x0;
	s7 =	ssub.s32 $0x7A100, s3  }
0x9: {  	s2 =	sadd.s32 $0x5400, s5;
	[sflag:s6] =	ssyncpa.u1 $0x0;
	s6 =	sshrl.u32 s7, $0xC  }
0xa: {  	s5 =	sadd.s32 $0x1EDA00, s5;
	s11 =	smov.u32 s3;
	s7 =	sadd.s32 $0x2, s6  }
.LBB1_5:
0xb: {  	p1 =	slt.u32 s13, $0x2  }
0xc: {  	s17 =	smov.u32 s15;
	p2 =	sgt.s32 @!p1 s15, $0x7A0A0;
	s16 =	sshra.s32 @!p1 s15, $0x1F  }
0xd: {  	p3 =	sgt.s32 @!p1 s14, $0x60;
	s18 =	sshra.s32 @!p1 s14, $0x1F;
	p2 =	por !p2, p1  }
0xe: {  	s15 =	sand.u32 @!p1 s16, s15;
	p3 =	por !p3, p1;
	s16 =	smov.u32 s14  }
0xf: {  	s14 =	sand.u32 @!p1 s18, s14;
	s17 =	simm.s32 @p2 $0x7A0A0;
	s16 =	simm.s32 @p3 $0x60  }
0x10: {  	s15 =	ssub.s32 @!p1 s17, s15;
	s14 =	ssub.s32 @!p1 s16, s14  }
0x11: {  	s18 =	smov.u32 s12;
	s16 =	sadd.s32 @!p1 $0xFFF85F60, s15;
	s17 =	sadd.s32 @!p1 $0xFFFFFFA0, s14  }
0x12: {  	s15 =	ssub.s32 @!p1 $0x7A120, s15;
	p2 =	sgt.s32 @!p1 s16, $0x7F;
	p3 =	sgt.s32 @!p1 s17, $0x1F  }
0x13: {  	s14 =	ssub.s32 @!p1 $0x80, s14;
	p2 =	por !p2, p1;
	p3 =	por !p3, p1  }
0x14: {  	s16 =	sadd.s32 $0x1000, s11;
	s15 =	simm.s32 @!p2 $0x0;
	s14 =	simm.s32 @!p3 $0x0  }
0x15: {  	p2 =	sgt.s32 s16, $0x7A11F;
	s14 =	smul.u32 @!p1 s14, s15;
	s15 =	sadd.s32 $0x20, s12  }
0x16: {  	s18 =	smov.u32 @p2 s15  }
0x17: {  	s16 =	smov.u32 @p2 s3;
	p2 =	sgt.s32 s18, $0x1F  }
0x18: {  	s18 =	simm.s32 @p2 $0x0;
	p2 =	sne.s32 s13, s7  }
.Ltmp1:
0x19: {  	p0 =	por !p0, !p0;
	s17 =	simm.s32 @!p1 $0x2;
	(pc) =	sbr.rel @!p2 .LBB1_6-.Ltmp1, $4  }
0x1a: {  	s15 =	smov.u32 s9;
	s9 =	smov.u32 s11;
	s14 =	sand.u32 @!p1 $0x3FFFFFFF, s14  }
0x1b: {  	s11 =	smov.u32 s16;
	_ =	swait.ge @!p1 [sflag:s17], s14;
	s19 =	ssub.s32 @!p1 $0x0, s14  }
0x1c: {  	s14 =	smov.u32 s10;
	s13 =	sadd.s32 $0x1, s13;
	[sflag:s17] =	ssyncset.done @!p1 $0x0  }
0x1d: {  	s10 =	smov.u32 s12;
	s12 =	smov.u32 s18;
	[sflag:s17] =	ssyncadd.s32 @!p1 s19  }
.LBB1_1:
0x1e: {  	p1 =	sgt.u32 s13, s6  }
0x1f: {  	s16 =	sshrl.u32 @!p1 s12, $0x3  }
0x20: {  	s17 =	sshll.u32 @!p1 s11, $0x3;
	s16 =	smul.u32 @!p1 $0x3D0C00, s16  }
0x21: {  	s18 =	sshll.u32 @!p1 s12, $0x7;
	s17 =	sand.u32 @!p1 $0xFFFFFC00, s17  }
0x22: {  	s16 =	sadd.s32 @!p1 s16, s17;
	s17 =	sand.u32 @!p1 $0x380, s18  }
0x23: {  	s16 =	sor.u32 @!p1 s17, s16  }
0x24: {  	s17 =	sshrl.u32 @!p1 s16, $0x7  }
0x25: {  	s17 =	smulhi.u32 @!p1 $0x10C6249, s17;
	_ =	sdelay $0x1  }
0x26: {  	s17 =	sshrl.u32 @!p1 s17, $0x4  }
0x27: {  	s18 =	sand.u32 @!p1 $0x7F, s11;
	s19 =	smul.u32 @!p1 $0x7A180, s17  }
0x28: {  	s16 =	sor.u32 @!p1 s18, s16;
	s18 =	sxor.u32 @!p1 $0xFFFFFFFF, s13  }
0x29: {  	s18 =	sshll.u32 @!p1 s18, $0xC;
	s17 =	sand.u32 @!p1 $0x1F, s17;
	s16 =	ssub.s32 @!p1 s16, s19  }
0x2a: {  	s17 =	smul.u32 @!p1 $0xF430, s17;
	s19 =	sshrl.u32 @!p1 s16, $0x3;
	s16 =	sand.u32 @!p1 $0x7, s16  }
0x2b: {  	s18 =	sand.u32 @!p1 $0x1000, s18;
	s19 =	sadd.s32 @!p1 s2, s19;
	s16 =	sshll.u32 @!p1 s16, $0x12  }
0x2c: {  	s17 =	sadd.s32 @!p1 s17, s19;
	s16 =	sor.u32 @!p1 $0x400, s16;
	s19 =	simm.s32 @!p1 $0x3D0C00  }
0x2d: {  	[tilespmem:s18], [sflag:$0x1] =	stream.strided.gather @!p1 [hbm4b:s17+s16], $0x1000, s19, s16, $0x38;
	[tilespmem:$0x4100] =	vst v63  }
0x2e: {  	p1 =	seq.s32 s13, $0x0  }
0x2f: {  	p2 =	sge.u32 @!p1 s13, s7  }
0x30: {  	p1 =	por p1, p2  }
.Ltmp2:
0x31: {  	_ = 	snop;
	(pc) =	sbr.rel @p1 .LBB1_5-.Ltmp2, $1  }
0x32: {  	_ =	sdelay $0x3  }
0x33: {  	s16 =	simm.s32 $0x1  }
0x34: {  	_ =	swait.ge [sflag:s4], $0x1000;
	s16 =	simm.s32 @!p0 $0x0  }
0x35: {  	[sflag:s4] =	ssyncset.done $0x0;
	s17 =	sshll.u32 s16, $0xC  }
0x36: {  	[sflag:s4] =	ssyncadd.s32 $0xFFFFF000;
	s17 =	sor.u32 $0x40, s17  }
0x37: {  	s16 =	smul.u32 $0x4200, s16;
	v0 =	vld [tilespmem:s17+$0x30]  }
0x38: {  	v1 =	vld [tilespmem:s17+$0xFFFFFFD0]  }
0x39: {  	s16 =	sshrl.u32 s16, $0x2;
	v5 =	vld [tilespmem:s17+$0xFFFFFFE0]  }
0x3a: {  	v6 =	vld [tilespmem:s17+$0xFFFFFFF0];
	s19 =	sor.u32 $0x2000, s16  }
0x3b: {  	s31 =	sand.u32 $0x1, s13;
	v4 =	vld [tilespmem:s17+$0x0];
	s18 =	sadd.s32 $0x0, s19  }
0x3c: {  	v3 =	vld [tilespmem:s17+$0x10];
	s16 =	smul.u32 $0x4200, s31;
	[tilespmem:s18+$0xE70 ss:$0x21] =	vst.msk $0xffff, v0  }
0x3d: {  	v2 =	vld [tilespmem:s17+$0x20];
	[tilespmem:s18+$0x210 ss:$0x21] =	vst.msk $0xffff, v1  }
0x3e: {  	s16 =	sshrl.u32 s16, $0x2;
	v1 =	vld [tilespmem:s17+$0xFFFFFFC0];
	[tilespmem:s18+$0x420 ss:$0x21] =	vst.msk $0xffff, v5;
	s17 =	sadd.s32 $0x80, s17  }
0x3f: {  	s20 =	simm.s32 $0x4;
	s21 =	simm.s32 $0x8;
	s16 =	sor.u32 $0x2000, s16;
	[tilespmem:s18+$0x630 ss:$0x21] =	vst.msk $0xffff, v6;
	v0 =	vld [tilespmem:s17+$0x30]  }
.LBB1_3:
0x40: {  	p1 =	sne.s32 s21, $0x7C;
	v5 =	vld [tilespmem:s17+$0xFFFFFFD0];
	[tilespmem:s18+$0x840 ss:$0x21] =	vst.msk $0xffff, v4  }
0x41: {  	v6 =	vld [tilespmem:s17+$0xFFFFFFE0];
	[tilespmem:s18+$0xA50 ss:$0x21] =	vst.msk $0xffff, v3  }
0x42: {  	s22 =	sshra.s32 s20, $0x2;
	s20 =	smov.u32 s21;
	v7 =	vld [tilespmem:s17+$0xFFFFFFF0];
	[tilespmem:s18+$0xC60 ss:$0x21] =	vst.msk $0xffff, v2  }
.Ltmp3:
0x43: {  	v4 =	vld [tilespmem:s17+$0x0];
	[tilespmem:s18+$0x0 ss:$0x21] =	vst.msk $0xffff, v1;
	s18 =	sadd.s32 s22, s19;
	(pc) =	sbr.rel @p1 .LBB1_3-.Ltmp3, $4  }
0x44: {  	v3 =	vld [tilespmem:s17+$0x10];
	[tilespmem:s18+$0xE70 ss:$0x21] =	vst.msk $0xffff, v0  }
0x45: {  	[tilespmem:s18+$0x210 ss:$0x21] =	vst.msk $0xffff, v5;
	v2 =	vld [tilespmem:s17+$0x20]  }
0x46: {  	v1 =	vld [tilespmem:s17+$0xFFFFFFC0];
	[tilespmem:s18+$0x420 ss:$0x21] =	vst.msk $0xffff, v6;
	s17 =	sadd.s32 $0x80, s17  }
0x47: {  	s21 =	sadd.s32 $0x4, s21;
	v0 =	vld [tilespmem:s17+$0x30];
	[tilespmem:s18+$0x630 ss:$0x21] =	vst.msk $0xffff, v7  }
0x48: {  	s21 =	sshll.u32 s9, $0x7;
	s22 =	sshll.u32 s10, $0x3;
	s20 =	sshra.s32 s20, $0x2  }
0x49: {  	p1 =	sgt.s32 s9, $0x7A0A0;
	s30 =	sshra.s32 s9, $0x1F;
	s25 =	sshra.s32 s10, $0x1F  }
0x4a: {  	v5 =	vld [tilespmem:s17+$0xFFFFFFD0];
	s28 =	sshrl.u32 s10, $0x3;
	s23 =	sand.u32 $0xFFFFFC00, s21;
	s22 =	sand.u32 $0xFFFFFC00, s22  }
0x4b: {  	[tilespmem:s18+$0x840 ss:$0x21] =	vst.msk $0xffff, v4;
	v58 =	vld [tilespmem:s17+$0xFFFFFFE0];
	s21 =	sand.u32 $0x380, s21;
	s19 =	sadd.s32 s20, s19;
	s22 =	sadd.s32 s22, s23  }
0x4c: {  	v59 =	vld [tilespmem:s17+$0xFFFFFFF0];
	[tilespmem:s18+$0xA50 ss:$0x21] =	vst.msk $0xffff, v3;
	s29 =	sor.u32 s21, s22;
	s21 =	smov.u32 s9;
	s22 =	sand.u32 s30, s9  }
0x4d: {  	v60 =	vld [tilespmem:s17+$0x0];
	[tilespmem:s18+$0xC60 ss:$0x21] =	vst.msk $0xffff, v2;
	s30 =	sand.u32 $0x7, s10;
	s20 =	sshrl.u32 s29, $0x7;
	s21 =	simm.s32 @!p1 $0x7A0A0  }
0x4e: {  	v61 =	vld [tilespmem:s17+$0x10];
	[tilespmem:s18+$0x0 ss:$0x21] =	vst.msk $0xffff, v1;
	p1 =	sgt.s32 s10, $0x60;
	s24 =	ssub.s32 s21, s22;
	s21 =	smov.u32 s10  }
0x4f: {  	v62 =	vld [tilespmem:s17+$0x20];
	[tilespmem:s19+$0xE70 ss:$0x21] =	vst.msk $0xffff, v0;
	s31 =	smulhi.u32 $0x218DEF5, s20;
	s22 =	sand.u32 s25, s10;
	s21 =	simm.s32 @!p1 $0x60  }
0x50: {  	v63 =	vld [tilespmem:s17+$0xFFFFFFC0];
	[tilespmem:s19+$0x210 ss:$0x21] =	vst.msk $0xffff, v5;
	s26 =	sadd.s32 $0xFFF85F60, s24;
	s17 =	ssub.s32 $0x7A120, s24;
	s21 =	ssub.s32 s21, s22  }
0x51: {  	[tilespmem:s19+$0x420 ss:$0x21] =	vst.msk $0xffff, v58;
	s23 =	sshrl.u32 s31, $0xC;
	p1 =	sgt.s32 s26, $0x7F;
	s27 =	sadd.s32 $0xFFFFFFA0, s21  }
0x52: {  	[tilespmem:s19+$0x630 ss:$0x21] =	vst.msk $0xffff, v59;
	s23 =	smul.u32 $0x7A120, s23;
	s18 =	ssub.s32 $0x80, s21;
	p2 =	sgt.s32 s27, $0x1F  }
.Ltmp4:
0x53: {  	[tilespmem:s19+$0x840 ss:$0x21] =	vst.msk $0xffff, v60;
	s17 =	simm.s32 @p1 $0x0;
	s18 =	simm.s32 @p2 $0x0;
	(pc) =	sbr.rel .LBB1_5-.Ltmp4, $4  }
0x54: {  	s29 =	sand.u32 $0xF, s28;
	[tilespmem:s19+$0xA50 ss:$0x21] =	vst.msk $0xffff, v61;
	s20 =	ssub.s32 s20, s23;
	s17 =	smul.u32 s18, s17  }
0x55: {  	[tilespmem:s19+$0xC60 ss:$0x21] =	vst.msk $0xffff, v62;
	s21 =	sshll.u32 s30, $0x12;
	s20 =	sshll.u32 s20, $0x4;
	s18 =	sadd.s32 s5, s29  }
0x56: {  	[tilespmem:s19+$0x0 ss:$0x21] =	vst.msk $0xffff, v63;
	s31 =	sor.u32 $0x20, s21;
	s18 =	sadd.s32 s20, s18;
	s17 =	sand.u32 $0x3FFFFFFF, s17  }
0x57: {  	[hbm4b:s18+s31] =	stream.strided.scatter [tilespmem:s16], [sflag:$0x2], s17, s8, s31, $0x10;
	[tilespmem:$0x4100] =	vst v63  }
.LBB1_6:
0x58: {  	_ =	sfence.sel $0x180000  }
0x59: {  	s2 =	simm.s32 $0x1;
	[bflag:$0x0] =	sbarrier.arrive $0xFFFF  }
0x5a: {  	s31 =	simm.s32 $0x2;
	[sflag:s2] =	ssyncpa.u1 $0x1  }
0x5b: {  	[sflag:s31] =	ssyncpa.u1 $0x1  }
0x5c: {  	p0 =	sne.s32 s1, $0x0;
	_ =	strace $0x90000047  }
0x5d: {  	s0 =	sadd.s32 @!p0 $0x100000, s0;
	[bflag:$0x2] =	sbarrier.arrive $0xFFFF  }
0x5e: {  	[sflag:s0] =	ssyncadd.tile.s32 @!p0 $0x1;
	_ =	shalt  }
.Lfunc_end1:
_tile_overlayer_lowered:
.L_overlay_start_2:
0x5f: {  	(tag) =	ssettag $0x2  }
0x60: {  	s0 =	rddreg [dreg:$0x0];
	s2 =	stileid.u32  }
0x61: {  	s1 =	rddreg [dreg:$0x1];
	p0 =	sne.s32 s2, $0x0  }
0x62: {  	s3 =	rddreg [dreg:$0x2];
	[bflag:$0x3] =	sbarrier.arrive $0xFFFF;
	s2 =	simm.s32 @!p0 $0x1C01  }
0x63: {  	[timem:s3], [sflag:s2] =	dma.local @!p0 [hbm:s0], s1  }
0x64: {  	s0 =	simm.s32 @!p0 $0x1  }
0x65: {  	_ =	swait.ge @!p0 [sflag:s0], s1  }
0x66: {  	s1 =	ssub.s32 @!p0 $0x0, s1;
	[sflag:s0] =	ssyncset.done @!p0 $0x0  }
0x67: {  	[sflag:s0] =	ssyncadd.s32 @!p0 s1  }
0x68: {  	[bflag:$0x3] =	sbarrier.arrive $0xFFFF  }
0x69: {  	_ =	shalt  }

</sc_bundles>
